<compile_context>
chip_gen: v7x
topology: tpu7x:2x2x1
jax: 0.10.2.dev20260603
libtpu: 0.0.44.dev20260713+nightly
codegen_flags: <defaults>
</compile_context>

<pallas_src>
import functools

import jax
import jax.numpy as jnp
from jax import lax
from jax.experimental import pallas as pl
from jax.experimental.pallas import tpu as pltpu
from jax.experimental.pallas import tpu_sc as plsc

_B = 8192
_EMBED = 768
_PDIM = 256
_SIZE = 64
_K = 8
_BLK = 2048
_CH = 32


def _tc_body(qn_ref, keysn_ref, wout_ref, idx_ref, loss_ref, p_ref):
    i = pl.program_id(0)
    qn = qn_ref[...]
    keysn = keysn_ref[...]

    sim = lax.dot_general(qn, keysn,
                          dimension_numbers=(((1,), (1,)), ((), ())),
                          preferred_element_type=jnp.float32)

    colid = lax.broadcasted_iota(jnp.int32, (_BLK, _SIZE), 1)
    work = sim
    mask = jnp.zeros((_BLK, _SIZE), jnp.bool_)
    idx_cols = []
    for _ in range(_K):
        m = jnp.max(work, axis=1, keepdims=True)
        cand = jnp.where(work == m, colid, _SIZE)
        sel = jnp.min(cand, axis=1, keepdims=True)
        onehot = colid == sel
        idx_cols.append(sel)
        mask = jnp.logical_or(mask, onehot)
        work = jnp.where(onehot, -jnp.inf, work)
    idx_ref[...] = jnp.concatenate(idx_cols, axis=1)

    recon = lax.dot_general(jnp.where(mask, sim, 0.0), keysn,
                            dimension_numbers=(((1,), (0,)), ((), ())),
                            preferred_element_type=jnp.float32)
    d = recon - qn
    diff_part = jnp.sum(d * d) * (1.0 / _B)

    @pl.when(i == 0)
    def _():
        g = lax.dot_general(keysn, keysn,
                            dimension_numbers=(((1,), (1,)), ((), ())),
                            preferred_element_type=jnp.float32)
        r = lax.broadcasted_iota(jnp.int32, (_SIZE, _SIZE), 0)
        c = lax.broadcasted_iota(jnp.int32, (_SIZE, _SIZE), 1)
        eye = (r == c).astype(jnp.float32)
        loss_ref[0, 0] = jnp.sum(jnp.abs(g - eye)) * (1.0 / _B)
        p_ref[...] = lax.dot_general(keysn, wout_ref[...],
                                     dimension_numbers=(((1,), (1,)), ((), ())),
                                     preferred_element_type=jnp.float32)

    loss_ref[0, 0] += diff_part


def _tc_stage(qn, keysn, w_out):
    grid = _B // _BLK
    return pl.pallas_call(
        _tc_body,
        grid=(grid,),
        in_specs=[
            pl.BlockSpec((_BLK, _PDIM), lambda i: (i, 0)),
            pl.BlockSpec((_SIZE, _PDIM), lambda i: (0, 0)),
            pl.BlockSpec((_EMBED, _PDIM), lambda i: (0, 0)),
        ],
        out_specs=[
            pl.BlockSpec((_BLK, _K), lambda i: (i, 0)),
            pl.BlockSpec((1, 1), lambda i: (0, 0),
                         memory_space=pltpu.MemorySpace.SMEM),
            pl.BlockSpec((_SIZE, _EMBED), lambda i: (0, 0)),
        ],
        out_shape=[
            jax.ShapeDtypeStruct((_B, _K), jnp.int32),
            jax.ShapeDtypeStruct((1, 1), jnp.float32),
            jax.ShapeDtypeStruct((_SIZE, _EMBED), jnp.float32),
        ],
    )(qn, keysn, w_out)


_NW = 32
_ROWS = _B * _K
_RPW = _ROWS // _NW
_NCH = _RPW // _CH
_CG = _EMBED // 16


def _sc_gather(p_flat, idx_flat):
    mesh = plsc.VectorSubcoreMesh(core_axis_name="c", subcore_axis_name="s")

    @functools.partial(
        pl.kernel,
        out_type=jax.ShapeDtypeStruct((_ROWS, _EMBED), jnp.float32),
        mesh=mesh,
        compiler_params=pltpu.CompilerParams(needs_layout_passes=False),
        scratch_types=[
            pltpu.VMEM((_SIZE * _EMBED,), jnp.float32),
            pltpu.VMEM((_RPW,), jnp.int32),
            pltpu.VMEM((_CH, _EMBED), jnp.float32),
            pltpu.VMEM((_CH, _EMBED), jnp.float32),
            pltpu.SemaphoreType.DMA,
            pltpu.SemaphoreType.DMA,
        ],
    )
    def k(table_hbm, idx_hbm, out_hbm, table_v, idx_v, buf0, buf1,
          ssem0, ssem1):
        wid = lax.axis_index("s") * 2 + lax.axis_index("c")
        base = wid * _RPW
        bufs = (buf0, buf1)
        ssem = (ssem0, ssem1)
        pltpu.sync_copy(table_hbm, table_v)
        pltpu.sync_copy(idx_hbm.at[pl.ds(base, _RPW)], idx_v)
        lanes = lax.broadcasted_iota(jnp.int32, (16,), 0)

        def assemble(buf, ch):
            def row_body(p, carry):
                rid = plsc.load_gather(idx_v, [lanes * 0 + (ch * _CH + p)])
                rbase = rid * _EMBED + lanes
                for g in range(_CG // 8):
                    vs = [plsc.load_gather(table_v, [rbase + (g * 8 + u) * 16])
                          for u in range(8)]
                    for u in range(8):
                        buf[p, pl.ds((g * 8 + u) * 16, 16)] = vs[u]
                return carry
            lax.fori_loop(0, _CH, row_body, 0)

        def store(b, ch):
            return pltpu.make_async_copy(
                bufs[b],
                out_hbm.at[pl.ds(base + ch * _CH, _CH)],
                ssem[b])

        for b in range(2):
            assemble(bufs[b], b)
            store(b, b).start()

        def pair_body(i, carry):
            for b in range(2):
                ch = i * 2 + b
                store(b, ch - 2).wait()
                assemble(bufs[b], ch)
                store(b, ch).start()
            return carry
        lax.fori_loop(1, _NCH // 2, pair_body, 0)

        for ch in (_NCH - 2, _NCH - 1):
            store(ch % 2, ch).wait()

    return k(p_flat, idx_flat)


def _l2n(x, axis):
    n = jnp.linalg.norm(x, ord=2, axis=axis, keepdims=True)
    return x / jnp.maximum(n, 1e-12)


def kernel(query, W_in, prompt_values, W_out):
    q = jax.lax.stop_gradient(query)
    q = jnp.einsum('bie,pe->bip', q, W_in)
    qn = _l2n(q[:, 0, :], axis=1)
    keysn = _l2n(prompt_values.mean(axis=1), axis=1)
    idx, loss, p_table = _tc_stage(qn, keysn, W_out)
    rows = _sc_gather(p_table.reshape(_SIZE * _EMBED), idx.reshape(_ROWS))
    prompts_out = rows.reshape(_B, _K, _EMBED)
    return prompts_out, loss.reshape(1)

# --- scband reference (transcript-rebuilt; emitter-appended) ---
"""Pipeline reference for scband-visual-prompt-learner-44332652430100 (READ-ONLY COPY).

The authoritative reference and input builder live on the scoring server;
editing this copy changes nothing except your own understanding.
"""

import jax, jax.numpy as jnp
import numpy as np

B = 8192
EMBED = 768
PDIM = 256
SIZE = 64
K = 8


def _l2norm(x, axis):
    n = jnp.linalg.norm(x, ord=2, axis=axis, keepdims=True)
    return x / jnp.maximum(n, 1e-12)


def setup_inputs(seed: int = 0) -> dict:
    key = jax.random.key(seed)
    k1, k2, k3, k4 = jax.random.split(key, 4)
    query = jax.random.normal(k1, (B, 1, EMBED), dtype=jnp.float32)
    # prompt_inproj: nn.Linear(embed_dim, prompt_dim, bias=False), weight shape [out, in]
    lim_in = 1.0 / np.sqrt(EMBED)
    W_in = jax.random.uniform(k2, (PDIM, EMBED), minval=-lim_in, maxval=lim_in, dtype=jnp.float32)
    # PromptBasisLearner.prompt_values ~ U(-1, 1), shape [size, 1, prompt_dim]
    prompt_values = jax.random.uniform(k3, (SIZE, 1, PDIM), minval=-1.0, maxval=1.0, dtype=jnp.float32)
    # prompt_outproj: nn.Linear(prompt_dim, embed_dim, bias=False), kaiming_normal fan_out
    std_out = np.sqrt(2.0 / EMBED)
    W_out = (jax.random.normal(k4, (EMBED, PDIM), dtype=jnp.float32) * std_out).astype(jnp.float32)
    return {"query": query, "W_in": W_in, "prompt_values": prompt_values, "W_out": W_out}


def reference(query, W_in, prompt_values, W_out):
    # VisualPromptLearner.forward (layer=0, istrain=False, gamma=1.0, use_basis=True, split_st=False)
    q = jax.lax.stop_gradient(query)  # query.detach()
    q = jnp.einsum('bie,pe->bip', q, W_in)  # prompt_inproj, [B,1,PDIM]
    bz = q.shape[0]
    # --- PromptBasisLearner.forward(query=q, k=K, istrain=False) ---
    qn = _l2norm(q[:, 0, :], axis=1)                      # [B, PDIM]
    keys = _l2norm(prompt_values.mean(axis=1), axis=1)    # [SIZE, PDIM]
    similarity = qn @ keys.T                              # [B, SIZE]
    # eval path: idx = argsort descending [:, :k]  == top_k indices
    sel_sim, idx = jax.lax.top_k(similarity, K)           # [B, K], [B, K]
    prompts = prompt_values[idx.reshape(-1)].reshape(bz, K, PDIM)
    prompts = _l2norm(prompts, axis=-1)
    sel_key = keys[idx.reshape(-1)].reshape(bz, K, PDIM)
    recon = jnp.einsum('bk,bkp->bp', sel_sim, sel_key)    # (sel_sim.unsqueeze(1) @ sel_key).squeeze(1)
    diff = jnp.sum((recon - jax.lax.stop_gradient(qn)) ** 2) / bz
    ksim = jnp.sum(jnp.abs(keys @ keys.T - jnp.eye(SIZE, dtype=keys.dtype))) / bz
    ps_loss = jnp.zeros((1,), dtype=jnp.float32) + diff + ksim
    # --- back in VisualPromptLearner: outproj + dropout(eval=identity) ---
    prompts_out = jnp.einsum('bkp,ep->bke', prompts, W_out)  # [B, K, EMBED]
    return prompts_out, ps_loss

if __name__ == "__main__":
    import jax
    _d = setup_inputs()
    print(jax.jit(kernel)(*tuple(_d.values())))

</pallas_src>

<mosaic_0001>
#map = affine_map<(d0, d1) -> (0)>
#map1 = affine_map<(d0, d1) -> (0, 0)>
module attributes {stable_mosaic.version = 14 : i64} {
  func.func @k(%arg0: i32, %arg1: i32, %arg2: memref<49152xf32, #tpu.memory_space<hbm>>, %arg3: memref<65536xi32, #tpu.memory_space<hbm>>, %arg4: memref<65536x768xf32, #tpu.memory_space<hbm>>, %arg5: memref<49152xf32, #tpu.memory_space<vmem>>, %arg6: memref<2048xi32, #tpu.memory_space<vmem>>, %arg7: memref<32x768xf32, #tpu.memory_space<vmem>>, %arg8: memref<32x768xf32, #tpu.memory_space<vmem>>, %arg9: memref<!tpu.dma_semaphore, #tpu.memory_space<semaphore_mem>>, %arg10: memref<!tpu.dma_semaphore, #tpu.memory_space<semaphore_mem>>) attributes {dimension_semantics = [#tpu.dimension_semantics<core_parallel>, #tpu.dimension_semantics<subcore_parallel>], iteration_bounds = array<i64: 2, 16>, scalar_prefetch = 0 : i64, scratch_operands = 6 : i64, tpu.core_type = #tpu.core_type<sc_vector_subcore>, window_params = [{transform_indices = #map}, {transform_indices = #map}, {transform_indices = #map1}]} {
    %mul3A = arith.constant 2 : i32
    %mul3A_0 = arith.muli %arg1, %mul3A : i32
    %add3A = arith.addi %mul3A_0, %arg0 : i32
    %mul3A_1 = arith.constant 2048 : i32
    %mul3A_2 = arith.muli %add3A, %mul3A_1 : i32
    "tpu.region"() ({
      %run_scoped3A = tpu.sem_alloc : memref<!tpu.dma_semaphore, #tpu.memory_space<semaphore_mem>>
      tpu.enqueue_dma source(%arg2 : memref<49152xf32, #tpu.memory_space<hbm>>) target(%arg5 : memref<49152xf32, #tpu.memory_space<vmem>>) target_semaphore(%run_scoped3A : memref<!tpu.dma_semaphore, #tpu.memory_space<semaphore_mem>>)
      tpu.wait_dma2 semaphore(%run_scoped3A : memref<!tpu.dma_semaphore, #tpu.memory_space<semaphore_mem>>) src(%arg2 : memref<49152xf32, #tpu.memory_space<hbm>>) dst(%arg5 : memref<49152xf32, #tpu.memory_space<vmem>>)
      tpu.yield
    }) : () -> ()
    "tpu.region"() ({
      %run_scoped3A = tpu.sem_alloc : memref<!tpu.dma_semaphore, #tpu.memory_space<semaphore_mem>>
      %dma_start3A_42 = tpu.memref_slice %arg3[%mul3A_2] : memref<65536xi32, #tpu.memory_space<hbm>> -> memref<2048xi32, #tpu.memory_space<hbm>>
      %dma_start3A_43 = tpu.memref_slice %arg3[%mul3A_2] : memref<65536xi32, #tpu.memory_space<hbm>> -> memref<2048xi32, #tpu.memory_space<hbm>>
      tpu.enqueue_dma source(%dma_start3A_43 : memref<2048xi32, #tpu.memory_space<hbm>>) target(%arg6 : memref<2048xi32, #tpu.memory_space<vmem>>) target_semaphore(%run_scoped3A : memref<!tpu.dma_semaphore, #tpu.memory_space<semaphore_mem>>)
      %dma_wait3A_44 = tpu.memref_slice %arg3[%mul3A_2] : memref<65536xi32, #tpu.memory_space<hbm>> -> memref<2048xi32, #tpu.memory_space<hbm>>
      %dma_wait3A_45 = tpu.memref_slice %arg3[%mul3A_2] : memref<65536xi32, #tpu.memory_space<hbm>> -> memref<2048xi32, #tpu.memory_space<hbm>>
      tpu.wait_dma2 semaphore(%run_scoped3A : memref<!tpu.dma_semaphore, #tpu.memory_space<semaphore_mem>>) src(%dma_wait3A_45 : memref<2048xi32, #tpu.memory_space<hbm>>) dst(%arg6 : memref<2048xi32, #tpu.memory_space<vmem>>)
      tpu.yield
    }) : () -> ()
    %iota3A = tpu.iota {dimensions = array<i32: 0>} : vector<16xi32>
    %scan3A = arith.constant 0 : i32
    %scan3A_3 = arith.constant 0 : i32
    %scan3A_4 = arith.constant 32 : i32
    %scan3A_5 = arith.addi %scan3A_3, %scan3A_4 : i32
    %scan3A_6 = arith.constant 1 : i32
    scf.for %scan3A_42 = %scan3A_3 to %scan3A_5 step %scan3A_6  : i32 {
      %mul3A_43 = arith.constant 0 : i32
      %mul3A_44 = vector.broadcast %mul3A_43 : i32 to vector<16xi32>
      %mul3A_45 = arith.muli %iota3A, %mul3A_44 : vector<16xi32>
      %add3A_46 = arith.constant 0 : i32
      %add3A_47 = arith.addi %add3A_46, %scan3A_42 : i32
      %add3A_48 = vector.broadcast %add3A_47 : i32 to vector<16xi32>
      %add3A_49 = arith.addi %mul3A_45, %add3A_48 : vector<16xi32>
      %gather3A = tpu.vector_load_idx %arg6[%add3A_49] : memref<2048xi32, #tpu.memory_space<vmem>>[vector<16xi32>], vector<16xi32>,
      %mul3A_50 = arith.constant 768 : i32
      %mul3A_51 = vector.broadcast %mul3A_50 : i32 to vector<16xi32>
      %mul3A_52 = arith.muli %gather3A, %mul3A_51 : vector<16xi32>
      %add3A_53 = arith.addi %mul3A_52, %iota3A : vector<16xi32>
      %add3A_54 = arith.constant 0 : i32
      %add3A_55 = vector.broadcast %add3A_54 : i32 to vector<16xi32>
      %add3A_56 = arith.addi %add3A_53, %add3A_55 : vector<16xi32>
      %gather3A_57 = tpu.vector_load_idx %arg5[%add3A_56] : memref<49152xf32, #tpu.memory_space<vmem>>[vector<16xi32>], vector<16xf32>,
      %add3A_58 = arith.constant 16 : i32
      %add3A_59 = vector.broadcast %add3A_58 : i32 to vector<16xi32>
      %add3A_60 = arith.addi %add3A_53, %add3A_59 : vector<16xi32>
      %gather3A_61 = tpu.vector_load_idx %arg5[%add3A_60] : memref<49152xf32, #tpu.memory_space<vmem>>[vector<16xi32>], vector<16xf32>,
      %add3A_62 = arith.constant 32 : i32
      %add3A_63 = vector.broadcast %add3A_62 : i32 to vector<16xi32>
      %add3A_64 = arith.addi %add3A_53, %add3A_63 : vector<16xi32>
      %gather3A_65 = tpu.vector_load_idx %arg5[%add3A_64] : memref<49152xf32, #tpu.memory_space<vmem>>[vector<16xi32>], vector<16xf32>,
      %add3A_66 = arith.constant 48 : i32
      %add3A_67 = vector.broadcast %add3A_66 : i32 to vector<16xi32>
      %add3A_68 = arith.addi %add3A_53, %add3A_67 : vector<16xi32>
      %gather3A_69 = tpu.vector_load_idx %arg5[%add3A_68] : memref<49152xf32, #tpu.memory_space<vmem>>[vector<16xi32>], vector<16xf32>,
      %add3A_70 = arith.constant 64 : i32
      %add3A_71 = vector.broadcast %add3A_70 : i32 to vector<16xi32>
      %add3A_72 = arith.addi %add3A_53, %add3A_71 : vector<16xi32>
      %gather3A_73 = tpu.vector_load_idx %arg5[%add3A_72] : memref<49152xf32, #tpu.memory_space<vmem>>[vector<16xi32>], vector<16xf32>,
      %add3A_74 = arith.constant 80 : i32
      %add3A_75 = vector.broadcast %add3A_74 : i32 to vector<16xi32>
      %add3A_76 = arith.addi %add3A_53, %add3A_75 : vector<16xi32>
      %gather3A_77 = tpu.vector_load_idx %arg5[%add3A_76] : memref<49152xf32, #tpu.memory_space<vmem>>[vector<16xi32>], vector<16xf32>,
      %add3A_78 = arith.constant 96 : i32
      %add3A_79 = vector.broadcast %add3A_78 : i32 to vector<16xi32>
      %add3A_80 = arith.addi %add3A_53, %add3A_79 : vector<16xi32>
      %gather3A_81 = tpu.vector_load_idx %arg5[%add3A_80] : memref<49152xf32, #tpu.memory_space<vmem>>[vector<16xi32>], vector<16xf32>,
      %add3A_82 = arith.constant 112 : i32
      %add3A_83 = vector.broadcast %add3A_82 : i32 to vector<16xi32>
      %add3A_84 = arith.addi %add3A_53, %add3A_83 : vector<16xi32>
      %gather3A_85 = tpu.vector_load_idx %arg5[%add3A_84] : memref<49152xf32, #tpu.memory_space<vmem>>[vector<16xi32>], vector<16xf32>,
      %swap3A = arith.index_cast %scan3A_42 : i32 to index
      %swap3A_86 = arith.constant 0 : index
      %swap3A_87 = tpu.vector_load %arg7[%swap3A, %swap3A_86] {strides = array<i32>} : memref<32x768xf32, #tpu.memory_space<vmem>>, vector<16xf32>,
      tpu.vector_store %arg7[%swap3A, %swap3A_86], %gather3A_57 {strides = array<i32>} : memref<32x768xf32, #tpu.memory_space<vmem>>, vector<16xf32>,
      %swap3A_88 = arith.index_cast %scan3A_42 : i32 to index
      %swap3A_89 = arith.constant 16 : index
      %swap3A_90 = tpu.vector_load %arg7[%swap3A_88, %swap3A_89] {strides = array<i32>} : memref<32x768xf32, #tpu.memory_space<vmem>>, vector<16xf32>,
      tpu.vector_store %arg7[%swap3A_88, %swap3A_89], %gather3A_61 {strides = array<i32>} : memref<32x768xf32, #tpu.memory_space<vmem>>, vector<16xf32>,
      %swap3A_91 = arith.index_cast %scan3A_42 : i32 to index
      %swap3A_92 = arith.constant 32 : index
      %swap3A_93 = tpu.vector_load %arg7[%swap3A_91, %swap3A_92] {strides = array<i32>} : memref<32x768xf32, #tpu.memory_space<vmem>>, vector<16xf32>,
      tpu.vector_store %arg7[%swap3A_91, %swap3A_92], %gather3A_65 {strides = array<i32>} : memref<32x768xf32, #tpu.memory_space<vmem>>, vector<16xf32>,
      %swap3A_94 = arith.index_cast %scan3A_42 : i32 to index
      %swap3A_95 = arith.constant 48 : index
      %swap3A_96 = tpu.vector_load %arg7[%swap3A_94, %swap3A_95] {strides = array<i32>} : memref<32x768xf32, #tpu.memory_space<vmem>>, vector<16xf32>,
      tpu.vector_store %arg7[%swap3A_94, %swap3A_95], %gather3A_69 {strides = array<i32>} : memref<32x768xf32, #tpu.memory_space<vmem>>, vector<16xf32>,
      %swap3A_97 = arith.index_cast %scan3A_42 : i32 to index
      %swap3A_98 = arith.constant 64 : index
      %swap3A_99 = tpu.vector_load %arg7[%swap3A_97, %swap3A_98] {strides = array<i32>} : memref<32x768xf32, #tpu.memory_space<vmem>>, vector<16xf32>,
      tpu.vector_store %arg7[%swap3A_97, %swap3A_98], %gather3A_73 {strides = array<i32>} : memref<32x768xf32, #tpu.memory_space<vmem>>, vector<16xf32>,
      %swap3A_100 = arith.index_cast %scan3A_42 : i32 to index
      %swap3A_101 = arith.constant 80 : index
      %swap3A_102 = tpu.vector_load %arg7[%swap3A_100, %swap3A_101] {strides = array<i32>} : memref<32x768xf32, #tpu.memory_space<vmem>>, vector<16xf32>,
      tpu.vector_store %arg7[%swap3A_100, %swap3A_101], %gather3A_77 {strides = array<i32>} : memref<32x768xf32, #tpu.memory_space<vmem>>, vector<16xf32>,
      %swap3A_103 = arith.index_cast %scan3A_42 : i32 to index
      %swap3A_104 = arith.constant 96 : index
      %swap3A_105 = tpu.vector_load %arg7[%swap3A_103, %swap3A_104] {strides = array<i32>} : memref<32x768xf32, #tpu.memory_space<vmem>>, vector<16xf32>,
      tpu.vector_store %arg7[%swap3A_103, %swap3A_104], %gather3A_81 {strides = array<i32>} : memref<32x768xf32, #tpu.memory_space<vmem>>, vector<16xf32>,
      %swap3A_106 = arith.index_cast %scan3A_42 : i32 to index
      %swap3A_107 = arith.constant 112 : index
      %swap3A_108 = tpu.vector_load %arg7[%swap3A_106, %swap3A_107] {strides = array<i32>} : memref<32x768xf32, #tpu.memory_space<vmem>>, vector<16xf32>,
      tpu.vector_store %arg7[%swap3A_106, %swap3A_107], %gather3A_85 {strides = array<i32>} : memref<32x768xf32, #tpu.memory_space<vmem>>, vector<16xf32>,
      %add3A_109 = arith.constant 128 : i32
      %add3A_110 = vector.broadcast %add3A_109 : i32 to vector<16xi32>
      %add3A_111 = arith.addi %add3A_53, %add3A_110 : vector<16xi32>
      %gather3A_112 = tpu.vector_load_idx %arg5[%add3A_111] : memref<49152xf32, #tpu.memory_space<vmem>>[vector<16xi32>], vector<16xf32>,
      %add3A_113 = arith.constant 144 : i32
      %add3A_114 = vector.broadcast %add3A_113 : i32 to vector<16xi32>
      %add3A_115 = arith.addi %add3A_53, %add3A_114 : vector<16xi32>
      %gather3A_116 = tpu.vector_load_idx %arg5[%add3A_115] : memref<49152xf32, #tpu.memory_space<vmem>>[vector<16xi32>], vector<16xf32>,
      %add3A_117 = arith.constant 160 : i32
      %add3A_118 = vector.broadcast %add3A_117 : i32 to vector<16xi32>
      %add3A_119 = arith.addi %add3A_53, %add3A_118 : vector<16xi32>
      %gather3A_120 = tpu.vector_load_idx %arg5[%add3A_119] : memref<49152xf32, #tpu.memory_space<vmem>>[vector<16xi32>], vector<16xf32>,
      %add3A_121 = arith.constant 176 : i32
      %add3A_122 = vector.broadcast %add3A_121 : i32 to vector<16xi32>
      %add3A_123 = arith.addi %add3A_53, %add3A_122 : vector<16xi32>
      %gather3A_124 = tpu.vector_load_idx %arg5[%add3A_123] : memref<49152xf32, #tpu.memory_space<vmem>>[vector<16xi32>], vector<16xf32>,
      %add3A_125 = arith.constant 192 : i32
      %add3A_126 = vector.broadcast %add3A_125 : i32 to vector<16xi32>
      %add3A_127 = arith.addi %add3A_53, %add3A_126 : vector<16xi32>
      %gather3A_128 = tpu.vector_load_idx %arg5[%add3A_127] : memref<49152xf32, #tpu.memory_space<vmem>>[vector<16xi32>], vector<16xf32>,
      %add3A_129 = arith.constant 208 : i32
      %add3A_130 = vector.broadcast %add3A_129 : i32 to vector<16xi32>
      %add3A_131 = arith.addi %add3A_53, %add3A_130 : vector<16xi32>
      %gather3A_132 = tpu.vector_load_idx %arg5[%add3A_131] : memref<49152xf32, #tpu.memory_space<vmem>>[vector<16xi32>], vector<16xf32>,
      %add3A_133 = arith.constant 224 : i32
      %add3A_134 = vector.broadcast %add3A_133 : i32 to vector<16xi32>
      %add3A_135 = arith.addi %add3A_53, %add3A_134 : vector<16xi32>
      %gather3A_136 = tpu.vector_load_idx %arg5[%add3A_135] : memref<49152xf32, #tpu.memory_space<vmem>>[vector<16xi32>], vector<16xf32>,
      %add3A_137 = arith.constant 240 : i32
      %add3A_138 = vector.broadcast %add3A_137 : i32 to vector<16xi32>
      %add3A_139 = arith.addi %add3A_53, %add3A_138 : vector<16xi32>
      %gather3A_140 = tpu.vector_load_idx %arg5[%add3A_139] : memref<49152xf32, #tpu.memory_space<vmem>>[vector<16xi32>], vector<16xf32>,
      %swap3A_141 = arith.index_cast %scan3A_42 : i32 to index
      %swap3A_142 = arith.constant 128 : index
      %swap3A_143 = tpu.vector_load %arg7[%swap3A_141, %swap3A_142] {strides = array<i32>} : memref<32x768xf32, #tpu.memory_space<vmem>>, vector<16xf32>,
      tpu.vector_store %arg7[%swap3A_141, %swap3A_142], %gather3A_112 {strides = array<i32>} : memref<32x768xf32, #tpu.memory_space<vmem>>, vector<16xf32>,
      %swap3A_144 = arith.index_cast %scan3A_42 : i32 to index
      %swap3A_145 = arith.constant 144 : index
      %swap3A_146 = tpu.vector_load %arg7[%swap3A_144, %swap3A_145] {strides = array<i32>} : memref<32x768xf32, #tpu.memory_space<vmem>>, vector<16xf32>,
      tpu.vector_store %arg7[%swap3A_144, %swap3A_145], %gather3A_116 {strides = array<i32>} : memref<32x768xf32, #tpu.memory_space<vmem>>, vector<16xf32>,
      %swap3A_147 = arith.index_cast %scan3A_42 : i32 to index
      %swap3A_148 = arith.constant 160 : index
      %swap3A_149 = tpu.vector_load %arg7[%swap3A_147, %swap3A_148] {strides = array<i32>} : memref<32x768xf32, #tpu.memory_space<vmem>>, vector<16xf32>,
      tpu.vector_store %arg7[%swap3A_147, %swap3A_148], %gather3A_120 {strides = array<i32>} : memref<32x768xf32, #tpu.memory_space<vmem>>, vector<16xf32>,
      %swap3A_150 = arith.index_cast %scan3A_42 : i32 to index
      %swap3A_151 = arith.constant 176 : index
      %swap3A_152 = tpu.vector_load %arg7[%swap3A_150, %swap3A_151] {strides = array<i32>} : memref<32x768xf32, #tpu.memory_space<vmem>>, vector<16xf32>,
      tpu.vector_store %arg7[%swap3A_150, %swap3A_151], %gather3A_124 {strides = array<i32>} : memref<32x768xf32, #tpu.memory_space<vmem>>, vector<16xf32>,
      %swap3A_153 = arith.index_cast %scan3A_42 : i32 to index
      %swap3A_154 = arith.constant 192 : index
      %swap3A_155 = tpu.vector_load %arg7[%swap3A_153, %swap3A_154] {strides = array<i32>} : memref<32x768xf32, #tpu.memory_space<vmem>>, vector<16xf32>,
      tpu.vector_store %arg7[%swap3A_153, %swap3A_154], %gather3A_128 {strides = array<i32>} : memref<32x768xf32, #tpu.memory_space<vmem>>, vector<16xf32>,
      %swap3A_156 = arith.index_cast %scan3A_42 : i32 to index
      %swap3A_157 = arith.constant 208 : index
      %swap3A_158 = tpu.vector_load %arg7[%swap3A_156, %swap3A_157] {strides = array<i32>} : memref<32x768xf32, #tpu.memory_space<vmem>>, vector<16xf32>,
      tpu.vector_store %arg7[%swap3A_156, %swap3A_157], %gather3A_132 {strides = array<i32>} : memref<32x768xf32, #tpu.memory_space<vmem>>, vector<16xf32>,
      %swap3A_159 = arith.index_cast %scan3A_42 : i32 to index
      %swap3A_160 = arith.constant 224 : index
      %swap3A_161 = tpu.vector_load %arg7[%swap3A_159, %swap3A_160] {strides = array<i32>} : memref<32x768xf32, #tpu.memory_space<vmem>>, vector<16xf32>,
      tpu.vector_store %arg7[%swap3A_159, %swap3A_160], %gather3A_136 {strides = array<i32>} : memref<32x768xf32, #tpu.memory_space<vmem>>, vector<16xf32>,
      %swap3A_162 = arith.index_cast %scan3A_42 : i32 to index
      %swap3A_163 = arith.constant 240 : index
      %swap3A_164 = tpu.vector_load %arg7[%swap3A_162, %swap3A_163] {strides = array<i32>} : memref<32x768xf32, #tpu.memory_space<vmem>>, vector<16xf32>,
      tpu.vector_store %arg7[%swap3A_162, %swap3A_163], %gather3A_140 {strides = array<i32>} : memref<32x768xf32, #tpu.memory_space<vmem>>, vector<16xf32>,
      %add3A_165 = arith.constant 256 : i32
      %add3A_166 = vector.broadcast %add3A_165 : i32 to vector<16xi32>
      %add3A_167 = arith.addi %add3A_53, %add3A_166 : vector<16xi32>
      %gather3A_168 = tpu.vector_load_idx %arg5[%add3A_167] : memref<49152xf32, #tpu.memory_space<vmem>>[vector<16xi32>], vector<16xf32>,
      %add3A_169 = arith.constant 272 : i32
      %add3A_170 = vector.broadcast %add3A_169 : i32 to vector<16xi32>
      %add3A_171 = arith.addi %add3A_53, %add3A_170 : vector<16xi32>
      %gather3A_172 = tpu.vector_load_idx %arg5[%add3A_171] : memref<49152xf32, #tpu.memory_space<vmem>>[vector<16xi32>], vector<16xf32>,
      %add3A_173 = arith.constant 288 : i32
      %add3A_174 = vector.broadcast %add3A_173 : i32 to vector<16xi32>
      %add3A_175 = arith.addi %add3A_53, %add3A_174 : vector<16xi32>
      %gather3A_176 = tpu.vector_load_idx %arg5[%add3A_175] : memref<49152xf32, #tpu.memory_space<vmem>>[vector<16xi32>], vector<16xf32>,
      %add3A_177 = arith.constant 304 : i32
      %add3A_178 = vector.broadcast %add3A_177 : i32 to vector<16xi32>
      %add3A_179 = arith.addi %add3A_53, %add3A_178 : vector<16xi32>
      %gather3A_180 = tpu.vector_load_idx %arg5[%add3A_179] : memref<49152xf32, #tpu.memory_space<vmem>>[vector<16xi32>], vector<16xf32>,
      %add3A_181 = arith.constant 320 : i32
      %add3A_182 = vector.broadcast %add3A_181 : i32 to vector<16xi32>
      %add3A_183 = arith.addi %add3A_53, %add3A_182 : vector<16xi32>
      %gather3A_184 = tpu.vector_load_idx %arg5[%add3A_183] : memref<49152xf32, #tpu.memory_space<vmem>>[vector<16xi32>], vector<16xf32>,
      %add3A_185 = arith.constant 336 : i32
      %add3A_186 = vector.broadcast %add3A_185 : i32 to vector<16xi32>
      %add3A_187 = arith.addi %add3A_53, %add3A_186 : vector<16xi32>
      %gather3A_188 = tpu.vector_load_idx %arg5[%add3A_187] : memref<49152xf32, #tpu.memory_space<vmem>>[vector<16xi32>], vector<16xf32>,
      %add3A_189 = arith.constant 352 : i32
      %add3A_190 = vector.broadcast %add3A_189 : i32 to vector<16xi32>
      %add3A_191 = arith.addi %add3A_53, %add3A_190 : vector<16xi32>
      %gather3A_192 = tpu.vector_load_idx %arg5[%add3A_191] : memref<49152xf32, #tpu.memory_space<vmem>>[vector<16xi32>], vector<16xf32>,
      %add3A_193 = arith.constant 368 : i32
      %add3A_194 = vector.broadcast %add3A_193 : i32 to vector<16xi32>
      %add3A_195 = arith.addi %add3A_53, %add3A_194 : vector<16xi32>
      %gather3A_196 = tpu.vector_load_idx %arg5[%add3A_195] : memref<49152xf32, #tpu.memory_space<vmem>>[vector<16xi32>], vector<16xf32>,
      %swap3A_197 = arith.index_cast %scan3A_42 : i32 to index
      %swap3A_198 = arith.constant 256 : index
      %swap3A_199 = tpu.vector_load %arg7[%swap3A_197, %swap3A_198] {strides = array<i32>} : memref<32x768xf32, #tpu.memory_space<vmem>>, vector<16xf32>,
      tpu.vector_store %arg7[%swap3A_197, %swap3A_198], %gather3A_168 {strides = array<i32>} : memref<32x768xf32, #tpu.memory_space<vmem>>, vector<16xf32>,
      %swap3A_200 = arith.index_cast %scan3A_42 : i32 to index
      %swap3A_201 = arith.constant 272 : index
      %swap3A_202 = tpu.vector_load %arg7[%swap3A_200, %swap3A_201] {strides = array<i32>} : memref<32x768xf32, #tpu.memory_space<vmem>>, vector<16xf32>,
      tpu.vector_store %arg7[%swap3A_200, %swap3A_201], %gather3A_172 {strides = array<i32>} : memref<32x768xf32, #tpu.memory_space<vmem>>, vector<16xf32>,
      %swap3A_203 = arith.index_cast %scan3A_42 : i32 to index
      %swap3A_204 = arith.constant 288 : index
      %swap3A_205 = tpu.vector_load %arg7[%swap3A_203, %swap3A_204] {strides = array<i32>} : memref<32x768xf32, #tpu.memory_space<vmem>>, vector<16xf32>,
      tpu.vector_store %arg7[%swap3A_203, %swap3A_204], %gather3A_176 {strides = array<i32>} : memref<32x768xf32, #tpu.memory_space<vmem>>, vector<16xf32>,
      %swap3A_206 = arith.index_cast %scan3A_42 : i32 to index
      %swap3A_207 = arith.constant 304 : index
      %swap3A_208 = tpu.vector_load %arg7[%swap3A_206, %swap3A_207] {strides = array<i32>} : memref<32x768xf32, #tpu.memory_space<vmem>>, vector<16xf32>,
      tpu.vector_store %arg7[%swap3A_206, %swap3A_207], %gather3A_180 {strides = array<i32>} : memref<32x768xf32, #tpu.memory_space<vmem>>, vector<16xf32>,
      %swap3A_209 = arith.index_cast %scan3A_42 : i32 to index
      %swap3A_210 = arith.constant 320 : index
      %swap3A_211 = tpu.vector_load %arg7[%swap3A_209, %swap3A_210] {strides = array<i32>} : memref<32x768xf32, #tpu.memory_space<vmem>>, vector<16xf32>,
      tpu.vector_store %arg7[%swap3A_209, %swap3A_210], %gather3A_184 {strides = array<i32>} : memref<32x768xf32, #tpu.memory_space<vmem>>, vector<16xf32>,
      %swap3A_212 = arith.index_cast %scan3A_42 : i32 to index
      %swap3A_213 = arith.constant 336 : index
      %swap3A_214 = tpu.vector_load %arg7[%swap3A_212, %swap3A_213] {strides = array<i32>} : memref<32x768xf32, #tpu.memory_space<vmem>>, vector<16xf32>,
      tpu.vector_store %arg7[%swap3A_212, %swap3A_213], %gather3A_188 {strides = array<i32>} : memref<32x768xf32, #tpu.memory_space<vmem>>, vector<16xf32>,
      %swap3A_215 = arith.index_cast %scan3A_42 : i32 to index
      %swap3A_216 = arith.constant 352 : index
      %swap3A_217 = tpu.vector_load %arg7[%swap3A_215, %swap3A_216] {strides = array<i32>} : memref<32x768xf32, #tpu.memory_space<vmem>>, vector<16xf32>,
      tpu.vector_store %arg7[%swap3A_215, %swap3A_216], %gather3A_192 {strides = array<i32>} : memref<32x768xf32, #tpu.memory_space<vmem>>, vector<16xf32>,
      %swap3A_218 = arith.index_cast %scan3A_42 : i32 to index
      %swap3A_219 = arith.constant 368 : index
      %swap3A_220 = tpu.vector_load %arg7[%swap3A_218, %swap3A_219] {strides = array<i32>} : memref<32x768xf32, #tpu.memory_space<vmem>>, vector<16xf32>,
      tpu.vector_store %arg7[%swap3A_218, %swap3A_219], %gather3A_196 {strides = array<i32>} : memref<32x768xf32, #tpu.memory_space<vmem>>, vector<16xf32>,
      %add3A_221 = arith.constant 384 : i32
      %add3A_222 = vector.broadcast %add3A_221 : i32 to vector<16xi32>
      %add3A_223 = arith.addi %add3A_53, %add3A_222 : vector<16xi32>
      %gather3A_224 = tpu.vector_load_idx %arg5[%add3A_223] : memref<49152xf32, #tpu.memory_space<vmem>>[vector<16xi32>], vector<16xf32>,
      %add3A_225 = arith.constant 400 : i32
      %add3A_226 = vector.broadcast %add3A_225 : i32 to vector<16xi32>
      %add3A_227 = arith.addi %add3A_53, %add3A_226 : vector<16xi32>
      %gather3A_228 = tpu.vector_load_idx %arg5[%add3A_227] : memref<49152xf32, #tpu.memory_space<vmem>>[vector<16xi32>], vector<16xf32>,
      %add3A_229 = arith.constant 416 : i32
      %add3A_230 = vector.broadcast %add3A_229 : i32 to vector<16xi32>
      %add3A_231 = arith.addi %add3A_53, %add3A_230 : vector<16xi32>
      %gather3A_232 = tpu.vector_load_idx %arg5[%add3A_231] : memref<49152xf32, #tpu.memory_space<vmem>>[vector<16xi32>], vector<16xf32>,
      %add3A_233 = arith.constant 432 : i32
      %add3A_234 = vector.broadcast %add3A_233 : i32 to vector<16xi32>
      %add3A_235 = arith.addi %add3A_53, %add3A_234 : vector<16xi32>
      %gather3A_236 = tpu.vector_load_idx %arg5[%add3A_235] : memref<49152xf32, #tpu.memory_space<vmem>>[vector<16xi32>], vector<16xf32>,
      %add3A_237 = arith.constant 448 : i32
      %add3A_238 = vector.broadcast %add3A_237 : i32 to vector<16xi32>
      %add3A_239 = arith.addi %add3A_53, %add3A_238 : vector<16xi32>
      %gather3A_240 = tpu.vector_load_idx %arg5[%add3A_239] : memref<49152xf32, #tpu.memory_space<vmem>>[vector<16xi32>], vector<16xf32>,
      %add3A_241 = arith.constant 464 : i32
      %add3A_242 = vector.broadcast %add3A_241 : i32 to vector<16xi32>
      %add3A_243 = arith.addi %add3A_53, %add3A_242 : vector<16xi32>
      %gather3A_244 = tpu.vector_load_idx %arg5[%add3A_243] : memref<49152xf32, #tpu.memory_space<vmem>>[vector<16xi32>], vector<16xf32>,
      %add3A_245 = arith.constant 480 : i32
      %add3A_246 = vector.broadcast %add3A_245 : i32 to vector<16xi32>
      %add3A_247 = arith.addi %add3A_53, %add3A_246 : vector<16xi32>
      %gather3A_248 = tpu.vector_load_idx %arg5[%add3A_247] : memref<49152xf32, #tpu.memory_space<vmem>>[vector<16xi32>], vector<16xf32>,
      %add3A_249 = arith.constant 496 : i32
      %add3A_250 = vector.broadcast %add3A_249 : i32 to vector<16xi32>
      %add3A_251 = arith.addi %add3A_53, %add3A_250 : vector<16xi32>
      %gather3A_252 = tpu.vector_load_idx %arg5[%add3A_251] : memref<49152xf32, #tpu.memory_space<vmem>>[vector<16xi32>], vector<16xf32>,
      %swap3A_253 = arith.index_cast %scan3A_42 : i32 to index
      %swap3A_254 = arith.constant 384 : index
      %swap3A_255 = tpu.vector_load %arg7[%swap3A_253, %swap3A_254] {strides = array<i32>} : memref<32x768xf32, #tpu.memory_space<vmem>>, vector<16xf32>,
      tpu.vector_store %arg7[%swap3A_253, %swap3A_254], %gather3A_224 {strides = array<i32>} : memref<32x768xf32, #tpu.memory_space<vmem>>, vector<16xf32>,
      %swap3A_256 = arith.index_cast %scan3A_42 : i32 to index
      %swap3A_257 = arith.constant 400 : index
      %swap3A_258 = tpu.vector_load %arg7[%swap3A_256, %swap3A_257] {strides = array<i32>} : memref<32x768xf32, #tpu.memory_space<vmem>>, vector<16xf32>,
      tpu.vector_store %arg7[%swap3A_256, %swap3A_257], %gather3A_228 {strides = array<i32>} : memref<32x768xf32, #tpu.memory_space<vmem>>, vector<16xf32>,
      %swap3A_259 = arith.index_cast %scan3A_42 : i32 to index
      %swap3A_260 = arith.constant 416 : index
      %swap3A_261 = tpu.vector_load %arg7[%swap3A_259, %swap3A_260] {strides = array<i32>} : memref<32x768xf32, #tpu.memory_space<vmem>>, vector<16xf32>,
      tpu.vector_store %arg7[%swap3A_259, %swap3A_260], %gather3A_232 {strides = array<i32>} : memref<32x768xf32, #tpu.memory_space<vmem>>, vector<16xf32>,
      %swap3A_262 = arith.index_cast %scan3A_42 : i32 to index
      %swap3A_263 = arith.constant 432 : index
      %swap3A_264 = tpu.vector_load %arg7[%swap3A_262, %swap3A_263] {strides = array<i32>} : memref<32x768xf32, #tpu.memory_space<vmem>>, vector<16xf32>,
      tpu.vector_store %arg7[%swap3A_262, %swap3A_263], %gather3A_236 {strides = array<i32>} : memref<32x768xf32, #tpu.memory_space<vmem>>, vector<16xf32>,
      %swap3A_265 = arith.index_cast %scan3A_42 : i32 to index
      %swap3A_266 = arith.constant 448 : index
      %swap3A_267 = tpu.vector_load %arg7[%swap3A_265, %swap3A_266] {strides = array<i32>} : memref<32x768xf32, #tpu.memory_space<vmem>>, vector<16xf32>,
      tpu.vector_store %arg7[%swap3A_265, %swap3A_266], %gather3A_240 {strides = array<i32>} : memref<32x768xf32, #tpu.memory_space<vmem>>, vector<16xf32>,
      %swap3A_268 = arith.index_cast %scan3A_42 : i32 to index
      %swap3A_269 = arith.constant 464 : index
      %swap3A_270 = tpu.vector_load %arg7[%swap3A_268, %swap3A_269] {strides = array<i32>} : memref<32x768xf32, #tpu.memory_space<vmem>>, vector<16xf32>,
      tpu.vector_store %arg7[%swap3A_268, %swap3A_269], %gather3A_244 {strides = array<i32>} : memref<32x768xf32, #tpu.memory_space<vmem>>, vector<16xf32>,
      %swap3A_271 = arith.index_cast %scan3A_42 : i32 to index
      %swap3A_272 = arith.constant 480 : index
      %swap3A_273 = tpu.vector_load %arg7[%swap3A_271, %swap3A_272] {strides = array<i32>} : memref<32x768xf32, #tpu.memory_space<vmem>>, vector<16xf32>,
      tpu.vector_store %arg7[%swap3A_271, %swap3A_272], %gather3A_248 {strides = array<i32>} : memref<32x768xf32, #tpu.memory_space<vmem>>, vector<16xf32>,
      %swap3A_274 = arith.index_cast %scan3A_42 : i32 to index
      %swap3A_275 = arith.constant 496 : index
      %swap3A_276 = tpu.vector_load %arg7[%swap3A_274, %swap3A_275] {strides = array<i32>} : memref<32x768xf32, #tpu.memory_space<vmem>>, vector<16xf32>,
      tpu.vector_store %arg7[%swap3A_274, %swap3A_275], %gather3A_252 {strides = array<i32>} : memref<32x768xf32, #tpu.memory_space<vmem>>, vector<16xf32>,
      %add3A_277 = arith.constant 512 : i32
      %add3A_278 = vector.broadcast %add3A_277 : i32 to vector<16xi32>
      %add3A_279 = arith.addi %add3A_53, %add3A_278 : vector<16xi32>
      %gather3A_280 = tpu.vector_load_idx %arg5[%add3A_279] : memref<49152xf32, #tpu.memory_space<vmem>>[vector<16xi32>], vector<16xf32>,
      %add3A_281 = arith.constant 528 : i32
      %add3A_282 = vector.broadcast %add3A_281 : i32 to vector<16xi32>
      %add3A_283 = arith.addi %add3A_53, %add3A_282 : vector<16xi32>
      %gather3A_284 = tpu.vector_load_idx %arg5[%add3A_283] : memref<49152xf32, #tpu.memory_space<vmem>>[vector<16xi32>], vector<16xf32>,
      %add3A_285 = arith.constant 544 : i32
      %add3A_286 = vector.broadcast %add3A_285 : i32 to vector<16xi32>
      %add3A_287 = arith.addi %add3A_53, %add3A_286 : vector<16xi32>
      %gather3A_288 = tpu.vector_load_idx %arg5[%add3A_287] : memref<49152xf32, #tpu.memory_space<vmem>>[vector<16xi32>], vector<16xf32>,
      %add3A_289 = arith.constant 560 : i32
      %add3A_290 = vector.broadcast %add3A_289 : i32 to vector<16xi32>
      %add3A_291 = arith.addi %add3A_53, %add3A_290 : vector<16xi32>
      %gather3A_292 = tpu.vector_load_idx %arg5[%add3A_291] : memref<49152xf32, #tpu.memory_space<vmem>>[vector<16xi32>], vector<16xf32>,
      %add3A_293 = arith.constant 576 : i32
      %add3A_294 = vector.broadcast %add3A_293 : i32 to vector<16xi32>
      %add3A_295 = arith.addi %add3A_53, %add3A_294 : vector<16xi32>
      %gather3A_296 = tpu.vector_load_idx %arg5[%add3A_295] : memref<49152xf32, #tpu.memory_space<vmem>>[vector<16xi32>], vector<16xf32>,
      %add3A_297 = arith.constant 592 : i32
      %add3A_298 = vector.broadcast %add3A_297 : i32 to vector<16xi32>
      %add3A_299 = arith.addi %add3A_53, %add3A_298 : vector<16xi32>
      %gather3A_300 = tpu.vector_load_idx %arg5[%add3A_299] : memref<49152xf32, #tpu.memory_space<vmem>>[vector<16xi32>], vector<16xf32>,
      %add3A_301 = arith.constant 608 : i32
      %add3A_302 = vector.broadcast %add3A_301 : i32 to vector<16xi32>
      %add3A_303 = arith.addi %add3A_53, %add3A_302 : vector<16xi32>
      %gather3A_304 = tpu.vector_load_idx %arg5[%add3A_303] : memref<49152xf32, #tpu.memory_space<vmem>>[vector<16xi32>], vector<16xf32>,
      %add3A_305 = arith.constant 624 : i32
      %add3A_306 = vector.broadcast %add3A_305 : i32 to vector<16xi32>
      %add3A_307 = arith.addi %add3A_53, %add3A_306 : vector<16xi32>
      %gather3A_308 = tpu.vector_load_idx %arg5[%add3A_307] : memref<49152xf32, #tpu.memory_space<vmem>>[vector<16xi32>], vector<16xf32>,
      %swap3A_309 = arith.index_cast %scan3A_42 : i32 to index
      %swap3A_310 = arith.constant 512 : index
      %swap3A_311 = tpu.vector_load %arg7[%swap3A_309, %swap3A_310] {strides = array<i32>} : memref<32x768xf32, #tpu.memory_space<vmem>>, vector<16xf32>,
      tpu.vector_store %arg7[%swap3A_309, %swap3A_310], %gather3A_280 {strides = array<i32>} : memref<32x768xf32, #tpu.memory_space<vmem>>, vector<16xf32>,
      %swap3A_312 = arith.index_cast %scan3A_42 : i32 to index
      %swap3A_313 = arith.constant 528 : index
      %swap3A_314 = tpu.vector_load %arg7[%swap3A_312, %swap3A_313] {strides = array<i32>} : memref<32x768xf32, #tpu.memory_space<vmem>>, vector<16xf32>,
      tpu.vector_store %arg7[%swap3A_312, %swap3A_313], %gather3A_284 {strides = array<i32>} : memref<32x768xf32, #tpu.memory_space<vmem>>, vector<16xf32>,
      %swap3A_315 = arith.index_cast %scan3A_42 : i32 to index
      %swap3A_316 = arith.constant 544 : index
      %swap3A_317 = tpu.vector_load %arg7[%swap3A_315, %swap3A_316] {strides = array<i32>} : memref<32x768xf32, #tpu.memory_space<vmem>>, vector<16xf32>,
      tpu.vector_store %arg7[%swap3A_315, %swap3A_316], %gather3A_288 {strides = array<i32>} : memref<32x768xf32, #tpu.memory_space<vmem>>, vector<16xf32>,
      %swap3A_318 = arith.index_cast %scan3A_42 : i32 to index
      %swap3A_319 = arith.constant 560 : index
      %swap3A_320 = tpu.vector_load %arg7[%swap3A_318, %swap3A_319] {strides = array<i32>} : memref<32x768xf32, #tpu.memory_space<vmem>>, vector<16xf32>,
      tpu.vector_store %arg7[%swap3A_318, %swap3A_319], %gather3A_292 {strides = array<i32>} : memref<32x768xf32, #tpu.memory_space<vmem>>, vector<16xf32>,
      %swap3A_321 = arith.index_cast %scan3A_42 : i32 to index
      %swap3A_322 = arith.constant 576 : index
      %swap3A_323 = tpu.vector_load %arg7[%swap3A_321, %swap3A_322] {strides = array<i32>} : memref<32x768xf32, #tpu.memory_space<vmem>>, vector<16xf32>,
      tpu.vector_store %arg7[%swap3A_321, %swap3A_322], %gather3A_296 {strides = array<i32>} : memref<32x768xf32, #tpu.memory_space<vmem>>, vector<16xf32>,
      %swap3A_324 = arith.index_cast %scan3A_42 : i32 to index
      %swap3A_325 = arith.constant 592 : index
      %swap3A_326 = tpu.vector_load %arg7[%swap3A_324, %swap3A_325] {strides = array<i32>} : memref<32x768xf32, #tpu.memory_space<vmem>>, vector<16xf32>,
      tpu.vector_store %arg7[%swap3A_324, %swap3A_325], %gather3A_300 {strides = array<i32>} : memref<32x768xf32, #tpu.memory_space<vmem>>, vector<16xf32>,
      %swap3A_327 = arith.index_cast %scan3A_42 : i32 to index
      %swap3A_328 = arith.constant 608 : index
      %swap3A_329 = tpu.vector_load %arg7[%swap3A_327, %swap3A_328] {strides = array<i32>} : memref<32x768xf32, #tpu.memory_space<vmem>>, vector<16xf32>,
      tpu.vector_store %arg7[%swap3A_327, %swap3A_328], %gather3A_304 {strides = array<i32>} : memref<32x768xf32, #tpu.memory_space<vmem>>, vector<16xf32>,
      %swap3A_330 = arith.index_cast %scan3A_42 : i32 to index
      %swap3A_331 = arith.constant 624 : index
      %swap3A_332 = tpu.vector_load %arg7[%swap3A_330, %swap3A_331] {strides = array<i32>} : memref<32x768xf32, #tpu.memory_space<vmem>>, vector<16xf32>,
      tpu.vector_store %arg7[%swap3A_330, %swap3A_331], %gather3A_308 {strides = array<i32>} : memref<32x768xf32, #tpu.memory_space<vmem>>, vector<16xf32>,
      %add3A_333 = arith.constant 640 : i32
      %add3A_334 = vector.broadcast %add3A_333 : i32 to vector<16xi32>
      %add3A_335 = arith.addi %add3A_53, %add3A_334 : vector<16xi32>
      %gather3A_336 = tpu.vector_load_idx %arg5[%add3A_335] : memref<49152xf32, #tpu.memory_space<vmem>>[vector<16xi32>], vector<16xf32>,
      %add3A_337 = arith.constant 656 : i32
      %add3A_338 = vector.broadcast %add3A_337 : i32 to vector<16xi32>
      %add3A_339 = arith.addi %add3A_53, %add3A_338 : vector<16xi32>
      %gather3A_340 = tpu.vector_load_idx %arg5[%add3A_339] : memref<49152xf32, #tpu.memory_space<vmem>>[vector<16xi32>], vector<16xf32>,
      %add3A_341 = arith.constant 672 : i32
      %add3A_342 = vector.broadcast %add3A_341 : i32 to vector<16xi32>
      %add3A_343 = arith.addi %add3A_53, %add3A_342 : vector<16xi32>
      %gather3A_344 = tpu.vector_load_idx %arg5[%add3A_343] : memref<49152xf32, #tpu.memory_space<vmem>>[vector<16xi32>], vector<16xf32>,
      %add3A_345 = arith.constant 688 : i32
      %add3A_346 = vector.broadcast %add3A_345 : i32 to vector<16xi32>
      %add3A_347 = arith.addi %add3A_53, %add3A_346 : vector<16xi32>
      %gather3A_348 = tpu.vector_load_idx %arg5[%add3A_347] : memref<49152xf32, #tpu.memory_space<vmem>>[vector<16xi32>], vector<16xf32>,
      %add3A_349 = arith.constant 704 : i32
      %add3A_350 = vector.broadcast %add3A_349 : i32 to vector<16xi32>
      %add3A_351 = arith.addi %add3A_53, %add3A_350 : vector<16xi32>
      %gather3A_352 = tpu.vector_load_idx %arg5[%add3A_351] : memref<49152xf32, #tpu.memory_space<vmem>>[vector<16xi32>], vector<16xf32>,
      %add3A_353 = arith.constant 720 : i32
      %add3A_354 = vector.broadcast %add3A_353 : i32 to vector<16xi32>
      %add3A_355 = arith.addi %add3A_53, %add3A_354 : vector<16xi32>
      %gather3A_356 = tpu.vector_load_idx %arg5[%add3A_355] : memref<49152xf32, #tpu.memory_space<vmem>>[vector<16xi32>], vector<16xf32>,
      %add3A_357 = arith.constant 736 : i32
      %add3A_358 = vector.broadcast %add3A_357 : i32 to vector<16xi32>
      %add3A_359 = arith.addi %add3A_53, %add3A_358 : vector<16xi32>
      %gather3A_360 = tpu.vector_load_idx %arg5[%add3A_359] : memref<49152xf32, #tpu.memory_space<vmem>>[vector<16xi32>], vector<16xf32>,
      %add3A_361 = arith.constant 752 : i32
      %add3A_362 = vector.broadcast %add3A_361 : i32 to vector<16xi32>
      %add3A_363 = arith.addi %add3A_53, %add3A_362 : vector<16xi32>
      %gather3A_364 = tpu.vector_load_idx %arg5[%add3A_363] : memref<49152xf32, #tpu.memory_space<vmem>>[vector<16xi32>], vector<16xf32>,
      %swap3A_365 = arith.index_cast %scan3A_42 : i32 to index
      %swap3A_366 = arith.constant 640 : index
      %swap3A_367 = tpu.vector_load %arg7[%swap3A_365, %swap3A_366] {strides = array<i32>} : memref<32x768xf32, #tpu.memory_space<vmem>>, vector<16xf32>,
      tpu.vector_store %arg7[%swap3A_365, %swap3A_366], %gather3A_336 {strides = array<i32>} : memref<32x768xf32, #tpu.memory_space<vmem>>, vector<16xf32>,
      %swap3A_368 = arith.index_cast %scan3A_42 : i32 to index
      %swap3A_369 = arith.constant 656 : index
      %swap3A_370 = tpu.vector_load %arg7[%swap3A_368, %swap3A_369] {strides = array<i32>} : memref<32x768xf32, #tpu.memory_space<vmem>>, vector<16xf32>,
      tpu.vector_store %arg7[%swap3A_368, %swap3A_369], %gather3A_340 {strides = array<i32>} : memref<32x768xf32, #tpu.memory_space<vmem>>, vector<16xf32>,
      %swap3A_371 = arith.index_cast %scan3A_42 : i32 to index
      %swap3A_372 = arith.constant 672 : index
      %swap3A_373 = tpu.vector_load %arg7[%swap3A_371, %swap3A_372] {strides = array<i32>} : memref<32x768xf32, #tpu.memory_space<vmem>>, vector<16xf32>,
      tpu.vector_store %arg7[%swap3A_371, %swap3A_372], %gather3A_344 {strides = array<i32>} : memref<32x768xf32, #tpu.memory_space<vmem>>, vector<16xf32>,
      %swap3A_374 = arith.index_cast %scan3A_42 : i32 to index
      %swap3A_375 = arith.constant 688 : index
      %swap3A_376 = tpu.vector_load %arg7[%swap3A_374, %swap3A_375] {strides = array<i32>} : memref<32x768xf32, #tpu.memory_space<vmem>>, vector<16xf32>,
      tpu.vector_store %arg7[%swap3A_374, %swap3A_375], %gather3A_348 {strides = array<i32>} : memref<32x768xf32, #tpu.memory_space<vmem>>, vector<16xf32>,
      %swap3A_377 = arith.index_cast %scan3A_42 : i32 to index
      %swap3A_378 = arith.constant 704 : index
      %swap3A_379 = tpu.vector_load %arg7[%swap3A_377, %swap3A_378] {strides = array<i32>} : memref<32x768xf32, #tpu.memory_space<vmem>>, vector<16xf32>,
      tpu.vector_store %arg7[%swap3A_377, %swap3A_378], %gather3A_352 {strides = array<i32>} : memref<32x768xf32, #tpu.memory_space<vmem>>, vector<16xf32>,
      %swap3A_380 = arith.index_cast %scan3A_42 : i32 to index
      %swap3A_381 = arith.constant 720 : index
      %swap3A_382 = tpu.vector_load %arg7[%swap3A_380, %swap3A_381] {strides = array<i32>} : memref<32x768xf32, #tpu.memory_space<vmem>>, vector<16xf32>,
      tpu.vector_store %arg7[%swap3A_380, %swap3A_381], %gather3A_356 {strides = array<i32>} : memref<32x768xf32, #tpu.memory_space<vmem>>, vector<16xf32>,
      %swap3A_383 = arith.index_cast %scan3A_42 : i32 to index
      %swap3A_384 = arith.constant 736 : index
      %swap3A_385 = tpu.vector_load %arg7[%swap3A_383, %swap3A_384] {strides = array<i32>} : memref<32x768xf32, #tpu.memory_space<vmem>>, vector<16xf32>,
      tpu.vector_store %arg7[%swap3A_383, %swap3A_384], %gather3A_360 {strides = array<i32>} : memref<32x768xf32, #tpu.memory_space<vmem>>, vector<16xf32>,
      %swap3A_386 = arith.index_cast %scan3A_42 : i32 to index
      %swap3A_387 = arith.constant 752 : index
      %swap3A_388 = tpu.vector_load %arg7[%swap3A_386, %swap3A_387] {strides = array<i32>} : memref<32x768xf32, #tpu.memory_space<vmem>>, vector<16xf32>,
      tpu.vector_store %arg7[%swap3A_386, %swap3A_387], %gather3A_364 {strides = array<i32>} : memref<32x768xf32, #tpu.memory_space<vmem>>, vector<16xf32>,
    }
    %scan3A_7 = arith.constant 32 : i32
    %add3A_8 = arith.constant 0 : i32
    %add3A_9 = arith.addi %mul3A_2, %add3A_8 : i32
    %dma_start3A = arith.constant 0 : i32
    %dma_start3A_10 = tpu.memref_slice %arg4[%add3A_9, %dma_start3A] : memref<65536x768xf32, #tpu.memory_space<hbm>> -> memref<32x768xf32, #tpu.memory_space<hbm>>
    %dma_start3A_11 = arith.constant 0 : i32
    %dma_start3A_12 = tpu.memref_slice %arg4[%add3A_9, %dma_start3A_11] : memref<65536x768xf32, #tpu.memory_space<hbm>> -> memref<32x768xf32, #tpu.memory_space<hbm>>
    tpu.enqueue_dma source(%arg7 : memref<32x768xf32, #tpu.memory_space<vmem>>) target(%dma_start3A_12 : memref<32x768xf32, #tpu.memory_space<hbm>>) target_semaphore(%arg9 : memref<!tpu.dma_semaphore, #tpu.memory_space<semaphore_mem>>)
    %scan3A_13 = arith.constant 0 : i32
    %scan3A_14 = arith.constant 0 : i32
    %scan3A_15 = arith.constant 32 : i32
    %scan3A_16 = arith.addi %scan3A_14, %scan3A_15 : i32
    %scan3A_17 = arith.constant 1 : i32
    scf.for %scan3A_42 = %scan3A_14 to %scan3A_16 step %scan3A_17  : i32 {
      %mul3A_43 = arith.constant 0 : i32
      %mul3A_44 = vector.broadcast %mul3A_43 : i32 to vector<16xi32>
      %mul3A_45 = arith.muli %iota3A, %mul3A_44 : vector<16xi32>
      %add3A_46 = arith.constant 32 : i32
      %add3A_47 = arith.addi %add3A_46, %scan3A_42 : i32
      %add3A_48 = vector.broadcast %add3A_47 : i32 to vector<16xi32>
      %add3A_49 = arith.addi %mul3A_45, %add3A_48 : vector<16xi32>
      %gather3A = tpu.vector_load_idx %arg6[%add3A_49] : memref<2048xi32, #tpu.memory_space<vmem>>[vector<16xi32>], vector<16xi32>,
      %mul3A_50 = arith.constant 768 : i32
      %mul3A_51 = vector.broadcast %mul3A_50 : i32 to vector<16xi32>
      %mul3A_52 = arith.muli %gather3A, %mul3A_51 : vector<16xi32>
      %add3A_53 = arith.addi %mul3A_52, %iota3A : vector<16xi32>
      %add3A_54 = arith.constant 0 : i32
      %add3A_55 = vector.broadcast %add3A_54 : i32 to vector<16xi32>
      %add3A_56 = arith.addi %add3A_53, %add3A_55 : vector<16xi32>
      %gather3A_57 = tpu.vector_load_idx %arg5[%add3A_56] : memref<49152xf32, #tpu.memory_space<vmem>>[vector<16xi32>], vector<16xf32>,
      %add3A_58 = arith.constant 16 : i32
      %add3A_59 = vector.broadcast %add3A_58 : i32 to vector<16xi32>
      %add3A_60 = arith.addi %add3A_53, %add3A_59 : vector<16xi32>
      %gather3A_61 = tpu.vector_load_idx %arg5[%add3A_60] : memref<49152xf32, #tpu.memory_space<vmem>>[vector<16xi32>], vector<16xf32>,
      %add3A_62 = arith.constant 32 : i32
      %add3A_63 = vector.broadcast %add3A_62 : i32 to vector<16xi32>
      %add3A_64 = arith.addi %add3A_53, %add3A_63 : vector<16xi32>
      %gather3A_65 = tpu.vector_load_idx %arg5[%add3A_64] : memref<49152xf32, #tpu.memory_space<vmem>>[vector<16xi32>], vector<16xf32>,
      %add3A_66 = arith.constant 48 : i32
      %add3A_67 = vector.broadcast %add3A_66 : i32 to vector<16xi32>
      %add3A_68 = arith.addi %add3A_53, %add3A_67 : vector<16xi32>
      %gather3A_69 = tpu.vector_load_idx %arg5[%add3A_68] : memref<49152xf32, #tpu.memory_space<vmem>>[vector<16xi32>], vector<16xf32>,
      %add3A_70 = arith.constant 64 : i32
      %add3A_71 = vector.broadcast %add3A_70 : i32 to vector<16xi32>
      %add3A_72 = arith.addi %add3A_53, %add3A_71 : vector<16xi32>
      %gather3A_73 = tpu.vector_load_idx %arg5[%add3A_72] : memref<49152xf32, #tpu.memory_space<vmem>>[vector<16xi32>], vector<16xf32>,
      %add3A_74 = arith.constant 80 : i32
      %add3A_75 = vector.broadcast %add3A_74 : i32 to vector<16xi32>
      %add3A_76 = arith.addi %add3A_53, %add3A_75 : vector<16xi32>
      %gather3A_77 = tpu.vector_load_idx %arg5[%add3A_76] : memref<49152xf32, #tpu.memory_space<vmem>>[vector<16xi32>], vector<16xf32>,
      %add3A_78 = arith.constant 96 : i32
      %add3A_79 = vector.broadcast %add3A_78 : i32 to vector<16xi32>
      %add3A_80 = arith.addi %add3A_53, %add3A_79 : vector<16xi32>
      %gather3A_81 = tpu.vector_load_idx %arg5[%add3A_80] : memref<49152xf32, #tpu.memory_space<vmem>>[vector<16xi32>], vector<16xf32>,
      %add3A_82 = arith.constant 112 : i32
      %add3A_83 = vector.broadcast %add3A_82 : i32 to vector<16xi32>
      %add3A_84 = arith.addi %add3A_53, %add3A_83 : vector<16xi32>
      %gather3A_85 = tpu.vector_load_idx %arg5[%add3A_84] : memref<49152xf32, #tpu.memory_space<vmem>>[vector<16xi32>], vector<16xf32>,
      %swap3A = arith.index_cast %scan3A_42 : i32 to index
      %swap3A_86 = arith.constant 0 : index
      %swap3A_87 = tpu.vector_load %arg8[%swap3A, %swap3A_86] {strides = array<i32>} : memref<32x768xf32, #tpu.memory_space<vmem>>, vector<16xf32>,
      tpu.vector_store %arg8[%swap3A, %swap3A_86], %gather3A_57 {strides = array<i32>} : memref<32x768xf32, #tpu.memory_space<vmem>>, vector<16xf32>,
      %swap3A_88 = arith.index_cast %scan3A_42 : i32 to index
      %swap3A_89 = arith.constant 16 : index
      %swap3A_90 = tpu.vector_load %arg8[%swap3A_88, %swap3A_89] {strides = array<i32>} : memref<32x768xf32, #tpu.memory_space<vmem>>, vector<16xf32>,
      tpu.vector_store %arg8[%swap3A_88, %swap3A_89], %gather3A_61 {strides = array<i32>} : memref<32x768xf32, #tpu.memory_space<vmem>>, vector<16xf32>,
      %swap3A_91 = arith.index_cast %scan3A_42 : i32 to index
      %swap3A_92 = arith.constant 32 : index
      %swap3A_93 = tpu.vector_load %arg8[%swap3A_91, %swap3A_92] {strides = array<i32>} : memref<32x768xf32, #tpu.memory_space<vmem>>, vector<16xf32>,
      tpu.vector_store %arg8[%swap3A_91, %swap3A_92], %gather3A_65 {strides = array<i32>} : memref<32x768xf32, #tpu.memory_space<vmem>>, vector<16xf32>,
      %swap3A_94 = arith.index_cast %scan3A_42 : i32 to index
      %swap3A_95 = arith.constant 48 : index
      %swap3A_96 = tpu.vector_load %arg8[%swap3A_94, %swap3A_95] {strides = array<i32>} : memref<32x768xf32, #tpu.memory_space<vmem>>, vector<16xf32>,
      tpu.vector_store %arg8[%swap3A_94, %swap3A_95], %gather3A_69 {strides = array<i32>} : memref<32x768xf32, #tpu.memory_space<vmem>>, vector<16xf32>,
      %swap3A_97 = arith.index_cast %scan3A_42 : i32 to index
      %swap3A_98 = arith.constant 64 : index
      %swap3A_99 = tpu.vector_load %arg8[%swap3A_97, %swap3A_98] {strides = array<i32>} : memref<32x768xf32, #tpu.memory_space<vmem>>, vector<16xf32>,
      tpu.vector_store %arg8[%swap3A_97, %swap3A_98], %gather3A_73 {strides = array<i32>} : memref<32x768xf32, #tpu.memory_space<vmem>>, vector<16xf32>,
      %swap3A_100 = arith.index_cast %scan3A_42 : i32 to index
      %swap3A_101 = arith.constant 80 : index
      %swap3A_102 = tpu.vector_load %arg8[%swap3A_100, %swap3A_101] {strides = array<i32>} : memref<32x768xf32, #tpu.memory_space<vmem>>, vector<16xf32>,
      tpu.vector_store %arg8[%swap3A_100, %swap3A_101], %gather3A_77 {strides = array<i32>} : memref<32x768xf32, #tpu.memory_space<vmem>>, vector<16xf32>,
      %swap3A_103 = arith.index_cast %scan3A_42 : i32 to index
      %swap3A_104 = arith.constant 96 : index
      %swap3A_105 = tpu.vector_load %arg8[%swap3A_103, %swap3A_104] {strides = array<i32>} : memref<32x768xf32, #tpu.memory_space<vmem>>, vector<16xf32>,
      tpu.vector_store %arg8[%swap3A_103, %swap3A_104], %gather3A_81 {strides = array<i32>} : memref<32x768xf32, #tpu.memory_space<vmem>>, vector<16xf32>,
      %swap3A_106 = arith.index_cast %scan3A_42 : i32 to index
      %swap3A_107 = arith.constant 112 : index
      %swap3A_108 = tpu.vector_load %arg8[%swap3A_106, %swap3A_107] {strides = array<i32>} : memref<32x768xf32, #tpu.memory_space<vmem>>, vector<16xf32>,
      tpu.vector_store %arg8[%swap3A_106, %swap3A_107], %gather3A_85 {strides = array<i32>} : memref<32x768xf32, #tpu.memory_space<vmem>>, vector<16xf32>,
      %add3A_109 = arith.constant 128 : i32
      %add3A_110 = vector.broadcast %add3A_109 : i32 to vector<16xi32>
      %add3A_111 = arith.addi %add3A_53, %add3A_110 : vector<16xi32>
      %gather3A_112 = tpu.vector_load_idx %arg5[%add3A_111] : memref<49152xf32, #tpu.memory_space<vmem>>[vector<16xi32>], vector<16xf32>,
      %add3A_113 = arith.constant 144 : i32
      %add3A_114 = vector.broadcast %add3A_113 : i32 to vector<16xi32>
      %add3A_115 = arith.addi %add3A_53, %add3A_114 : vector<16xi32>
      %gather3A_116 = tpu.vector_load_idx %arg5[%add3A_115] : memref<49152xf32, #tpu.memory_space<vmem>>[vector<16xi32>], vector<16xf32>,
      %add3A_117 = arith.constant 160 : i32
      %add3A_118 = vector.broadcast %add3A_117 : i32 to vector<16xi32>
      %add3A_119 = arith.addi %add3A_53, %add3A_118 : vector<16xi32>
      %gather3A_120 = tpu.vector_load_idx %arg5[%add3A_119] : memref<49152xf32, #tpu.memory_space<vmem>>[vector<16xi32>], vector<16xf32>,
      %add3A_121 = arith.constant 176 : i32
      %add3A_122 = vector.broadcast %add3A_121 : i32 to vector<16xi32>
      %add3A_123 = arith.addi %add3A_53, %add3A_122 : vector<16xi32>
      %gather3A_124 = tpu.vector_load_idx %arg5[%add3A_123] : memref<49152xf32, #tpu.memory_space<vmem>>[vector<16xi32>], vector<16xf32>,
      %add3A_125 = arith.constant 192 : i32
      %add3A_126 = vector.broadcast %add3A_125 : i32 to vector<16xi32>
      %add3A_127 = arith.addi %add3A_53, %add3A_126 : vector<16xi32>
      %gather3A_128 = tpu.vector_load_idx %arg5[%add3A_127] : memref<49152xf32, #tpu.memory_space<vmem>>[vector<16xi32>], vector<16xf32>,
      %add3A_129 = arith.constant 208 : i32
      %add3A_130 = vector.broadcast %add3A_129 : i32 to vector<16xi32>
      %add3A_131 = arith.addi %add3A_53, %add3A_130 : vector<16xi32>
      %gather3A_132 = tpu.vector_load_idx %arg5[%add3A_131] : memref<49152xf32, #tpu.memory_space<vmem>>[vector<16xi32>], vector<16xf32>,
      %add3A_133 = arith.constant 224 : i32
      %add3A_134 = vector.broadcast %add3A_133 : i32 to vector<16xi32>
      %add3A_135 = arith.addi %add3A_53, %add3A_134 : vector<16xi32>
      %gather3A_136 = tpu.vector_load_idx %arg5[%add3A_135] : memref<49152xf32, #tpu.memory_space<vmem>>[vector<16xi32>], vector<16xf32>,
      %add3A_137 = arith.constant 240 : i32
      %add3A_138 = vector.broadcast %add3A_137 : i32 to vector<16xi32>
      %add3A_139 = arith.addi %add3A_53, %add3A_138 : vector<16xi32>
      %gather3A_140 = tpu.vector_load_idx %arg5[%add3A_139] : memref<49152xf32, #tpu.memory_space<vmem>>[vector<16xi32>], vector<16xf32>,
      %swap3A_141 = arith.index_cast %scan3A_42 : i32 to index
      %swap3A_142 = arith.constant 128 : index
      %swap3A_143 = tpu.vector_load %arg8[%swap3A_141, %swap3A_142] {strides = array<i32>} : memref<32x768xf32, #tpu.memory_space<vmem>>, vector<16xf32>,
      tpu.vector_store %arg8[%swap3A_141, %swap3A_142], %gather3A_112 {strides = array<i32>} : memref<32x768xf32, #tpu.memory_space<vmem>>, vector<16xf32>,
      %swap3A_144 = arith.index_cast %scan3A_42 : i32 to index
      %swap3A_145 = arith.constant 144 : index
      %swap3A_146 = tpu.vector_load %arg8[%swap3A_144, %swap3A_145] {strides = array<i32>} : memref<32x768xf32, #tpu.memory_space<vmem>>, vector<16xf32>,
      tpu.vector_store %arg8[%swap3A_144, %swap3A_145], %gather3A_116 {strides = array<i32>} : memref<32x768xf32, #tpu.memory_space<vmem>>, vector<16xf32>,
      %swap3A_147 = arith.index_cast %scan3A_42 : i32 to index
      %swap3A_148 = arith.constant 160 : index
      %swap3A_149 = tpu.vector_load %arg8[%swap3A_147, %swap3A_148] {strides = array<i32>} : memref<32x768xf32, #tpu.memory_space<vmem>>, vector<16xf32>,
      tpu.vector_store %arg8[%swap3A_147, %swap3A_148], %gather3A_120 {strides = array<i32>} : memref<32x768xf32, #tpu.memory_space<vmem>>, vector<16xf32>,
      %swap3A_150 = arith.index_cast %scan3A_42 : i32 to index
      %swap3A_151 = arith.constant 176 : index
      %swap3A_152 = tpu.vector_load %arg8[%swap3A_150, %swap3A_151] {strides = array<i32>} : memref<32x768xf32, #tpu.memory_space<vmem>>, vector<16xf32>,
      tpu.vector_store %arg8[%swap3A_150, %swap3A_151], %gather3A_124 {strides = array<i32>} : memref<32x768xf32, #tpu.memory_space<vmem>>, vector<16xf32>,
      %swap3A_153 = arith.index_cast %scan3A_42 : i32 to index
      %swap3A_154 = arith.constant 192 : index
      %swap3A_155 = tpu.vector_load %arg8[%swap3A_153, %swap3A_154] {strides = array<i32>} : memref<32x768xf32, #tpu.memory_space<vmem>>, vector<16xf32>,
      tpu.vector_store %arg8[%swap3A_153, %swap3A_154], %gather3A_128 {strides = array<i32>} : memref<32x768xf32, #tpu.memory_space<vmem>>, vector<16xf32>,
      %swap3A_156 = arith.index_cast %scan3A_42 : i32 to index
      %swap3A_157 = arith.constant 208 : index
      %swap3A_158 = tpu.vector_load %arg8[%swap3A_156, %swap3A_157] {strides = array<i32>} : memref<32x768xf32, #tpu.memory_space<vmem>>, vector<16xf32>,
      tpu.vector_store %arg8[%swap3A_156, %swap3A_157], %gather3A_132 {strides = array<i32>} : memref<32x768xf32, #tpu.memory_space<vmem>>, vector<16xf32>,
      %swap3A_159 = arith.index_cast %scan3A_42 : i32 to index
      %swap3A_160 = arith.constant 224 : index
      %swap3A_161 = tpu.vector_load %arg8[%swap3A_159, %swap3A_160] {strides = array<i32>} : memref<32x768xf32, #tpu.memory_space<vmem>>, vector<16xf32>,
      tpu.vector_store %arg8[%swap3A_159, %swap3A_160], %gather3A_136 {strides = array<i32>} : memref<32x768xf32, #tpu.memory_space<vmem>>, vector<16xf32>,
      %swap3A_162 = arith.index_cast %scan3A_42 : i32 to index
      %swap3A_163 = arith.constant 240 : index
      %swap3A_164 = tpu.vector_load %arg8[%swap3A_162, %swap3A_163] {strides = array<i32>} : memref<32x768xf32, #tpu.memory_space<vmem>>, vector<16xf32>,
      tpu.vector_store %arg8[%swap3A_162, %swap3A_163], %gather3A_140 {strides = array<i32>} : memref<32x768xf32, #tpu.memory_space<vmem>>, vector<16xf32>,
      %add3A_165 = arith.constant 256 : i32
      %add3A_166 = vector.broadcast %add3A_165 : i32 to vector<16xi32>
      %add3A_167 = arith.addi %add3A_53, %add3A_166 : vector<16xi32>
      %gather3A_168 = tpu.vector_load_idx %arg5[%add3A_167] : memref<49152xf32, #tpu.memory_space<vmem>>[vector<16xi32>], vector<16xf32>,
      %add3A_169 = arith.constant 272 : i32
      %add3A_170 = vector.broadcast %add3A_169 : i32 to vector<16xi32>
      %add3A_171 = arith.addi %add3A_53, %add3A_170 : vector<16xi32>
      %gather3A_172 = tpu.vector_load_idx %arg5[%add3A_171] : memref<49152xf32, #tpu.memory_space<vmem>>[vector<16xi32>], vector<16xf32>,
      %add3A_173 = arith.constant 288 : i32
      %add3A_174 = vector.broadcast %add3A_173 : i32 to vector<16xi32>
      %add3A_175 = arith.addi %add3A_53, %add3A_174 : vector<16xi32>
      %gather3A_176 = tpu.vector_load_idx %arg5[%add3A_175] : memref<49152xf32, #tpu.memory_space<vmem>>[vector<16xi32>], vector<16xf32>,
      %add3A_177 = arith.constant 304 : i32
      %add3A_178 = vector.broadcast %add3A_177 : i32 to vector<16xi32>
      %add3A_179 = arith.addi %add3A_53, %add3A_178 : vector<16xi32>
      %gather3A_180 = tpu.vector_load_idx %arg5[%add3A_179] : memref<49152xf32, #tpu.memory_space<vmem>>[vector<16xi32>], vector<16xf32>,
      %add3A_181 = arith.constant 320 : i32
      %add3A_182 = vector.broadcast %add3A_181 : i32 to vector<16xi32>
      %add3A_183 = arith.addi %add3A_53, %add3A_182 : vector<16xi32>
      %gather3A_184 = tpu.vector_load_idx %arg5[%add3A_183] : memref<49152xf32, #tpu.memory_space<vmem>>[vector<16xi32>], vector<16xf32>,
      %add3A_185 = arith.constant 336 : i32
      %add3A_186 = vector.broadcast %add3A_185 : i32 to vector<16xi32>
      %add3A_187 = arith.addi %add3A_53, %add3A_186 : vector<16xi32>
      %gather3A_188 = tpu.vector_load_idx %arg5[%add3A_187] : memref<49152xf32, #tpu.memory_space<vmem>>[vector<16xi32>], vector<16xf32>,
      %add3A_189 = arith.constant 352 : i32
      %add3A_190 = vector.broadcast %add3A_189 : i32 to vector<16xi32>
      %add3A_191 = arith.addi %add3A_53, %add3A_190 : vector<16xi32>
      %gather3A_192 = tpu.vector_load_idx %arg5[%add3A_191] : memref<49152xf32, #tpu.memory_space<vmem>>[vector<16xi32>], vector<16xf32>,
      %add3A_193 = arith.constant 368 : i32
      %add3A_194 = vector.broadcast %add3A_193 : i32 to vector<16xi32>
      %add3A_195 = arith.addi %add3A_53, %add3A_194 : vector<16xi32>
      %gather3A_196 = tpu.vector_load_idx %arg5[%add3A_195] : memref<49152xf32, #tpu.memory_space<vmem>>[vector<16xi32>], vector<16xf32>,
      %swap3A_197 = arith.index_cast %scan3A_42 : i32 to index
      %swap3A_198 = arith.constant 256 : index
      %swap3A_199 = tpu.vector_load %arg8[%swap3A_197, %swap3A_198] {strides = array<i32>} : memref<32x768xf32, #tpu.memory_space<vmem>>, vector<16xf32>,
      tpu.vector_store %arg8[%swap3A_197, %swap3A_198], %gather3A_168 {strides = array<i32>} : memref<32x768xf32, #tpu.memory_space<vmem>>, vector<16xf32>,
      %swap3A_200 = arith.index_cast %scan3A_42 : i32 to index
      %swap3A_201 = arith.constant 272 : index
      %swap3A_202 = tpu.vector_load %arg8[%swap3A_200, %swap3A_201] {strides = array<i32>} : memref<32x768xf32, #tpu.memory_space<vmem>>, vector<16xf32>,
      tpu.vector_store %arg8[%swap3A_200, %swap3A_201], %gather3A_172 {strides = array<i32>} : memref<32x768xf32, #tpu.memory_space<vmem>>, vector<16xf32>,
      %swap3A_203 = arith.index_cast %scan3A_42 : i32 to index
      %swap3A_204 = arith.constant 288 : index
      %swap3A_205 = tpu.vector_load %arg8[%swap3A_203, %swap3A_204] {strides = array<i32>} : memref<32x768xf32, #tpu.memory_space<vmem>>, vector<16xf32>,
      tpu.vector_store %arg8[%swap3A_203, %swap3A_204], %gather3A_176 {strides = array<i32>} : memref<32x768xf32, #tpu.memory_space<vmem>>, vector<16xf32>,
      %swap3A_206 = arith.index_cast %scan3A_42 : i32 to index
      %swap3A_207 = arith.constant 304 : index
      %swap3A_208 = tpu.vector_load %arg8[%swap3A_206, %swap3A_207] {strides = array<i32>} : memref<32x768xf32, #tpu.memory_space<vmem>>, vector<16xf32>,
      tpu.vector_store %arg8[%swap3A_206, %swap3A_207], %gather3A_180 {strides = array<i32>} : memref<32x768xf32, #tpu.memory_space<vmem>>, vector<16xf32>,
      %swap3A_209 = arith.index_cast %scan3A_42 : i32 to index
      %swap3A_210 = arith.constant 320 : index
      %swap3A_211 = tpu.vector_load %arg8[%swap3A_209, %swap3A_210] {strides = array<i32>} : memref<32x768xf32, #tpu.memory_space<vmem>>, vector<16xf32>,
      tpu.vector_store %arg8[%swap3A_209, %swap3A_210], %gather3A_184 {strides = array<i32>} : memref<32x768xf32, #tpu.memory_space<vmem>>, vector<16xf32>,
      %swap3A_212 = arith.index_cast %scan3A_42 : i32 to index
      %swap3A_213 = arith.constant 336 : index
      %swap3A_214 = tpu.vector_load %arg8[%swap3A_212, %swap3A_213] {strides = array<i32>} : memref<32x768xf32, #tpu.memory_space<vmem>>, vector<16xf32>,
      tpu.vector_store %arg8[%swap3A_212, %swap3A_213], %gather3A_188 {strides = array<i32>} : memref<32x768xf32, #tpu.memory_space<vmem>>, vector<16xf32>,
      %swap3A_215 = arith.index_cast %scan3A_42 : i32 to index
      %swap3A_216 = arith.constant 352 : index
      %swap3A_217 = tpu.vector_load %arg8[%swap3A_215, %swap3A_216] {strides = array<i32>} : memref<32x768xf32, #tpu.memory_space<vmem>>, vector<16xf32>,
      tpu.vector_store %arg8[%swap3A_215, %swap3A_216], %gather3A_192 {strides = array<i32>} : memref<32x768xf32, #tpu.memory_space<vmem>>, vector<16xf32>,
      %swap3A_218 = arith.index_cast %scan3A_42 : i32 to index
      %swap3A_219 = arith.constant 368 : index
      %swap3A_220 = tpu.vector_load %arg8[%swap3A_218, %swap3A_219] {strides = array<i32>} : memref<32x768xf32, #tpu.memory_space<vmem>>, vector<16xf32>,
      tpu.vector_store %arg8[%swap3A_218, %swap3A_219], %gather3A_196 {strides = array<i32>} : memref<32x768xf32, #tpu.memory_space<vmem>>, vector<16xf32>,
      %add3A_221 = arith.constant 384 : i32
      %add3A_222 = vector.broadcast %add3A_221 : i32 to vector<16xi32>
      %add3A_223 = arith.addi %add3A_53, %add3A_222 : vector<16xi32>
      %gather3A_224 = tpu.vector_load_idx %arg5[%add3A_223] : memref<49152xf32, #tpu.memory_space<vmem>>[vector<16xi32>], vector<16xf32>,
      %add3A_225 = arith.constant 400 : i32
      %add3A_226 = vector.broadcast %add3A_225 : i32 to vector<16xi32>
      %add3A_227 = arith.addi %add3A_53, %add3A_226 : vector<16xi32>
      %gather3A_228 = tpu.vector_load_idx %arg5[%add3A_227] : memref<49152xf32, #tpu.memory_space<vmem>>[vector<16xi32>], vector<16xf32>,
      %add3A_229 = arith.constant 416 : i32
      %add3A_230 = vector.broadcast %add3A_229 : i32 to vector<16xi32>
      %add3A_231 = arith.addi %add3A_53, %add3A_230 : vector<16xi32>
      %gather3A_232 = tpu.vector_load_idx %arg5[%add3A_231] : memref<49152xf32, #tpu.memory_space<vmem>>[vector<16xi32>], vector<16xf32>,
      %add3A_233 = arith.constant 432 : i32
      %add3A_234 = vector.broadcast %add3A_233 : i32 to vector<16xi32>
      %add3A_235 = arith.addi %add3A_53, %add3A_234 : vector<16xi32>
      %gather3A_236 = tpu.vector_load_idx %arg5[%add3A_235] : memref<49152xf32, #tpu.memory_space<vmem>>[vector<16xi32>], vector<16xf32>,
      %add3A_237 = arith.constant 448 : i32
      %add3A_238 = vector.broadcast %add3A_237 : i32 to vector<16xi32>
      %add3A_239 = arith.addi %add3A_53, %add3A_238 : vector<16xi32>
      %gather3A_240 = tpu.vector_load_idx %arg5[%add3A_239] : memref<49152xf32, #tpu.memory_space<vmem>>[vector<16xi32>], vector<16xf32>,
      %add3A_241 = arith.constant 464 : i32
      %add3A_242 = vector.broadcast %add3A_241 : i32 to vector<16xi32>
      %add3A_243 = arith.addi %add3A_53, %add3A_242 : vector<16xi32>
      %gather3A_244 = tpu.vector_load_idx %arg5[%add3A_243] : memref<49152xf32, #tpu.memory_space<vmem>>[vector<16xi32>], vector<16xf32>,
      %add3A_245 = arith.constant 480 : i32
      %add3A_246 = vector.broadcast %add3A_245 : i32 to vector<16xi32>
      %add3A_247 = arith.addi %add3A_53, %add3A_246 : vector<16xi32>
      %gather3A_248 = tpu.vector_load_idx %arg5[%add3A_247] : memref<49152xf32, #tpu.memory_space<vmem>>[vector<16xi32>], vector<16xf32>,
      %add3A_249 = arith.constant 496 : i32
      %add3A_250 = vector.broadcast %add3A_249 : i32 to vector<16xi32>
      %add3A_251 = arith.addi %add3A_53, %add3A_250 : vector<16xi32>
      %gather3A_252 = tpu.vector_load_idx %arg5[%add3A_251] : memref<49152xf32, #tpu.memory_space<vmem>>[vector<16xi32>], vector<16xf32>,
      %swap3A_253 = arith.index_cast %scan3A_42 : i32 to index
      %swap3A_254 = arith.constant 384 : index
      %swap3A_255 = tpu.vector_load %arg8[%swap3A_253, %swap3A_254] {strides = array<i32>} : memref<32x768xf32, #tpu.memory_space<vmem>>, vector<16xf32>,
      tpu.vector_store %arg8[%swap3A_253, %swap3A_254], %gather3A_224 {strides = array<i32>} : memref<32x768xf32, #tpu.memory_space<vmem>>, vector<16xf32>,
      %swap3A_256 = arith.index_cast %scan3A_42 : i32 to index
      %swap3A_257 = arith.constant 400 : index
      %swap3A_258 = tpu.vector_load %arg8[%swap3A_256, %swap3A_257] {strides = array<i32>} : memref<32x768xf32, #tpu.memory_space<vmem>>, vector<16xf32>,
      tpu.vector_store %arg8[%swap3A_256, %swap3A_257], %gather3A_228 {strides = array<i32>} : memref<32x768xf32, #tpu.memory_space<vmem>>, vector<16xf32>,
      %swap3A_259 = arith.index_cast %scan3A_42 : i32 to index
      %swap3A_260 = arith.constant 416 : index
      %swap3A_261 = tpu.vector_load %arg8[%swap3A_259, %swap3A_260] {strides = array<i32>} : memref<32x768xf32, #tpu.memory_space<vmem>>, vector<16xf32>,
      tpu.vector_store %arg8[%swap3A_259, %swap3A_260], %gather3A_232 {strides = array<i32>} : memref<32x768xf32, #tpu.memory_space<vmem>>, vector<16xf32>,
      %swap3A_262 = arith.index_cast %scan3A_42 : i32 to index
      %swap3A_263 = arith.constant 432 : index
      %swap3A_264 = tpu.vector_load %arg8[%swap3A_262, %swap3A_263] {strides = array<i32>} : memref<32x768xf32, #tpu.memory_space<vmem>>, vector<16xf32>,
      tpu.vector_store %arg8[%swap3A_262, %swap3A_263], %gather3A_236 {strides = array<i32>} : memref<32x768xf32, #tpu.memory_space<vmem>>, vector<16xf32>,
      %swap3A_265 = arith.index_cast %scan3A_42 : i32 to index
      %swap3A_266 = arith.constant 448 : index
      %swap3A_267 = tpu.vector_load %arg8[%swap3A_265, %swap3A_266] {strides = array<i32>} : memref<32x768xf32, #tpu.memory_space<vmem>>, vector<16xf32>,
      tpu.vector_store %arg8[%swap3A_265, %swap3A_266], %gather3A_240 {strides = array<i32>} : memref<32x768xf32, #tpu.memory_space<vmem>>, vector<16xf32>,
      %swap3A_268 = arith.index_cast %scan3A_42 : i32 to index
      %swap3A_269 = arith.constant 464 : index
      %swap3A_270 = tpu.vector_load %arg8[%swap3A_268, %swap3A_269] {strides = array<i32>} : memref<32x768xf32, #tpu.memory_space<vmem>>, vector<16xf32>,
      tpu.vector_store %arg8[%swap3A_268, %swap3A_269], %gather3A_244 {strides = array<i32>} : memref<32x768xf32, #tpu.memory_space<vmem>>, vector<16xf32>,
      %swap3A_271 = arith.index_cast %scan3A_42 : i32 to index
      %swap3A_272 = arith.constant 480 : index
      %swap3A_273 = tpu.vector_load %arg8[%swap3A_271, %swap3A_272] {strides = array<i32>} : memref<32x768xf32, #tpu.memory_space<vmem>>, vector<16xf32>,
      tpu.vector_store %arg8[%swap3A_271, %swap3A_272], %gather3A_248 {strides = array<i32>} : memref<32x768xf32, #tpu.memory_space<vmem>>, vector<16xf32>,
      %swap3A_274 = arith.index_cast %scan3A_42 : i32 to index
      %swap3A_275 = arith.constant 496 : index
      %swap3A_276 = tpu.vector_load %arg8[%swap3A_274, %swap3A_275] {strides = array<i32>} : memref<32x768xf32, #tpu.memory_space<vmem>>, vector<16xf32>,
      tpu.vector_store %arg8[%swap3A_274, %swap3A_275], %gather3A_252 {strides = array<i32>} : memref<32x768xf32, #tpu.memory_space<vmem>>, vector<16xf32>,
      %add3A_277 = arith.constant 512 : i32
      %add3A_278 = vector.broadcast %add3A_277 : i32 to vector<16xi32>
      %add3A_279 = arith.addi %add3A_53, %add3A_278 : vector<16xi32>
      %gather3A_280 = tpu.vector_load_idx %arg5[%add3A_279] : memref<49152xf32, #tpu.memory_space<vmem>>[vector<16xi32>], vector<16xf32>,
      %add3A_281 = arith.constant 528 : i32
      %add3A_282 = vector.broadcast %add3A_281 : i32 to vector<16xi32>
      %add3A_283 = arith.addi %add3A_53, %add3A_282 : vector<16xi32>
      %gather3A_284 = tpu.vector_load_idx %arg5[%add3A_283] : memref<49152xf32, #tpu.memory_space<vmem>>[vector<16xi32>], vector<16xf32>,
      %add3A_285 = arith.constant 544 : i32
      %add3A_286 = vector.broadcast %add3A_285 : i32 to vector<16xi32>
      %add3A_287 = arith.addi %add3A_53, %add3A_286 : vector<16xi32>
      %gather3A_288 = tpu.vector_load_idx %arg5[%add3A_287] : memref<49152xf32, #tpu.memory_space<vmem>>[vector<16xi32>], vector<16xf32>,
      %add3A_289 = arith.constant 560 : i32
      %add3A_290 = vector.broadcast %add3A_289 : i32 to vector<16xi32>
      %add3A_291 = arith.addi %add3A_53, %add3A_290 : vector<16xi32>
      %gather3A_292 = tpu.vector_load_idx %arg5[%add3A_291] : memref<49152xf32, #tpu.memory_space<vmem>>[vector<16xi32>], vector<16xf32>,
      %add3A_293 = arith.constant 576 : i32
      %add3A_294 = vector.broadcast %add3A_293 : i32 to vector<16xi32>
      %add3A_295 = arith.addi %add3A_53, %add3A_294 : vector<16xi32>
      %gather3A_296 = tpu.vector_load_idx %arg5[%add3A_295] : memref<49152xf32, #tpu.memory_space<vmem>>[vector<16xi32>], vector<16xf32>,
      %add3A_297 = arith.constant 592 : i32
      %add3A_298 = vector.broadcast %add3A_297 : i32 to vector<16xi32>
      %add3A_299 = arith.addi %add3A_53, %add3A_298 : vector<16xi32>
      %gather3A_300 = tpu.vector_load_idx %arg5[%add3A_299] : memref<49152xf32, #tpu.memory_space<vmem>>[vector<16xi32>], vector<16xf32>,
      %add3A_301 = arith.constant 608 : i32
      %add3A_302 = vector.broadcast %add3A_301 : i32 to vector<16xi32>
      %add3A_303 = arith.addi %add3A_53, %add3A_302 : vector<16xi32>
      %gather3A_304 = tpu.vector_load_idx %arg5[%add3A_303] : memref<49152xf32, #tpu.memory_space<vmem>>[vector<16xi32>], vector<16xf32>,
      %add3A_305 = arith.constant 624 : i32
      %add3A_306 = vector.broadcast %add3A_305 : i32 to vector<16xi32>
      %add3A_307 = arith.addi %add3A_53, %add3A_306 : vector<16xi32>
      %gather3A_308 = tpu.vector_load_idx %arg5[%add3A_307] : memref<49152xf32, #tpu.memory_space<vmem>>[vector<16xi32>], vector<16xf32>,
      %swap3A_309 = arith.index_cast %scan3A_42 : i32 to index
      %swap3A_310 = arith.constant 512 : index
      %swap3A_311 = tpu.vector_load %arg8[%swap3A_309, %swap3A_310] {strides = array<i32>} : memref<32x768xf32, #tpu.memory_space<vmem>>, vector<16xf32>,
      tpu.vector_store %arg8[%swap3A_309, %swap3A_310], %gather3A_280 {strides = array<i32>} : memref<32x768xf32, #tpu.memory_space<vmem>>, vector<16xf32>,
      %swap3A_312 = arith.index_cast %scan3A_42 : i32 to index
      %swap3A_313 = arith.constant 528 : index
      %swap3A_314 = tpu.vector_load %arg8[%swap3A_312, %swap3A_313] {strides = array<i32>} : memref<32x768xf32, #tpu.memory_space<vmem>>, vector<16xf32>,
      tpu.vector_store %arg8[%swap3A_312, %swap3A_313], %gather3A_284 {strides = array<i32>} : memref<32x768xf32, #tpu.memory_space<vmem>>, vector<16xf32>,
      %swap3A_315 = arith.index_cast %scan3A_42 : i32 to index
      %swap3A_316 = arith.constant 544 : index
      %swap3A_317 = tpu.vector_load %arg8[%swap3A_315, %swap3A_316] {strides = array<i32>} : memref<32x768xf32, #tpu.memory_space<vmem>>, vector<16xf32>,
      tpu.vector_store %arg8[%swap3A_315, %swap3A_316], %gather3A_288 {strides = array<i32>} : memref<32x768xf32, #tpu.memory_space<vmem>>, vector<16xf32>,
      %swap3A_318 = arith.index_cast %scan3A_42 : i32 to index
      %swap3A_319 = arith.constant 560 : index
      %swap3A_320 = tpu.vector_load %arg8[%swap3A_318, %swap3A_319] {strides = array<i32>} : memref<32x768xf32, #tpu.memory_space<vmem>>, vector<16xf32>,
      tpu.vector_store %arg8[%swap3A_318, %swap3A_319], %gather3A_292 {strides = array<i32>} : memref<32x768xf32, #tpu.memory_space<vmem>>, vector<16xf32>,
      %swap3A_321 = arith.index_cast %scan3A_42 : i32 to index
      %swap3A_322 = arith.constant 576 : index
      %swap3A_323 = tpu.vector_load %arg8[%swap3A_321, %swap3A_322] {strides = array<i32>} : memref<32x768xf32, #tpu.memory_space<vmem>>, vector<16xf32>,
      tpu.vector_store %arg8[%swap3A_321, %swap3A_322], %gather3A_296 {strides = array<i32>} : memref<32x768xf32, #tpu.memory_space<vmem>>, vector<16xf32>,
      %swap3A_324 = arith.index_cast %scan3A_42 : i32 to index
      %swap3A_325 = arith.constant 592 : index
      %swap3A_326 = tpu.vector_load %arg8[%swap3A_324, %swap3A_325] {strides = array<i32>} : memref<32x768xf32, #tpu.memory_space<vmem>>, vector<16xf32>,
      tpu.vector_store %arg8[%swap3A_324, %swap3A_325], %gather3A_300 {strides = array<i32>} : memref<32x768xf32, #tpu.memory_space<vmem>>, vector<16xf32>,
      %swap3A_327 = arith.index_cast %scan3A_42 : i32 to index
      %swap3A_328 = arith.constant 608 : index
      %swap3A_329 = tpu.vector_load %arg8[%swap3A_327, %swap3A_328] {strides = array<i32>} : memref<32x768xf32, #tpu.memory_space<vmem>>, vector<16xf32>,
      tpu.vector_store %arg8[%swap3A_327, %swap3A_328], %gather3A_304 {strides = array<i32>} : memref<32x768xf32, #tpu.memory_space<vmem>>, vector<16xf32>,
      %swap3A_330 = arith.index_cast %scan3A_42 : i32 to index
      %swap3A_331 = arith.constant 624 : index
      %swap3A_332 = tpu.vector_load %arg8[%swap3A_330, %swap3A_331] {strides = array<i32>} : memref<32x768xf32, #tpu.memory_space<vmem>>, vector<16xf32>,
      tpu.vector_store %arg8[%swap3A_330, %swap3A_331], %gather3A_308 {strides = array<i32>} : memref<32x768xf32, #tpu.memory_space<vmem>>, vector<16xf32>,
      %add3A_333 = arith.constant 640 : i32
      %add3A_334 = vector.broadcast %add3A_333 : i32 to vector<16xi32>
      %add3A_335 = arith.addi %add3A_53, %add3A_334 : vector<16xi32>
      %gather3A_336 = tpu.vector_load_idx %arg5[%add3A_335] : memref<49152xf32, #tpu.memory_space<vmem>>[vector<16xi32>], vector<16xf32>,
      %add3A_337 = arith.constant 656 : i32
      %add3A_338 = vector.broadcast %add3A_337 : i32 to vector<16xi32>
      %add3A_339 = arith.addi %add3A_53, %add3A_338 : vector<16xi32>
      %gather3A_340 = tpu.vector_load_idx %arg5[%add3A_339] : memref<49152xf32, #tpu.memory_space<vmem>>[vector<16xi32>], vector<16xf32>,
      %add3A_341 = arith.constant 672 : i32
      %add3A_342 = vector.broadcast %add3A_341 : i32 to vector<16xi32>
      %add3A_343 = arith.addi %add3A_53, %add3A_342 : vector<16xi32>
      %gather3A_344 = tpu.vector_load_idx %arg5[%add3A_343] : memref<49152xf32, #tpu.memory_space<vmem>>[vector<16xi32>], vector<16xf32>,
      %add3A_345 = arith.constant 688 : i32
      %add3A_346 = vector.broadcast %add3A_345 : i32 to vector<16xi32>
      %add3A_347 = arith.addi %add3A_53, %add3A_346 : vector<16xi32>
      %gather3A_348 = tpu.vector_load_idx %arg5[%add3A_347] : memref<49152xf32, #tpu.memory_space<vmem>>[vector<16xi32>], vector<16xf32>,
      %add3A_349 = arith.constant 704 : i32
      %add3A_350 = vector.broadcast %add3A_349 : i32 to vector<16xi32>
      %add3A_351 = arith.addi %add3A_53, %add3A_350 : vector<16xi32>
      %gather3A_352 = tpu.vector_load_idx %arg5[%add3A_351] : memref<49152xf32, #tpu.memory_space<vmem>>[vector<16xi32>], vector<16xf32>,
      %add3A_353 = arith.constant 720 : i32
      %add3A_354 = vector.broadcast %add3A_353 : i32 to vector<16xi32>
      %add3A_355 = arith.addi %add3A_53, %add3A_354 : vector<16xi32>
      %gather3A_356 = tpu.vector_load_idx %arg5[%add3A_355] : memref<49152xf32, #tpu.memory_space<vmem>>[vector<16xi32>], vector<16xf32>,
      %add3A_357 = arith.constant 736 : i32
      %add3A_358 = vector.broadcast %add3A_357 : i32 to vector<16xi32>
      %add3A_359 = arith.addi %add3A_53, %add3A_358 : vector<16xi32>
      %gather3A_360 = tpu.vector_load_idx %arg5[%add3A_359] : memref<49152xf32, #tpu.memory_space<vmem>>[vector<16xi32>], vector<16xf32>,
      %add3A_361 = arith.constant 752 : i32
      %add3A_362 = vector.broadcast %add3A_361 : i32 to vector<16xi32>
      %add3A_363 = arith.addi %add3A_53, %add3A_362 : vector<16xi32>
      %gather3A_364 = tpu.vector_load_idx %arg5[%add3A_363] : memref<49152xf32, #tpu.memory_space<vmem>>[vector<16xi32>], vector<16xf32>,
      %swap3A_365 = arith.index_cast %scan3A_42 : i32 to index
      %swap3A_366 = arith.constant 640 : index
      %swap3A_367 = tpu.vector_load %arg8[%swap3A_365, %swap3A_366] {strides = array<i32>} : memref<32x768xf32, #tpu.memory_space<vmem>>, vector<16xf32>,
      tpu.vector_store %arg8[%swap3A_365, %swap3A_366], %gather3A_336 {strides = array<i32>} : memref<32x768xf32, #tpu.memory_space<vmem>>, vector<16xf32>,
      %swap3A_368 = arith.index_cast %scan3A_42 : i32 to index
      %swap3A_369 = arith.constant 656 : index
      %swap3A_370 = tpu.vector_load %arg8[%swap3A_368, %swap3A_369] {strides = array<i32>} : memref<32x768xf32, #tpu.memory_space<vmem>>, vector<16xf32>,
      tpu.vector_store %arg8[%swap3A_368, %swap3A_369], %gather3A_340 {strides = array<i32>} : memref<32x768xf32, #tpu.memory_space<vmem>>, vector<16xf32>,
      %swap3A_371 = arith.index_cast %scan3A_42 : i32 to index
      %swap3A_372 = arith.constant 672 : index
      %swap3A_373 = tpu.vector_load %arg8[%swap3A_371, %swap3A_372] {strides = array<i32>} : memref<32x768xf32, #tpu.memory_space<vmem>>, vector<16xf32>,
      tpu.vector_store %arg8[%swap3A_371, %swap3A_372], %gather3A_344 {strides = array<i32>} : memref<32x768xf32, #tpu.memory_space<vmem>>, vector<16xf32>,
      %swap3A_374 = arith.index_cast %scan3A_42 : i32 to index
      %swap3A_375 = arith.constant 688 : index
      %swap3A_376 = tpu.vector_load %arg8[%swap3A_374, %swap3A_375] {strides = array<i32>} : memref<32x768xf32, #tpu.memory_space<vmem>>, vector<16xf32>,
      tpu.vector_store %arg8[%swap3A_374, %swap3A_375], %gather3A_348 {strides = array<i32>} : memref<32x768xf32, #tpu.memory_space<vmem>>, vector<16xf32>,
      %swap3A_377 = arith.index_cast %scan3A_42 : i32 to index
      %swap3A_378 = arith.constant 704 : index
      %swap3A_379 = tpu.vector_load %arg8[%swap3A_377, %swap3A_378] {strides = array<i32>} : memref<32x768xf32, #tpu.memory_space<vmem>>, vector<16xf32>,
      tpu.vector_store %arg8[%swap3A_377, %swap3A_378], %gather3A_352 {strides = array<i32>} : memref<32x768xf32, #tpu.memory_space<vmem>>, vector<16xf32>,
      %swap3A_380 = arith.index_cast %scan3A_42 : i32 to index
      %swap3A_381 = arith.constant 720 : index
      %swap3A_382 = tpu.vector_load %arg8[%swap3A_380, %swap3A_381] {strides = array<i32>} : memref<32x768xf32, #tpu.memory_space<vmem>>, vector<16xf32>,
      tpu.vector_store %arg8[%swap3A_380, %swap3A_381], %gather3A_356 {strides = array<i32>} : memref<32x768xf32, #tpu.memory_space<vmem>>, vector<16xf32>,
      %swap3A_383 = arith.index_cast %scan3A_42 : i32 to index
      %swap3A_384 = arith.constant 736 : index
      %swap3A_385 = tpu.vector_load %arg8[%swap3A_383, %swap3A_384] {strides = array<i32>} : memref<32x768xf32, #tpu.memory_space<vmem>>, vector<16xf32>,
      tpu.vector_store %arg8[%swap3A_383, %swap3A_384], %gather3A_360 {strides = array<i32>} : memref<32x768xf32, #tpu.memory_space<vmem>>, vector<16xf32>,
      %swap3A_386 = arith.index_cast %scan3A_42 : i32 to index
      %swap3A_387 = arith.constant 752 : index
      %swap3A_388 = tpu.vector_load %arg8[%swap3A_386, %swap3A_387] {strides = array<i32>} : memref<32x768xf32, #tpu.memory_space<vmem>>, vector<16xf32>,
      tpu.vector_store %arg8[%swap3A_386, %swap3A_387], %gather3A_364 {strides = array<i32>} : memref<32x768xf32, #tpu.memory_space<vmem>>, vector<16xf32>,
    }
    %scan3A_18 = arith.constant 32 : i32
    %add3A_19 = arith.constant 32 : i32
    %add3A_20 = arith.addi %mul3A_2, %add3A_19 : i32
    %dma_start3A_21 = arith.constant 0 : i32
    %dma_start3A_22 = tpu.memref_slice %arg4[%add3A_20, %dma_start3A_21] : memref<65536x768xf32, #tpu.memory_space<hbm>> -> memref<32x768xf32, #tpu.memory_space<hbm>>
    %dma_start3A_23 = arith.constant 0 : i32
    %dma_start3A_24 = tpu.memref_slice %arg4[%add3A_20, %dma_start3A_23] : memref<65536x768xf32, #tpu.memory_space<hbm>> -> memref<32x768xf32, #tpu.memory_space<hbm>>
    tpu.enqueue_dma source(%arg8 : memref<32x768xf32, #tpu.memory_space<vmem>>) target(%dma_start3A_24 : memref<32x768xf32, #tpu.memory_space<hbm>>) target_semaphore(%arg10 : memref<!tpu.dma_semaphore, #tpu.memory_space<semaphore_mem>>)
    %scan3A_25 = arith.constant 0 : i32
    %scan3A_26 = arith.constant 1 : i32
    %scan3A_27 = arith.constant 31 : i32
    %scan3A_28 = arith.addi %scan3A_26, %scan3A_27 : i32
    %scan3A_29 = arith.constant 1 : i32
    scf.for %scan3A_42 = %scan3A_26 to %scan3A_28 step %scan3A_29  : i32 {
      %mul3A_43 = arith.constant 2 : i32
      %mul3A_44 = arith.muli %scan3A_42, %mul3A_43 : i32
      %add3A_45 = arith.constant 0 : i32
      %add3A_46 = arith.addi %mul3A_44, %add3A_45 : i32
      %sub3A = arith.constant 2 : i32
      %sub3A_47 = arith.subi %add3A_46, %sub3A : i32
      %mul3A_48 = arith.constant 32 : i32
      %mul3A_49 = arith.muli %sub3A_47, %mul3A_48 : i32
      %add3A_50 = arith.addi %mul3A_2, %mul3A_49 : i32
      %dma_wait3A_51 = arith.constant 0 : i32
      %dma_wait3A_52 = tpu.memref_slice %arg4[%add3A_50, %dma_wait3A_51] : memref<65536x768xf32, #tpu.memory_space<hbm>> -> memref<32x768xf32, #tpu.memory_space<hbm>>
      %dma_wait3A_53 = arith.constant 0 : i32
      %dma_wait3A_54 = tpu.memref_slice %arg4[%add3A_50, %dma_wait3A_53] : memref<65536x768xf32, #tpu.memory_space<hbm>> -> memref<32x768xf32, #tpu.memory_space<hbm>>
      tpu.wait_dma2 semaphore(%arg9 : memref<!tpu.dma_semaphore, #tpu.memory_space<semaphore_mem>>) src(%arg7 : memref<32x768xf32, #tpu.memory_space<vmem>>) dst(%dma_wait3A_54 : memref<32x768xf32, #tpu.memory_space<hbm>>)
      %scan3A_55 = arith.constant 0 : i32
      %scan3A_56 = arith.constant 0 : i32
      %scan3A_57 = arith.constant 32 : i32
      %scan3A_58 = arith.addi %scan3A_56, %scan3A_57 : i32
      %scan3A_59 = arith.constant 1 : i32
      scf.for %scan3A_94 = %scan3A_56 to %scan3A_58 step %scan3A_59  : i32 {
        %mul3A_95 = arith.constant 0 : i32
        %mul3A_96 = vector.broadcast %mul3A_95 : i32 to vector<16xi32>
        %mul3A_97 = arith.muli %iota3A, %mul3A_96 : vector<16xi32>
        %mul3A_98 = arith.constant 32 : i32
        %mul3A_99 = arith.muli %add3A_46, %mul3A_98 : i32
        %add3A_100 = arith.addi %mul3A_99, %scan3A_94 : i32
        %add3A_101 = vector.broadcast %add3A_100 : i32 to vector<16xi32>
        %add3A_102 = arith.addi %mul3A_97, %add3A_101 : vector<16xi32>
        %gather3A = tpu.vector_load_idx %arg6[%add3A_102] : memref<2048xi32, #tpu.memory_space<vmem>>[vector<16xi32>], vector<16xi32>,
        %mul3A_103 = arith.constant 768 : i32
        %mul3A_104 = vector.broadcast %mul3A_103 : i32 to vector<16xi32>
        %mul3A_105 = arith.muli %gather3A, %mul3A_104 : vector<16xi32>
        %add3A_106 = arith.addi %mul3A_105, %iota3A : vector<16xi32>
        %add3A_107 = arith.constant 0 : i32
        %add3A_108 = vector.broadcast %add3A_107 : i32 to vector<16xi32>
        %add3A_109 = arith.addi %add3A_106, %add3A_108 : vector<16xi32>
        %gather3A_110 = tpu.vector_load_idx %arg5[%add3A_109] : memref<49152xf32, #tpu.memory_space<vmem>>[vector<16xi32>], vector<16xf32>,
        %add3A_111 = arith.constant 16 : i32
        %add3A_112 = vector.broadcast %add3A_111 : i32 to vector<16xi32>
        %add3A_113 = arith.addi %add3A_106, %add3A_112 : vector<16xi32>
        %gather3A_114 = tpu.vector_load_idx %arg5[%add3A_113] : memref<49152xf32, #tpu.memory_space<vmem>>[vector<16xi32>], vector<16xf32>,
        %add3A_115 = arith.constant 32 : i32
        %add3A_116 = vector.broadcast %add3A_115 : i32 to vector<16xi32>
        %add3A_117 = arith.addi %add3A_106, %add3A_116 : vector<16xi32>
        %gather3A_118 = tpu.vector_load_idx %arg5[%add3A_117] : memref<49152xf32, #tpu.memory_space<vmem>>[vector<16xi32>], vector<16xf32>,
        %add3A_119 = arith.constant 48 : i32
        %add3A_120 = vector.broadcast %add3A_119 : i32 to vector<16xi32>
        %add3A_121 = arith.addi %add3A_106, %add3A_120 : vector<16xi32>
        %gather3A_122 = tpu.vector_load_idx %arg5[%add3A_121] : memref<49152xf32, #tpu.memory_space<vmem>>[vector<16xi32>], vector<16xf32>,
        %add3A_123 = arith.constant 64 : i32
        %add3A_124 = vector.broadcast %add3A_123 : i32 to vector<16xi32>
        %add3A_125 = arith.addi %add3A_106, %add3A_124 : vector<16xi32>
        %gather3A_126 = tpu.vector_load_idx %arg5[%add3A_125] : memref<49152xf32, #tpu.memory_space<vmem>>[vector<16xi32>], vector<16xf32>,
        %add3A_127 = arith.constant 80 : i32
        %add3A_128 = vector.broadcast %add3A_127 : i32 to vector<16xi32>
        %add3A_129 = arith.addi %add3A_106, %add3A_128 : vector<16xi32>
        %gather3A_130 = tpu.vector_load_idx %arg5[%add3A_129] : memref<49152xf32, #tpu.memory_space<vmem>>[vector<16xi32>], vector<16xf32>,
        %add3A_131 = arith.constant 96 : i32
        %add3A_132 = vector.broadcast %add3A_131 : i32 to vector<16xi32>
        %add3A_133 = arith.addi %add3A_106, %add3A_132 : vector<16xi32>
        %gather3A_134 = tpu.vector_load_idx %arg5[%add3A_133] : memref<49152xf32, #tpu.memory_space<vmem>>[vector<16xi32>], vector<16xf32>,
        %add3A_135 = arith.constant 112 : i32
        %add3A_136 = vector.broadcast %add3A_135 : i32 to vector<16xi32>
        %add3A_137 = arith.addi %add3A_106, %add3A_136 : vector<16xi32>
        %gather3A_138 = tpu.vector_load_idx %arg5[%add3A_137] : memref<49152xf32, #tpu.memory_space<vmem>>[vector<16xi32>], vector<16xf32>,
        %swap3A = arith.index_cast %scan3A_94 : i32 to index
        %swap3A_139 = arith.constant 0 : index
        %swap3A_140 = tpu.vector_load %arg7[%swap3A, %swap3A_139] {strides = array<i32>} : memref<32x768xf32, #tpu.memory_space<vmem>>, vector<16xf32>,
        tpu.vector_store %arg7[%swap3A, %swap3A_139], %gather3A_110 {strides = array<i32>} : memref<32x768xf32, #tpu.memory_space<vmem>>, vector<16xf32>,
        %swap3A_141 = arith.index_cast %scan3A_94 : i32 to index
        %swap3A_142 = arith.constant 16 : index
        %swap3A_143 = tpu.vector_load %arg7[%swap3A_141, %swap3A_142] {strides = array<i32>} : memref<32x768xf32, #tpu.memory_space<vmem>>, vector<16xf32>,
        tpu.vector_store %arg7[%swap3A_141, %swap3A_142], %gather3A_114 {strides = array<i32>} : memref<32x768xf32, #tpu.memory_space<vmem>>, vector<16xf32>,
        %swap3A_144 = arith.index_cast %scan3A_94 : i32 to index
        %swap3A_145 = arith.constant 32 : index
        %swap3A_146 = tpu.vector_load %arg7[%swap3A_144, %swap3A_145] {strides = array<i32>} : memref<32x768xf32, #tpu.memory_space<vmem>>, vector<16xf32>,
        tpu.vector_store %arg7[%swap3A_144, %swap3A_145], %gather3A_118 {strides = array<i32>} : memref<32x768xf32, #tpu.memory_space<vmem>>, vector<16xf32>,
        %swap3A_147 = arith.index_cast %scan3A_94 : i32 to index
        %swap3A_148 = arith.constant 48 : index
        %swap3A_149 = tpu.vector_load %arg7[%swap3A_147, %swap3A_148] {strides = array<i32>} : memref<32x768xf32, #tpu.memory_space<vmem>>, vector<16xf32>,
        tpu.vector_store %arg7[%swap3A_147, %swap3A_148], %gather3A_122 {strides = array<i32>} : memref<32x768xf32, #tpu.memory_space<vmem>>, vector<16xf32>,
        %swap3A_150 = arith.index_cast %scan3A_94 : i32 to index
        %swap3A_151 = arith.constant 64 : index
        %swap3A_152 = tpu.vector_load %arg7[%swap3A_150, %swap3A_151] {strides = array<i32>} : memref<32x768xf32, #tpu.memory_space<vmem>>, vector<16xf32>,
        tpu.vector_store %arg7[%swap3A_150, %swap3A_151], %gather3A_126 {strides = array<i32>} : memref<32x768xf32, #tpu.memory_space<vmem>>, vector<16xf32>,
        %swap3A_153 = arith.index_cast %scan3A_94 : i32 to index
        %swap3A_154 = arith.constant 80 : index
        %swap3A_155 = tpu.vector_load %arg7[%swap3A_153, %swap3A_154] {strides = array<i32>} : memref<32x768xf32, #tpu.memory_space<vmem>>, vector<16xf32>,
        tpu.vector_store %arg7[%swap3A_153, %swap3A_154], %gather3A_130 {strides = array<i32>} : memref<32x768xf32, #tpu.memory_space<vmem>>, vector<16xf32>,
        %swap3A_156 = arith.index_cast %scan3A_94 : i32 to index
        %swap3A_157 = arith.constant 96 : index
        %swap3A_158 = tpu.vector_load %arg7[%swap3A_156, %swap3A_157] {strides = array<i32>} : memref<32x768xf32, #tpu.memory_space<vmem>>, vector<16xf32>,
        tpu.vector_store %arg7[%swap3A_156, %swap3A_157], %gather3A_134 {strides = array<i32>} : memref<32x768xf32, #tpu.memory_space<vmem>>, vector<16xf32>,
        %swap3A_159 = arith.index_cast %scan3A_94 : i32 to index
        %swap3A_160 = arith.constant 112 : index
        %swap3A_161 = tpu.vector_load %arg7[%swap3A_159, %swap3A_160] {strides = array<i32>} : memref<32x768xf32, #tpu.memory_space<vmem>>, vector<16xf32>,
        tpu.vector_store %arg7[%swap3A_159, %swap3A_160], %gather3A_138 {strides = array<i32>} : memref<32x768xf32, #tpu.memory_space<vmem>>, vector<16xf32>,
        %add3A_162 = arith.constant 128 : i32
        %add3A_163 = vector.broadcast %add3A_162 : i32 to vector<16xi32>
        %add3A_164 = arith.addi %add3A_106, %add3A_163 : vector<16xi32>
        %gather3A_165 = tpu.vector_load_idx %arg5[%add3A_164] : memref<49152xf32, #tpu.memory_space<vmem>>[vector<16xi32>], vector<16xf32>,
        %add3A_166 = arith.constant 144 : i32
        %add3A_167 = vector.broadcast %add3A_166 : i32 to vector<16xi32>
        %add3A_168 = arith.addi %add3A_106, %add3A_167 : vector<16xi32>
        %gather3A_169 = tpu.vector_load_idx %arg5[%add3A_168] : memref<49152xf32, #tpu.memory_space<vmem>>[vector<16xi32>], vector<16xf32>,
        %add3A_170 = arith.constant 160 : i32
        %add3A_171 = vector.broadcast %add3A_170 : i32 to vector<16xi32>
        %add3A_172 = arith.addi %add3A_106, %add3A_171 : vector<16xi32>
        %gather3A_173 = tpu.vector_load_idx %arg5[%add3A_172] : memref<49152xf32, #tpu.memory_space<vmem>>[vector<16xi32>], vector<16xf32>,
        %add3A_174 = arith.constant 176 : i32
        %add3A_175 = vector.broadcast %add3A_174 : i32 to vector<16xi32>
        %add3A_176 = arith.addi %add3A_106, %add3A_175 : vector<16xi32>
        %gather3A_177 = tpu.vector_load_idx %arg5[%add3A_176] : memref<49152xf32, #tpu.memory_space<vmem>>[vector<16xi32>], vector<16xf32>,
        %add3A_178 = arith.constant 192 : i32
        %add3A_179 = vector.broadcast %add3A_178 : i32 to vector<16xi32>
        %add3A_180 = arith.addi %add3A_106, %add3A_179 : vector<16xi32>
        %gather3A_181 = tpu.vector_load_idx %arg5[%add3A_180] : memref<49152xf32, #tpu.memory_space<vmem>>[vector<16xi32>], vector<16xf32>,
        %add3A_182 = arith.constant 208 : i32
        %add3A_183 = vector.broadcast %add3A_182 : i32 to vector<16xi32>
        %add3A_184 = arith.addi %add3A_106, %add3A_183 : vector<16xi32>
        %gather3A_185 = tpu.vector_load_idx %arg5[%add3A_184] : memref<49152xf32, #tpu.memory_space<vmem>>[vector<16xi32>], vector<16xf32>,
        %add3A_186 = arith.constant 224 : i32
        %add3A_187 = vector.broadcast %add3A_186 : i32 to vector<16xi32>
        %add3A_188 = arith.addi %add3A_106, %add3A_187 : vector<16xi32>
        %gather3A_189 = tpu.vector_load_idx %arg5[%add3A_188] : memref<49152xf32, #tpu.memory_space<vmem>>[vector<16xi32>], vector<16xf32>,
        %add3A_190 = arith.constant 240 : i32
        %add3A_191 = vector.broadcast %add3A_190 : i32 to vector<16xi32>
        %add3A_192 = arith.addi %add3A_106, %add3A_191 : vector<16xi32>
        %gather3A_193 = tpu.vector_load_idx %arg5[%add3A_192] : memref<49152xf32, #tpu.memory_space<vmem>>[vector<16xi32>], vector<16xf32>,
        %swap3A_194 = arith.index_cast %scan3A_94 : i32 to index
        %swap3A_195 = arith.constant 128 : index
        %swap3A_196 = tpu.vector_load %arg7[%swap3A_194, %swap3A_195] {strides = array<i32>} : memref<32x768xf32, #tpu.memory_space<vmem>>, vector<16xf32>,
        tpu.vector_store %arg7[%swap3A_194, %swap3A_195], %gather3A_165 {strides = array<i32>} : memref<32x768xf32, #tpu.memory_space<vmem>>, vector<16xf32>,
        %swap3A_197 = arith.index_cast %scan3A_94 : i32 to index
        %swap3A_198 = arith.constant 144 : index
        %swap3A_199 = tpu.vector_load %arg7[%swap3A_197, %swap3A_198] {strides = array<i32>} : memref<32x768xf32, #tpu.memory_space<vmem>>, vector<16xf32>,
        tpu.vector_store %arg7[%swap3A_197, %swap3A_198], %gather3A_169 {strides = array<i32>} : memref<32x768xf32, #tpu.memory_space<vmem>>, vector<16xf32>,
        %swap3A_200 = arith.index_cast %scan3A_94 : i32 to index
        %swap3A_201 = arith.constant 160 : index
        %swap3A_202 = tpu.vector_load %arg7[%swap3A_200, %swap3A_201] {strides = array<i32>} : memref<32x768xf32, #tpu.memory_space<vmem>>, vector<16xf32>,
        tpu.vector_store %arg7[%swap3A_200, %swap3A_201], %gather3A_173 {strides = array<i32>} : memref<32x768xf32, #tpu.memory_space<vmem>>, vector<16xf32>,
        %swap3A_203 = arith.index_cast %scan3A_94 : i32 to index
        %swap3A_204 = arith.constant 176 : index
        %swap3A_205 = tpu.vector_load %arg7[%swap3A_203, %swap3A_204] {strides = array<i32>} : memref<32x768xf32, #tpu.memory_space<vmem>>, vector<16xf32>,
        tpu.vector_store %arg7[%swap3A_203, %swap3A_204], %gather3A_177 {strides = array<i32>} : memref<32x768xf32, #tpu.memory_space<vmem>>, vector<16xf32>,
        %swap3A_206 = arith.index_cast %scan3A_94 : i32 to index
        %swap3A_207 = arith.constant 192 : index
        %swap3A_208 = tpu.vector_load %arg7[%swap3A_206, %swap3A_207] {strides = array<i32>} : memref<32x768xf32, #tpu.memory_space<vmem>>, vector<16xf32>,
        tpu.vector_store %arg7[%swap3A_206, %swap3A_207], %gather3A_181 {strides = array<i32>} : memref<32x768xf32, #tpu.memory_space<vmem>>, vector<16xf32>,
        %swap3A_209 = arith.index_cast %scan3A_94 : i32 to index
        %swap3A_210 = arith.constant 208 : index
        %swap3A_211 = tpu.vector_load %arg7[%swap3A_209, %swap3A_210] {strides = array<i32>} : memref<32x768xf32, #tpu.memory_space<vmem>>, vector<16xf32>,
        tpu.vector_store %arg7[%swap3A_209, %swap3A_210], %gather3A_185 {strides = array<i32>} : memref<32x768xf32, #tpu.memory_space<vmem>>, vector<16xf32>,
        %swap3A_212 = arith.index_cast %scan3A_94 : i32 to index
        %swap3A_213 = arith.constant 224 : index
        %swap3A_214 = tpu.vector_load %arg7[%swap3A_212, %swap3A_213] {strides = array<i32>} : memref<32x768xf32, #tpu.memory_space<vmem>>, vector<16xf32>,
        tpu.vector_store %arg7[%swap3A_212, %swap3A_213], %gather3A_189 {strides = array<i32>} : memref<32x768xf32, #tpu.memory_space<vmem>>, vector<16xf32>,
        %swap3A_215 = arith.index_cast %scan3A_94 : i32 to index
        %swap3A_216 = arith.constant 240 : index
        %swap3A_217 = tpu.vector_load %arg7[%swap3A_215, %swap3A_216] {strides = array<i32>} : memref<32x768xf32, #tpu.memory_space<vmem>>, vector<16xf32>,
        tpu.vector_store %arg7[%swap3A_215, %swap3A_216], %gather3A_193 {strides = array<i32>} : memref<32x768xf32, #tpu.memory_space<vmem>>, vector<16xf32>,
        %add3A_218 = arith.constant 256 : i32
        %add3A_219 = vector.broadcast %add3A_218 : i32 to vector<16xi32>
        %add3A_220 = arith.addi %add3A_106, %add3A_219 : vector<16xi32>
        %gather3A_221 = tpu.vector_load_idx %arg5[%add3A_220] : memref<49152xf32, #tpu.memory_space<vmem>>[vector<16xi32>], vector<16xf32>,
        %add3A_222 = arith.constant 272 : i32
        %add3A_223 = vector.broadcast %add3A_222 : i32 to vector<16xi32>
        %add3A_224 = arith.addi %add3A_106, %add3A_223 : vector<16xi32>
        %gather3A_225 = tpu.vector_load_idx %arg5[%add3A_224] : memref<49152xf32, #tpu.memory_space<vmem>>[vector<16xi32>], vector<16xf32>,
        %add3A_226 = arith.constant 288 : i32
        %add3A_227 = vector.broadcast %add3A_226 : i32 to vector<16xi32>
        %add3A_228 = arith.addi %add3A_106, %add3A_227 : vector<16xi32>
        %gather3A_229 = tpu.vector_load_idx %arg5[%add3A_228] : memref<49152xf32, #tpu.memory_space<vmem>>[vector<16xi32>], vector<16xf32>,
        %add3A_230 = arith.constant 304 : i32
        %add3A_231 = vector.broadcast %add3A_230 : i32 to vector<16xi32>
        %add3A_232 = arith.addi %add3A_106, %add3A_231 : vector<16xi32>
        %gather3A_233 = tpu.vector_load_idx %arg5[%add3A_232] : memref<49152xf32, #tpu.memory_space<vmem>>[vector<16xi32>], vector<16xf32>,
        %add3A_234 = arith.constant 320 : i32
        %add3A_235 = vector.broadcast %add3A_234 : i32 to vector<16xi32>
        %add3A_236 = arith.addi %add3A_106, %add3A_235 : vector<16xi32>
        %gather3A_237 = tpu.vector_load_idx %arg5[%add3A_236] : memref<49152xf32, #tpu.memory_space<vmem>>[vector<16xi32>], vector<16xf32>,
        %add3A_238 = arith.constant 336 : i32
        %add3A_239 = vector.broadcast %add3A_238 : i32 to vector<16xi32>
        %add3A_240 = arith.addi %add3A_106, %add3A_239 : vector<16xi32>
        %gather3A_241 = tpu.vector_load_idx %arg5[%add3A_240] : memref<49152xf32, #tpu.memory_space<vmem>>[vector<16xi32>], vector<16xf32>,
        %add3A_242 = arith.constant 352 : i32
        %add3A_243 = vector.broadcast %add3A_242 : i32 to vector<16xi32>
        %add3A_244 = arith.addi %add3A_106, %add3A_243 : vector<16xi32>
        %gather3A_245 = tpu.vector_load_idx %arg5[%add3A_244] : memref<49152xf32, #tpu.memory_space<vmem>>[vector<16xi32>], vector<16xf32>,
        %add3A_246 = arith.constant 368 : i32
        %add3A_247 = vector.broadcast %add3A_246 : i32 to vector<16xi32>
        %add3A_248 = arith.addi %add3A_106, %add3A_247 : vector<16xi32>
        %gather3A_249 = tpu.vector_load_idx %arg5[%add3A_248] : memref<49152xf32, #tpu.memory_space<vmem>>[vector<16xi32>], vector<16xf32>,
        %swap3A_250 = arith.index_cast %scan3A_94 : i32 to index
        %swap3A_251 = arith.constant 256 : index
        %swap3A_252 = tpu.vector_load %arg7[%swap3A_250, %swap3A_251] {strides = array<i32>} : memref<32x768xf32, #tpu.memory_space<vmem>>, vector<16xf32>,
        tpu.vector_store %arg7[%swap3A_250, %swap3A_251], %gather3A_221 {strides = array<i32>} : memref<32x768xf32, #tpu.memory_space<vmem>>, vector<16xf32>,
        %swap3A_253 = arith.index_cast %scan3A_94 : i32 to index
        %swap3A_254 = arith.constant 272 : index
        %swap3A_255 = tpu.vector_load %arg7[%swap3A_253, %swap3A_254] {strides = array<i32>} : memref<32x768xf32, #tpu.memory_space<vmem>>, vector<16xf32>,
        tpu.vector_store %arg7[%swap3A_253, %swap3A_254], %gather3A_225 {strides = array<i32>} : memref<32x768xf32, #tpu.memory_space<vmem>>, vector<16xf32>,
        %swap3A_256 = arith.index_cast %scan3A_94 : i32 to index
        %swap3A_257 = arith.constant 288 : index
        %swap3A_258 = tpu.vector_load %arg7[%swap3A_256, %swap3A_257] {strides = array<i32>} : memref<32x768xf32, #tpu.memory_space<vmem>>, vector<16xf32>,
        tpu.vector_store %arg7[%swap3A_256, %swap3A_257], %gather3A_229 {strides = array<i32>} : memref<32x768xf32, #tpu.memory_space<vmem>>, vector<16xf32>,
        %swap3A_259 = arith.index_cast %scan3A_94 : i32 to index
        %swap3A_260 = arith.constant 304 : index
        %swap3A_261 = tpu.vector_load %arg7[%swap3A_259, %swap3A_260] {strides = array<i32>} : memref<32x768xf32, #tpu.memory_space<vmem>>, vector<16xf32>,
        tpu.vector_store %arg7[%swap3A_259, %swap3A_260], %gather3A_233 {strides = array<i32>} : memref<32x768xf32, #tpu.memory_space<vmem>>, vector<16xf32>,
        %swap3A_262 = arith.index_cast %scan3A_94 : i32 to index
        %swap3A_263 = arith.constant 320 : index
        %swap3A_264 = tpu.vector_load %arg7[%swap3A_262, %swap3A_263] {strides = array<i32>} : memref<32x768xf32, #tpu.memory_space<vmem>>, vector<16xf32>,
        tpu.vector_store %arg7[%swap3A_262, %swap3A_263], %gather3A_237 {strides = array<i32>} : memref<32x768xf32, #tpu.memory_space<vmem>>, vector<16xf32>,
        %swap3A_265 = arith.index_cast %scan3A_94 : i32 to index
        %swap3A_266 = arith.constant 336 : index
        %swap3A_267 = tpu.vector_load %arg7[%swap3A_265, %swap3A_266] {strides = array<i32>} : memref<32x768xf32, #tpu.memory_space<vmem>>, vector<16xf32>,
        tpu.vector_store %arg7[%swap3A_265, %swap3A_266], %gather3A_241 {strides = array<i32>} : memref<32x768xf32, #tpu.memory_space<vmem>>, vector<16xf32>,
        %swap3A_268 = arith.index_cast %scan3A_94 : i32 to index
        %swap3A_269 = arith.constant 352 : index
        %swap3A_270 = tpu.vector_load %arg7[%swap3A_268, %swap3A_269] {strides = array<i32>} : memref<32x768xf32, #tpu.memory_space<vmem>>, vector<16xf32>,
        tpu.vector_store %arg7[%swap3A_268, %swap3A_269], %gather3A_245 {strides = array<i32>} : memref<32x768xf32, #tpu.memory_space<vmem>>, vector<16xf32>,
        %swap3A_271 = arith.index_cast %scan3A_94 : i32 to index
        %swap3A_272 = arith.constant 368 : index
        %swap3A_273 = tpu.vector_load %arg7[%swap3A_271, %swap3A_272] {strides = array<i32>} : memref<32x768xf32, #tpu.memory_space<vmem>>, vector<16xf32>,
        tpu.vector_store %arg7[%swap3A_271, %swap3A_272], %gather3A_249 {strides = array<i32>} : memref<32x768xf32, #tpu.memory_space<vmem>>, vector<16xf32>,
        %add3A_274 = arith.constant 384 : i32
        %add3A_275 = vector.broadcast %add3A_274 : i32 to vector<16xi32>
        %add3A_276 = arith.addi %add3A_106, %add3A_275 : vector<16xi32>
        %gather3A_277 = tpu.vector_load_idx %arg5[%add3A_276] : memref<49152xf32, #tpu.memory_space<vmem>>[vector<16xi32>], vector<16xf32>,
        %add3A_278 = arith.constant 400 : i32
        %add3A_279 = vector.broadcast %add3A_278 : i32 to vector<16xi32>
        %add3A_280 = arith.addi %add3A_106, %add3A_279 : vector<16xi32>
        %gather3A_281 = tpu.vector_load_idx %arg5[%add3A_280] : memref<49152xf32, #tpu.memory_space<vmem>>[vector<16xi32>], vector<16xf32>,
        %add3A_282 = arith.constant 416 : i32
        %add3A_283 = vector.broadcast %add3A_282 : i32 to vector<16xi32>
        %add3A_284 = arith.addi %add3A_106, %add3A_283 : vector<16xi32>
        %gather3A_285 = tpu.vector_load_idx %arg5[%add3A_284] : memref<49152xf32, #tpu.memory_space<vmem>>[vector<16xi32>], vector<16xf32>,
        %add3A_286 = arith.constant 432 : i32
        %add3A_287 = vector.broadcast %add3A_286 : i32 to vector<16xi32>
        %add3A_288 = arith.addi %add3A_106, %add3A_287 : vector<16xi32>
        %gather3A_289 = tpu.vector_load_idx %arg5[%add3A_288] : memref<49152xf32, #tpu.memory_space<vmem>>[vector<16xi32>], vector<16xf32>,
        %add3A_290 = arith.constant 448 : i32
        %add3A_291 = vector.broadcast %add3A_290 : i32 to vector<16xi32>
        %add3A_292 = arith.addi %add3A_106, %add3A_291 : vector<16xi32>
        %gather3A_293 = tpu.vector_load_idx %arg5[%add3A_292] : memref<49152xf32, #tpu.memory_space<vmem>>[vector<16xi32>], vector<16xf32>,
        %add3A_294 = arith.constant 464 : i32
        %add3A_295 = vector.broadcast %add3A_294 : i32 to vector<16xi32>
        %add3A_296 = arith.addi %add3A_106, %add3A_295 : vector<16xi32>
        %gather3A_297 = tpu.vector_load_idx %arg5[%add3A_296] : memref<49152xf32, #tpu.memory_space<vmem>>[vector<16xi32>], vector<16xf32>,
        %add3A_298 = arith.constant 480 : i32
        %add3A_299 = vector.broadcast %add3A_298 : i32 to vector<16xi32>
        %add3A_300 = arith.addi %add3A_106, %add3A_299 : vector<16xi32>
        %gather3A_301 = tpu.vector_load_idx %arg5[%add3A_300] : memref<49152xf32, #tpu.memory_space<vmem>>[vector<16xi32>], vector<16xf32>,
        %add3A_302 = arith.constant 496 : i32
        %add3A_303 = vector.broadcast %add3A_302 : i32 to vector<16xi32>
        %add3A_304 = arith.addi %add3A_106, %add3A_303 : vector<16xi32>
        %gather3A_305 = tpu.vector_load_idx %arg5[%add3A_304] : memref<49152xf32, #tpu.memory_space<vmem>>[vector<16xi32>], vector<16xf32>,
        %swap3A_306 = arith.index_cast %scan3A_94 : i32 to index
        %swap3A_307 = arith.constant 384 : index
        %swap3A_308 = tpu.vector_load %arg7[%swap3A_306, %swap3A_307] {strides = array<i32>} : memref<32x768xf32, #tpu.memory_space<vmem>>, vector<16xf32>,
        tpu.vector_store %arg7[%swap3A_306, %swap3A_307], %gather3A_277 {strides = array<i32>} : memref<32x768xf32, #tpu.memory_space<vmem>>, vector<16xf32>,
        %swap3A_309 = arith.index_cast %scan3A_94 : i32 to index
        %swap3A_310 = arith.constant 400 : index
        %swap3A_311 = tpu.vector_load %arg7[%swap3A_309, %swap3A_310] {strides = array<i32>} : memref<32x768xf32, #tpu.memory_space<vmem>>, vector<16xf32>,
        tpu.vector_store %arg7[%swap3A_309, %swap3A_310], %gather3A_281 {strides = array<i32>} : memref<32x768xf32, #tpu.memory_space<vmem>>, vector<16xf32>,
        %swap3A_312 = arith.index_cast %scan3A_94 : i32 to index
        %swap3A_313 = arith.constant 416 : index
        %swap3A_314 = tpu.vector_load %arg7[%swap3A_312, %swap3A_313] {strides = array<i32>} : memref<32x768xf32, #tpu.memory_space<vmem>>, vector<16xf32>,
        tpu.vector_store %arg7[%swap3A_312, %swap3A_313], %gather3A_285 {strides = array<i32>} : memref<32x768xf32, #tpu.memory_space<vmem>>, vector<16xf32>,
        %swap3A_315 = arith.index_cast %scan3A_94 : i32 to index
        %swap3A_316 = arith.constant 432 : index
        %swap3A_317 = tpu.vector_load %arg7[%swap3A_315, %swap3A_316] {strides = array<i32>} : memref<32x768xf32, #tpu.memory_space<vmem>>, vector<16xf32>,
        tpu.vector_store %arg7[%swap3A_315, %swap3A_316], %gather3A_289 {strides = array<i32>} : memref<32x768xf32, #tpu.memory_space<vmem>>, vector<16xf32>,
        %swap3A_318 = arith.index_cast %scan3A_94 : i32 to index
        %swap3A_319 = arith.constant 448 : index
        %swap3A_320 = tpu.vector_load %arg7[%swap3A_318, %swap3A_319] {strides = array<i32>} : memref<32x768xf32, #tpu.memory_space<vmem>>, vector<16xf32>,
        tpu.vector_store %arg7[%swap3A_318, %swap3A_319], %gather3A_293 {strides = array<i32>} : memref<32x768xf32, #tpu.memory_space<vmem>>, vector<16xf32>,
        %swap3A_321 = arith.index_cast %scan3A_94 : i32 to index
        %swap3A_322 = arith.constant 464 : index
        %swap3A_323 = tpu.vector_load %arg7[%swap3A_321, %swap3A_322] {strides = array<i32>} : memref<32x768xf32, #tpu.memory_space<vmem>>, vector<16xf32>,
        tpu.vector_store %arg7[%swap3A_321, %swap3A_322], %gather3A_297 {strides = array<i32>} : memref<32x768xf32, #tpu.memory_space<vmem>>, vector<16xf32>,
        %swap3A_324 = arith.index_cast %scan3A_94 : i32 to index
        %swap3A_325 = arith.constant 480 : index
        %swap3A_326 = tpu.vector_load %arg7[%swap3A_324, %swap3A_325] {strides = array<i32>} : memref<32x768xf32, #tpu.memory_space<vmem>>, vector<16xf32>,
        tpu.vector_store %arg7[%swap3A_324, %swap3A_325], %gather3A_301 {strides = array<i32>} : memref<32x768xf32, #tpu.memory_space<vmem>>, vector<16xf32>,
        %swap3A_327 = arith.index_cast %scan3A_94 : i32 to index
        %swap3A_328 = arith.constant 496 : index
        %swap3A_329 = tpu.vector_load %arg7[%swap3A_327, %swap3A_328] {strides = array<i32>} : memref<32x768xf32, #tpu.memory_space<vmem>>, vector<16xf32>,
        tpu.vector_store %arg7[%swap3A_327, %swap3A_328], %gather3A_305 {strides = array<i32>} : memref<32x768xf32, #tpu.memory_space<vmem>>, vector<16xf32>,
        %add3A_330 = arith.constant 512 : i32
        %add3A_331 = vector.broadcast %add3A_330 : i32 to vector<16xi32>
        %add3A_332 = arith.addi %add3A_106, %add3A_331 : vector<16xi32>
        %gather3A_333 = tpu.vector_load_idx %arg5[%add3A_332] : memref<49152xf32, #tpu.memory_space<vmem>>[vector<16xi32>], vector<16xf32>,
        %add3A_334 = arith.constant 528 : i32
        %add3A_335 = vector.broadcast %add3A_334 : i32 to vector<16xi32>
        %add3A_336 = arith.addi %add3A_106, %add3A_335 : vector<16xi32>
        %gather3A_337 = tpu.vector_load_idx %arg5[%add3A_336] : memref<49152xf32, #tpu.memory_space<vmem>>[vector<16xi32>], vector<16xf32>,
        %add3A_338 = arith.constant 544 : i32
        %add3A_339 = vector.broadcast %add3A_338 : i32 to vector<16xi32>
        %add3A_340 = arith.addi %add3A_106, %add3A_339 : vector<16xi32>
        %gather3A_341 = tpu.vector_load_idx %arg5[%add3A_340] : memref<49152xf32, #tpu.memory_space<vmem>>[vector<16xi32>], vector<16xf32>,
        %add3A_342 = arith.constant 560 : i32
        %add3A_343 = vector.broadcast %add3A_342 : i32 to vector<16xi32>
        %add3A_344 = arith.addi %add3A_106, %add3A_343 : vector<16xi32>
        %gather3A_345 = tpu.vector_load_idx %arg5[%add3A_344] : memref<49152xf32, #tpu.memory_space<vmem>>[vector<16xi32>], vector<16xf32>,
        %add3A_346 = arith.constant 576 : i32
        %add3A_347 = vector.broadcast %add3A_346 : i32 to vector<16xi32>
        %add3A_348 = arith.addi %add3A_106, %add3A_347 : vector<16xi32>
        %gather3A_349 = tpu.vector_load_idx %arg5[%add3A_348] : memref<49152xf32, #tpu.memory_space<vmem>>[vector<16xi32>], vector<16xf32>,
        %add3A_350 = arith.constant 592 : i32
        %add3A_351 = vector.broadcast %add3A_350 : i32 to vector<16xi32>
        %add3A_352 = arith.addi %add3A_106, %add3A_351 : vector<16xi32>
        %gather3A_353 = tpu.vector_load_idx %arg5[%add3A_352] : memref<49152xf32, #tpu.memory_space<vmem>>[vector<16xi32>], vector<16xf32>,
        %add3A_354 = arith.constant 608 : i32
        %add3A_355 = vector.broadcast %add3A_354 : i32 to vector<16xi32>
        %add3A_356 = arith.addi %add3A_106, %add3A_355 : vector<16xi32>
        %gather3A_357 = tpu.vector_load_idx %arg5[%add3A_356] : memref<49152xf32, #tpu.memory_space<vmem>>[vector<16xi32>], vector<16xf32>,
        %add3A_358 = arith.constant 624 : i32
        %add3A_359 = vector.broadcast %add3A_358 : i32 to vector<16xi32>
        %add3A_360 = arith.addi %add3A_106, %add3A_359 : vector<16xi32>
        %gather3A_361 = tpu.vector_load_idx %arg5[%add3A_360] : memref<49152xf32, #tpu.memory_space<vmem>>[vector<16xi32>], vector<16xf32>,
        %swap3A_362 = arith.index_cast %scan3A_94 : i32 to index
        %swap3A_363 = arith.constant 512 : index
        %swap3A_364 = tpu.vector_load %arg7[%swap3A_362, %swap3A_363] {strides = array<i32>} : memref<32x768xf32, #tpu.memory_space<vmem>>, vector<16xf32>,
        tpu.vector_store %arg7[%swap3A_362, %swap3A_363], %gather3A_333 {strides = array<i32>} : memref<32x768xf32, #tpu.memory_space<vmem>>, vector<16xf32>,
        %swap3A_365 = arith.index_cast %scan3A_94 : i32 to index
        %swap3A_366 = arith.constant 528 : index
        %swap3A_367 = tpu.vector_load %arg7[%swap3A_365, %swap3A_366] {strides = array<i32>} : memref<32x768xf32, #tpu.memory_space<vmem>>, vector<16xf32>,
        tpu.vector_store %arg7[%swap3A_365, %swap3A_366], %gather3A_337 {strides = array<i32>} : memref<32x768xf32, #tpu.memory_space<vmem>>, vector<16xf32>,
        %swap3A_368 = arith.index_cast %scan3A_94 : i32 to index
        %swap3A_369 = arith.constant 544 : index
        %swap3A_370 = tpu.vector_load %arg7[%swap3A_368, %swap3A_369] {strides = array<i32>} : memref<32x768xf32, #tpu.memory_space<vmem>>, vector<16xf32>,
        tpu.vector_store %arg7[%swap3A_368, %swap3A_369], %gather3A_341 {strides = array<i32>} : memref<32x768xf32, #tpu.memory_space<vmem>>, vector<16xf32>,
        %swap3A_371 = arith.index_cast %scan3A_94 : i32 to index
        %swap3A_372 = arith.constant 560 : index
        %swap3A_373 = tpu.vector_load %arg7[%swap3A_371, %swap3A_372] {strides = array<i32>} : memref<32x768xf32, #tpu.memory_space<vmem>>, vector<16xf32>,
        tpu.vector_store %arg7[%swap3A_371, %swap3A_372], %gather3A_345 {strides = array<i32>} : memref<32x768xf32, #tpu.memory_space<vmem>>, vector<16xf32>,
        %swap3A_374 = arith.index_cast %scan3A_94 : i32 to index
        %swap3A_375 = arith.constant 576 : index
        %swap3A_376 = tpu.vector_load %arg7[%swap3A_374, %swap3A_375] {strides = array<i32>} : memref<32x768xf32, #tpu.memory_space<vmem>>, vector<16xf32>,
        tpu.vector_store %arg7[%swap3A_374, %swap3A_375], %gather3A_349 {strides = array<i32>} : memref<32x768xf32, #tpu.memory_space<vmem>>, vector<16xf32>,
        %swap3A_377 = arith.index_cast %scan3A_94 : i32 to index
        %swap3A_378 = arith.constant 592 : index
        %swap3A_379 = tpu.vector_load %arg7[%swap3A_377, %swap3A_378] {strides = array<i32>} : memref<32x768xf32, #tpu.memory_space<vmem>>, vector<16xf32>,
        tpu.vector_store %arg7[%swap3A_377, %swap3A_378], %gather3A_353 {strides = array<i32>} : memref<32x768xf32, #tpu.memory_space<vmem>>, vector<16xf32>,
        %swap3A_380 = arith.index_cast %scan3A_94 : i32 to index
        %swap3A_381 = arith.constant 608 : index
        %swap3A_382 = tpu.vector_load %arg7[%swap3A_380, %swap3A_381] {strides = array<i32>} : memref<32x768xf32, #tpu.memory_space<vmem>>, vector<16xf32>,
        tpu.vector_store %arg7[%swap3A_380, %swap3A_381], %gather3A_357 {strides = array<i32>} : memref<32x768xf32, #tpu.memory_space<vmem>>, vector<16xf32>,
        %swap3A_383 = arith.index_cast %scan3A_94 : i32 to index
        %swap3A_384 = arith.constant 624 : index
        %swap3A_385 = tpu.vector_load %arg7[%swap3A_383, %swap3A_384] {strides = array<i32>} : memref<32x768xf32, #tpu.memory_space<vmem>>, vector<16xf32>,
        tpu.vector_store %arg7[%swap3A_383, %swap3A_384], %gather3A_361 {strides = array<i32>} : memref<32x768xf32, #tpu.memory_space<vmem>>, vector<16xf32>,
        %add3A_386 = arith.constant 640 : i32
        %add3A_387 = vector.broadcast %add3A_386 : i32 to vector<16xi32>
        %add3A_388 = arith.addi %add3A_106, %add3A_387 : vector<16xi32>
        %gather3A_389 = tpu.vector_load_idx %arg5[%add3A_388] : memref<49152xf32, #tpu.memory_space<vmem>>[vector<16xi32>], vector<16xf32>,
        %add3A_390 = arith.constant 656 : i32
        %add3A_391 = vector.broadcast %add3A_390 : i32 to vector<16xi32>
        %add3A_392 = arith.addi %add3A_106, %add3A_391 : vector<16xi32>
        %gather3A_393 = tpu.vector_load_idx %arg5[%add3A_392] : memref<49152xf32, #tpu.memory_space<vmem>>[vector<16xi32>], vector<16xf32>,
        %add3A_394 = arith.constant 672 : i32
        %add3A_395 = vector.broadcast %add3A_394 : i32 to vector<16xi32>
        %add3A_396 = arith.addi %add3A_106, %add3A_395 : vector<16xi32>
        %gather3A_397 = tpu.vector_load_idx %arg5[%add3A_396] : memref<49152xf32, #tpu.memory_space<vmem>>[vector<16xi32>], vector<16xf32>,
        %add3A_398 = arith.constant 688 : i32
        %add3A_399 = vector.broadcast %add3A_398 : i32 to vector<16xi32>
        %add3A_400 = arith.addi %add3A_106, %add3A_399 : vector<16xi32>
        %gather3A_401 = tpu.vector_load_idx %arg5[%add3A_400] : memref<49152xf32, #tpu.memory_space<vmem>>[vector<16xi32>], vector<16xf32>,
        %add3A_402 = arith.constant 704 : i32
        %add3A_403 = vector.broadcast %add3A_402 : i32 to vector<16xi32>
        %add3A_404 = arith.addi %add3A_106, %add3A_403 : vector<16xi32>
        %gather3A_405 = tpu.vector_load_idx %arg5[%add3A_404] : memref<49152xf32, #tpu.memory_space<vmem>>[vector<16xi32>], vector<16xf32>,
        %add3A_406 = arith.constant 720 : i32
        %add3A_407 = vector.broadcast %add3A_406 : i32 to vector<16xi32>
        %add3A_408 = arith.addi %add3A_106, %add3A_407 : vector<16xi32>
        %gather3A_409 = tpu.vector_load_idx %arg5[%add3A_408] : memref<49152xf32, #tpu.memory_space<vmem>>[vector<16xi32>], vector<16xf32>,
        %add3A_410 = arith.constant 736 : i32
        %add3A_411 = vector.broadcast %add3A_410 : i32 to vector<16xi32>
        %add3A_412 = arith.addi %add3A_106, %add3A_411 : vector<16xi32>
        %gather3A_413 = tpu.vector_load_idx %arg5[%add3A_412] : memref<49152xf32, #tpu.memory_space<vmem>>[vector<16xi32>], vector<16xf32>,
        %add3A_414 = arith.constant 752 : i32
        %add3A_415 = vector.broadcast %add3A_414 : i32 to vector<16xi32>
        %add3A_416 = arith.addi %add3A_106, %add3A_415 : vector<16xi32>
        %gather3A_417 = tpu.vector_load_idx %arg5[%add3A_416] : memref<49152xf32, #tpu.memory_space<vmem>>[vector<16xi32>], vector<16xf32>,
        %swap3A_418 = arith.index_cast %scan3A_94 : i32 to index
        %swap3A_419 = arith.constant 640 : index
        %swap3A_420 = tpu.vector_load %arg7[%swap3A_418, %swap3A_419] {strides = array<i32>} : memref<32x768xf32, #tpu.memory_space<vmem>>, vector<16xf32>,
        tpu.vector_store %arg7[%swap3A_418, %swap3A_419], %gather3A_389 {strides = array<i32>} : memref<32x768xf32, #tpu.memory_space<vmem>>, vector<16xf32>,
        %swap3A_421 = arith.index_cast %scan3A_94 : i32 to index
        %swap3A_422 = arith.constant 656 : index
        %swap3A_423 = tpu.vector_load %arg7[%swap3A_421, %swap3A_422] {strides = array<i32>} : memref<32x768xf32, #tpu.memory_space<vmem>>, vector<16xf32>,
        tpu.vector_store %arg7[%swap3A_421, %swap3A_422], %gather3A_393 {strides = array<i32>} : memref<32x768xf32, #tpu.memory_space<vmem>>, vector<16xf32>,
        %swap3A_424 = arith.index_cast %scan3A_94 : i32 to index
        %swap3A_425 = arith.constant 672 : index
        %swap3A_426 = tpu.vector_load %arg7[%swap3A_424, %swap3A_425] {strides = array<i32>} : memref<32x768xf32, #tpu.memory_space<vmem>>, vector<16xf32>,
        tpu.vector_store %arg7[%swap3A_424, %swap3A_425], %gather3A_397 {strides = array<i32>} : memref<32x768xf32, #tpu.memory_space<vmem>>, vector<16xf32>,
        %swap3A_427 = arith.index_cast %scan3A_94 : i32 to index
        %swap3A_428 = arith.constant 688 : index
        %swap3A_429 = tpu.vector_load %arg7[%swap3A_427, %swap3A_428] {strides = array<i32>} : memref<32x768xf32, #tpu.memory_space<vmem>>, vector<16xf32>,
        tpu.vector_store %arg7[%swap3A_427, %swap3A_428], %gather3A_401 {strides = array<i32>} : memref<32x768xf32, #tpu.memory_space<vmem>>, vector<16xf32>,
        %swap3A_430 = arith.index_cast %scan3A_94 : i32 to index
        %swap3A_431 = arith.constant 704 : index
        %swap3A_432 = tpu.vector_load %arg7[%swap3A_430, %swap3A_431] {strides = array<i32>} : memref<32x768xf32, #tpu.memory_space<vmem>>, vector<16xf32>,
        tpu.vector_store %arg7[%swap3A_430, %swap3A_431], %gather3A_405 {strides = array<i32>} : memref<32x768xf32, #tpu.memory_space<vmem>>, vector<16xf32>,
        %swap3A_433 = arith.index_cast %scan3A_94 : i32 to index
        %swap3A_434 = arith.constant 720 : index
        %swap3A_435 = tpu.vector_load %arg7[%swap3A_433, %swap3A_434] {strides = array<i32>} : memref<32x768xf32, #tpu.memory_space<vmem>>, vector<16xf32>,
        tpu.vector_store %arg7[%swap3A_433, %swap3A_434], %gather3A_409 {strides = array<i32>} : memref<32x768xf32, #tpu.memory_space<vmem>>, vector<16xf32>,
        %swap3A_436 = arith.index_cast %scan3A_94 : i32 to index
        %swap3A_437 = arith.constant 736 : index
        %swap3A_438 = tpu.vector_load %arg7[%swap3A_436, %swap3A_437] {strides = array<i32>} : memref<32x768xf32, #tpu.memory_space<vmem>>, vector<16xf32>,
        tpu.vector_store %arg7[%swap3A_436, %swap3A_437], %gather3A_413 {strides = array<i32>} : memref<32x768xf32, #tpu.memory_space<vmem>>, vector<16xf32>,
        %swap3A_439 = arith.index_cast %scan3A_94 : i32 to index
        %swap3A_440 = arith.constant 752 : index
        %swap3A_441 = tpu.vector_load %arg7[%swap3A_439, %swap3A_440] {strides = array<i32>} : memref<32x768xf32, #tpu.memory_space<vmem>>, vector<16xf32>,
        tpu.vector_store %arg7[%swap3A_439, %swap3A_440], %gather3A_417 {strides = array<i32>} : memref<32x768xf32, #tpu.memory_space<vmem>>, vector<16xf32>,
      }
      %scan3A_60 = arith.constant 32 : i32
      %mul3A_61 = arith.constant 32 : i32
      %mul3A_62 = arith.muli %add3A_46, %mul3A_61 : i32
      %add3A_63 = arith.addi %mul3A_2, %mul3A_62 : i32
      %dma_start3A_64 = arith.constant 0 : i32
      %dma_start3A_65 = tpu.memref_slice %arg4[%add3A_63, %dma_start3A_64] : memref<65536x768xf32, #tpu.memory_space<hbm>> -> memref<32x768xf32, #tpu.memory_space<hbm>>
      %dma_start3A_66 = arith.constant 0 : i32
      %dma_start3A_67 = tpu.memref_slice %arg4[%add3A_63, %dma_start3A_66] : memref<65536x768xf32, #tpu.memory_space<hbm>> -> memref<32x768xf32, #tpu.memory_space<hbm>>
      tpu.enqueue_dma source(%arg7 : memref<32x768xf32, #tpu.memory_space<vmem>>) target(%dma_start3A_67 : memref<32x768xf32, #tpu.memory_space<hbm>>) target_semaphore(%arg9 : memref<!tpu.dma_semaphore, #tpu.memory_space<semaphore_mem>>)
      %mul3A_68 = arith.constant 2 : i32
      %mul3A_69 = arith.muli %scan3A_42, %mul3A_68 : i32
      %add3A_70 = arith.constant 1 : i32
      %add3A_71 = arith.addi %mul3A_69, %add3A_70 : i32
      %sub3A_72 = arith.constant 2 : i32
      %sub3A_73 = arith.subi %add3A_71, %sub3A_72 : i32
      %mul3A_74 = arith.constant 32 : i32
      %mul3A_75 = arith.muli %sub3A_73, %mul3A_74 : i32
      %add3A_76 = arith.addi %mul3A_2, %mul3A_75 : i32
      %dma_wait3A_77 = arith.constant 0 : i32
      %dma_wait3A_78 = tpu.memref_slice %arg4[%add3A_76, %dma_wait3A_77] : memref<65536x768xf32, #tpu.memory_space<hbm>> -> memref<32x768xf32, #tpu.memory_space<hbm>>
      %dma_wait3A_79 = arith.constant 0 : i32
      %dma_wait3A_80 = tpu.memref_slice %arg4[%add3A_76, %dma_wait3A_79] : memref<65536x768xf32, #tpu.memory_space<hbm>> -> memref<32x768xf32, #tpu.memory_space<hbm>>
      tpu.wait_dma2 semaphore(%arg10 : memref<!tpu.dma_semaphore, #tpu.memory_space<semaphore_mem>>) src(%arg8 : memref<32x768xf32, #tpu.memory_space<vmem>>) dst(%dma_wait3A_80 : memref<32x768xf32, #tpu.memory_space<hbm>>)
      %scan3A_81 = arith.constant 0 : i32
      %scan3A_82 = arith.constant 0 : i32
      %scan3A_83 = arith.constant 32 : i32
      %scan3A_84 = arith.addi %scan3A_82, %scan3A_83 : i32
      %scan3A_85 = arith.constant 1 : i32
      scf.for %scan3A_94 = %scan3A_82 to %scan3A_84 step %scan3A_85  : i32 {
        %mul3A_95 = arith.constant 0 : i32
        %mul3A_96 = vector.broadcast %mul3A_95 : i32 to vector<16xi32>
        %mul3A_97 = arith.muli %iota3A, %mul3A_96 : vector<16xi32>
        %mul3A_98 = arith.constant 32 : i32
        %mul3A_99 = arith.muli %add3A_71, %mul3A_98 : i32
        %add3A_100 = arith.addi %mul3A_99, %scan3A_94 : i32
        %add3A_101 = vector.broadcast %add3A_100 : i32 to vector<16xi32>
        %add3A_102 = arith.addi %mul3A_97, %add3A_101 : vector<16xi32>
        %gather3A = tpu.vector_load_idx %arg6[%add3A_102] : memref<2048xi32, #tpu.memory_space<vmem>>[vector<16xi32>], vector<16xi32>,
        %mul3A_103 = arith.constant 768 : i32
        %mul3A_104 = vector.broadcast %mul3A_103 : i32 to vector<16xi32>
        %mul3A_105 = arith.muli %gather3A, %mul3A_104 : vector<16xi32>
        %add3A_106 = arith.addi %mul3A_105, %iota3A : vector<16xi32>
        %add3A_107 = arith.constant 0 : i32
        %add3A_108 = vector.broadcast %add3A_107 : i32 to vector<16xi32>
        %add3A_109 = arith.addi %add3A_106, %add3A_108 : vector<16xi32>
        %gather3A_110 = tpu.vector_load_idx %arg5[%add3A_109] : memref<49152xf32, #tpu.memory_space<vmem>>[vector<16xi32>], vector<16xf32>,
        %add3A_111 = arith.constant 16 : i32
        %add3A_112 = vector.broadcast %add3A_111 : i32 to vector<16xi32>
        %add3A_113 = arith.addi %add3A_106, %add3A_112 : vector<16xi32>
        %gather3A_114 = tpu.vector_load_idx %arg5[%add3A_113] : memref<49152xf32, #tpu.memory_space<vmem>>[vector<16xi32>], vector<16xf32>,
        %add3A_115 = arith.constant 32 : i32
        %add3A_116 = vector.broadcast %add3A_115 : i32 to vector<16xi32>
        %add3A_117 = arith.addi %add3A_106, %add3A_116 : vector<16xi32>
        %gather3A_118 = tpu.vector_load_idx %arg5[%add3A_117] : memref<49152xf32, #tpu.memory_space<vmem>>[vector<16xi32>], vector<16xf32>,
        %add3A_119 = arith.constant 48 : i32
        %add3A_120 = vector.broadcast %add3A_119 : i32 to vector<16xi32>
        %add3A_121 = arith.addi %add3A_106, %add3A_120 : vector<16xi32>
        %gather3A_122 = tpu.vector_load_idx %arg5[%add3A_121] : memref<49152xf32, #tpu.memory_space<vmem>>[vector<16xi32>], vector<16xf32>,
        %add3A_123 = arith.constant 64 : i32
        %add3A_124 = vector.broadcast %add3A_123 : i32 to vector<16xi32>
        %add3A_125 = arith.addi %add3A_106, %add3A_124 : vector<16xi32>
        %gather3A_126 = tpu.vector_load_idx %arg5[%add3A_125] : memref<49152xf32, #tpu.memory_space<vmem>>[vector<16xi32>], vector<16xf32>,
        %add3A_127 = arith.constant 80 : i32
        %add3A_128 = vector.broadcast %add3A_127 : i32 to vector<16xi32>
        %add3A_129 = arith.addi %add3A_106, %add3A_128 : vector<16xi32>
        %gather3A_130 = tpu.vector_load_idx %arg5[%add3A_129] : memref<49152xf32, #tpu.memory_space<vmem>>[vector<16xi32>], vector<16xf32>,
        %add3A_131 = arith.constant 96 : i32
        %add3A_132 = vector.broadcast %add3A_131 : i32 to vector<16xi32>
        %add3A_133 = arith.addi %add3A_106, %add3A_132 : vector<16xi32>
        %gather3A_134 = tpu.vector_load_idx %arg5[%add3A_133] : memref<49152xf32, #tpu.memory_space<vmem>>[vector<16xi32>], vector<16xf32>,
        %add3A_135 = arith.constant 112 : i32
        %add3A_136 = vector.broadcast %add3A_135 : i32 to vector<16xi32>
        %add3A_137 = arith.addi %add3A_106, %add3A_136 : vector<16xi32>
        %gather3A_138 = tpu.vector_load_idx %arg5[%add3A_137] : memref<49152xf32, #tpu.memory_space<vmem>>[vector<16xi32>], vector<16xf32>,
        %swap3A = arith.index_cast %scan3A_94 : i32 to index
        %swap3A_139 = arith.constant 0 : index
        %swap3A_140 = tpu.vector_load %arg8[%swap3A, %swap3A_139] {strides = array<i32>} : memref<32x768xf32, #tpu.memory_space<vmem>>, vector<16xf32>,
        tpu.vector_store %arg8[%swap3A, %swap3A_139], %gather3A_110 {strides = array<i32>} : memref<32x768xf32, #tpu.memory_space<vmem>>, vector<16xf32>,
        %swap3A_141 = arith.index_cast %scan3A_94 : i32 to index
        %swap3A_142 = arith.constant 16 : index
        %swap3A_143 = tpu.vector_load %arg8[%swap3A_141, %swap3A_142] {strides = array<i32>} : memref<32x768xf32, #tpu.memory_space<vmem>>, vector<16xf32>,
        tpu.vector_store %arg8[%swap3A_141, %swap3A_142], %gather3A_114 {strides = array<i32>} : memref<32x768xf32, #tpu.memory_space<vmem>>, vector<16xf32>,
        %swap3A_144 = arith.index_cast %scan3A_94 : i32 to index
        %swap3A_145 = arith.constant 32 : index
        %swap3A_146 = tpu.vector_load %arg8[%swap3A_144, %swap3A_145] {strides = array<i32>} : memref<32x768xf32, #tpu.memory_space<vmem>>, vector<16xf32>,
        tpu.vector_store %arg8[%swap3A_144, %swap3A_145], %gather3A_118 {strides = array<i32>} : memref<32x768xf32, #tpu.memory_space<vmem>>, vector<16xf32>,
        %swap3A_147 = arith.index_cast %scan3A_94 : i32 to index
        %swap3A_148 = arith.constant 48 : index
        %swap3A_149 = tpu.vector_load %arg8[%swap3A_147, %swap3A_148] {strides = array<i32>} : memref<32x768xf32, #tpu.memory_space<vmem>>, vector<16xf32>,
        tpu.vector_store %arg8[%swap3A_147, %swap3A_148], %gather3A_122 {strides = array<i32>} : memref<32x768xf32, #tpu.memory_space<vmem>>, vector<16xf32>,
        %swap3A_150 = arith.index_cast %scan3A_94 : i32 to index
        %swap3A_151 = arith.constant 64 : index
        %swap3A_152 = tpu.vector_load %arg8[%swap3A_150, %swap3A_151] {strides = array<i32>} : memref<32x768xf32, #tpu.memory_space<vmem>>, vector<16xf32>,
        tpu.vector_store %arg8[%swap3A_150, %swap3A_151], %gather3A_126 {strides = array<i32>} : memref<32x768xf32, #tpu.memory_space<vmem>>, vector<16xf32>,
        %swap3A_153 = arith.index_cast %scan3A_94 : i32 to index
        %swap3A_154 = arith.constant 80 : index
        %swap3A_155 = tpu.vector_load %arg8[%swap3A_153, %swap3A_154] {strides = array<i32>} : memref<32x768xf32, #tpu.memory_space<vmem>>, vector<16xf32>,
        tpu.vector_store %arg8[%swap3A_153, %swap3A_154], %gather3A_130 {strides = array<i32>} : memref<32x768xf32, #tpu.memory_space<vmem>>, vector<16xf32>,
        %swap3A_156 = arith.index_cast %scan3A_94 : i32 to index
        %swap3A_157 = arith.constant 96 : index
        %swap3A_158 = tpu.vector_load %arg8[%swap3A_156, %swap3A_157] {strides = array<i32>} : memref<32x768xf32, #tpu.memory_space<vmem>>, vector<16xf32>,
        tpu.vector_store %arg8[%swap3A_156, %swap3A_157], %gather3A_134 {strides = array<i32>} : memref<32x768xf32, #tpu.memory_space<vmem>>, vector<16xf32>,
        %swap3A_159 = arith.index_cast %scan3A_94 : i32 to index
        %swap3A_160 = arith.constant 112 : index
        %swap3A_161 = tpu.vector_load %arg8[%swap3A_159, %swap3A_160] {strides = array<i32>} : memref<32x768xf32, #tpu.memory_space<vmem>>, vector<16xf32>,
        tpu.vector_store %arg8[%swap3A_159, %swap3A_160], %gather3A_138 {strides = array<i32>} : memref<32x768xf32, #tpu.memory_space<vmem>>, vector<16xf32>,
        %add3A_162 = arith.constant 128 : i32
        %add3A_163 = vector.broadcast %add3A_162 : i32 to vector<16xi32>
        %add3A_164 = arith.addi %add3A_106, %add3A_163 : vector<16xi32>
        %gather3A_165 = tpu.vector_load_idx %arg5[%add3A_164] : memref<49152xf32, #tpu.memory_space<vmem>>[vector<16xi32>], vector<16xf32>,
        %add3A_166 = arith.constant 144 : i32
        %add3A_167 = vector.broadcast %add3A_166 : i32 to vector<16xi32>
        %add3A_168 = arith.addi %add3A_106, %add3A_167 : vector<16xi32>
        %gather3A_169 = tpu.vector_load_idx %arg5[%add3A_168] : memref<49152xf32, #tpu.memory_space<vmem>>[vector<16xi32>], vector<16xf32>,
        %add3A_170 = arith.constant 160 : i32
        %add3A_171 = vector.broadcast %add3A_170 : i32 to vector<16xi32>
        %add3A_172 = arith.addi %add3A_106, %add3A_171 : vector<16xi32>
        %gather3A_173 = tpu.vector_load_idx %arg5[%add3A_172] : memref<49152xf32, #tpu.memory_space<vmem>>[vector<16xi32>], vector<16xf32>,
        %add3A_174 = arith.constant 176 : i32
        %add3A_175 = vector.broadcast %add3A_174 : i32 to vector<16xi32>
        %add3A_176 = arith.addi %add3A_106, %add3A_175 : vector<16xi32>
        %gather3A_177 = tpu.vector_load_idx %arg5[%add3A_176] : memref<49152xf32, #tpu.memory_space<vmem>>[vector<16xi32>], vector<16xf32>,
        %add3A_178 = arith.constant 192 : i32
        %add3A_179 = vector.broadcast %add3A_178 : i32 to vector<16xi32>
        %add3A_180 = arith.addi %add3A_106, %add3A_179 : vector<16xi32>
        %gather3A_181 = tpu.vector_load_idx %arg5[%add3A_180] : memref<49152xf32, #tpu.memory_space<vmem>>[vector<16xi32>], vector<16xf32>,
        %add3A_182 = arith.constant 208 : i32
        %add3A_183 = vector.broadcast %add3A_182 : i32 to vector<16xi32>
        %add3A_184 = arith.addi %add3A_106, %add3A_183 : vector<16xi32>
        %gather3A_185 = tpu.vector_load_idx %arg5[%add3A_184] : memref<49152xf32, #tpu.memory_space<vmem>>[vector<16xi32>], vector<16xf32>,
        %add3A_186 = arith.constant 224 : i32
        %add3A_187 = vector.broadcast %add3A_186 : i32 to vector<16xi32>
        %add3A_188 = arith.addi %add3A_106, %add3A_187 : vector<16xi32>
        %gather3A_189 = tpu.vector_load_idx %arg5[%add3A_188] : memref<49152xf32, #tpu.memory_space<vmem>>[vector<16xi32>], vector<16xf32>,
        %add3A_190 = arith.constant 240 : i32
        %add3A_191 = vector.broadcast %add3A_190 : i32 to vector<16xi32>
        %add3A_192 = arith.addi %add3A_106, %add3A_191 : vector<16xi32>
        %gather3A_193 = tpu.vector_load_idx %arg5[%add3A_192] : memref<49152xf32, #tpu.memory_space<vmem>>[vector<16xi32>], vector<16xf32>,
        %swap3A_194 = arith.index_cast %scan3A_94 : i32 to index
        %swap3A_195 = arith.constant 128 : index
        %swap3A_196 = tpu.vector_load %arg8[%swap3A_194, %swap3A_195] {strides = array<i32>} : memref<32x768xf32, #tpu.memory_space<vmem>>, vector<16xf32>,
        tpu.vector_store %arg8[%swap3A_194, %swap3A_195], %gather3A_165 {strides = array<i32>} : memref<32x768xf32, #tpu.memory_space<vmem>>, vector<16xf32>,
        %swap3A_197 = arith.index_cast %scan3A_94 : i32 to index
        %swap3A_198 = arith.constant 144 : index
        %swap3A_199 = tpu.vector_load %arg8[%swap3A_197, %swap3A_198] {strides = array<i32>} : memref<32x768xf32, #tpu.memory_space<vmem>>, vector<16xf32>,
        tpu.vector_store %arg8[%swap3A_197, %swap3A_198], %gather3A_169 {strides = array<i32>} : memref<32x768xf32, #tpu.memory_space<vmem>>, vector<16xf32>,
        %swap3A_200 = arith.index_cast %scan3A_94 : i32 to index
        %swap3A_201 = arith.constant 160 : index
        %swap3A_202 = tpu.vector_load %arg8[%swap3A_200, %swap3A_201] {strides = array<i32>} : memref<32x768xf32, #tpu.memory_space<vmem>>, vector<16xf32>,
        tpu.vector_store %arg8[%swap3A_200, %swap3A_201], %gather3A_173 {strides = array<i32>} : memref<32x768xf32, #tpu.memory_space<vmem>>, vector<16xf32>,
        %swap3A_203 = arith.index_cast %scan3A_94 : i32 to index
        %swap3A_204 = arith.constant 176 : index
        %swap3A_205 = tpu.vector_load %arg8[%swap3A_203, %swap3A_204] {strides = array<i32>} : memref<32x768xf32, #tpu.memory_space<vmem>>, vector<16xf32>,
        tpu.vector_store %arg8[%swap3A_203, %swap3A_204], %gather3A_177 {strides = array<i32>} : memref<32x768xf32, #tpu.memory_space<vmem>>, vector<16xf32>,
        %swap3A_206 = arith.index_cast %scan3A_94 : i32 to index
        %swap3A_207 = arith.constant 192 : index
        %swap3A_208 = tpu.vector_load %arg8[%swap3A_206, %swap3A_207] {strides = array<i32>} : memref<32x768xf32, #tpu.memory_space<vmem>>, vector<16xf32>,
        tpu.vector_store %arg8[%swap3A_206, %swap3A_207], %gather3A_181 {strides = array<i32>} : memref<32x768xf32, #tpu.memory_space<vmem>>, vector<16xf32>,
        %swap3A_209 = arith.index_cast %scan3A_94 : i32 to index
        %swap3A_210 = arith.constant 208 : index
        %swap3A_211 = tpu.vector_load %arg8[%swap3A_209, %swap3A_210] {strides = array<i32>} : memref<32x768xf32, #tpu.memory_space<vmem>>, vector<16xf32>,
        tpu.vector_store %arg8[%swap3A_209, %swap3A_210], %gather3A_185 {strides = array<i32>} : memref<32x768xf32, #tpu.memory_space<vmem>>, vector<16xf32>,
        %swap3A_212 = arith.index_cast %scan3A_94 : i32 to index
        %swap3A_213 = arith.constant 224 : index
        %swap3A_214 = tpu.vector_load %arg8[%swap3A_212, %swap3A_213] {strides = array<i32>} : memref<32x768xf32, #tpu.memory_space<vmem>>, vector<16xf32>,
        tpu.vector_store %arg8[%swap3A_212, %swap3A_213], %gather3A_189 {strides = array<i32>} : memref<32x768xf32, #tpu.memory_space<vmem>>, vector<16xf32>,
        %swap3A_215 = arith.index_cast %scan3A_94 : i32 to index
        %swap3A_216 = arith.constant 240 : index
        %swap3A_217 = tpu.vector_load %arg8[%swap3A_215, %swap3A_216] {strides = array<i32>} : memref<32x768xf32, #tpu.memory_space<vmem>>, vector<16xf32>,
        tpu.vector_store %arg8[%swap3A_215, %swap3A_216], %gather3A_193 {strides = array<i32>} : memref<32x768xf32, #tpu.memory_space<vmem>>, vector<16xf32>,
        %add3A_218 = arith.constant 256 : i32
        %add3A_219 = vector.broadcast %add3A_218 : i32 to vector<16xi32>
        %add3A_220 = arith.addi %add3A_106, %add3A_219 : vector<16xi32>
        %gather3A_221 = tpu.vector_load_idx %arg5[%add3A_220] : memref<49152xf32, #tpu.memory_space<vmem>>[vector<16xi32>], vector<16xf32>,
        %add3A_222 = arith.constant 272 : i32
        %add3A_223 = vector.broadcast %add3A_222 : i32 to vector<16xi32>
        %add3A_224 = arith.addi %add3A_106, %add3A_223 : vector<16xi32>
        %gather3A_225 = tpu.vector_load_idx %arg5[%add3A_224] : memref<49152xf32, #tpu.memory_space<vmem>>[vector<16xi32>], vector<16xf32>,
        %add3A_226 = arith.constant 288 : i32
        %add3A_227 = vector.broadcast %add3A_226 : i32 to vector<16xi32>
        %add3A_228 = arith.addi %add3A_106, %add3A_227 : vector<16xi32>
        %gather3A_229 = tpu.vector_load_idx %arg5[%add3A_228] : memref<49152xf32, #tpu.memory_space<vmem>>[vector<16xi32>], vector<16xf32>,
        %add3A_230 = arith.constant 304 : i32
        %add3A_231 = vector.broadcast %add3A_230 : i32 to vector<16xi32>
        %add3A_232 = arith.addi %add3A_106, %add3A_231 : vector<16xi32>
        %gather3A_233 = tpu.vector_load_idx %arg5[%add3A_232] : memref<49152xf32, #tpu.memory_space<vmem>>[vector<16xi32>], vector<16xf32>,
        %add3A_234 = arith.constant 320 : i32
        %add3A_235 = vector.broadcast %add3A_234 : i32 to vector<16xi32>
        %add3A_236 = arith.addi %add3A_106, %add3A_235 : vector<16xi32>
        %gather3A_237 = tpu.vector_load_idx %arg5[%add3A_236] : memref<49152xf32, #tpu.memory_space<vmem>>[vector<16xi32>], vector<16xf32>,
        %add3A_238 = arith.constant 336 : i32
        %add3A_239 = vector.broadcast %add3A_238 : i32 to vector<16xi32>
        %add3A_240 = arith.addi %add3A_106, %add3A_239 : vector<16xi32>
        %gather3A_241 = tpu.vector_load_idx %arg5[%add3A_240] : memref<49152xf32, #tpu.memory_space<vmem>>[vector<16xi32>], vector<16xf32>,
        %add3A_242 = arith.constant 352 : i32
        %add3A_243 = vector.broadcast %add3A_242 : i32 to vector<16xi32>
        %add3A_244 = arith.addi %add3A_106, %add3A_243 : vector<16xi32>
        %gather3A_245 = tpu.vector_load_idx %arg5[%add3A_244] : memref<49152xf32, #tpu.memory_space<vmem>>[vector<16xi32>], vector<16xf32>,
        %add3A_246 = arith.constant 368 : i32
        %add3A_247 = vector.broadcast %add3A_246 : i32 to vector<16xi32>
        %add3A_248 = arith.addi %add3A_106, %add3A_247 : vector<16xi32>
        %gather3A_249 = tpu.vector_load_idx %arg5[%add3A_248] : memref<49152xf32, #tpu.memory_space<vmem>>[vector<16xi32>], vector<16xf32>,
        %swap3A_250 = arith.index_cast %scan3A_94 : i32 to index
        %swap3A_251 = arith.constant 256 : index
        %swap3A_252 = tpu.vector_load %arg8[%swap3A_250, %swap3A_251] {strides = array<i32>} : memref<32x768xf32, #tpu.memory_space<vmem>>, vector<16xf32>,
        tpu.vector_store %arg8[%swap3A_250, %swap3A_251], %gather3A_221 {strides = array<i32>} : memref<32x768xf32, #tpu.memory_space<vmem>>, vector<16xf32>,
        %swap3A_253 = arith.index_cast %scan3A_94 : i32 to index
        %swap3A_254 = arith.constant 272 : index
        %swap3A_255 = tpu.vector_load %arg8[%swap3A_253, %swap3A_254] {strides = array<i32>} : memref<32x768xf32, #tpu.memory_space<vmem>>, vector<16xf32>,
        tpu.vector_store %arg8[%swap3A_253, %swap3A_254], %gather3A_225 {strides = array<i32>} : memref<32x768xf32, #tpu.memory_space<vmem>>, vector<16xf32>,
        %swap3A_256 = arith.index_cast %scan3A_94 : i32 to index
        %swap3A_257 = arith.constant 288 : index
        %swap3A_258 = tpu.vector_load %arg8[%swap3A_256, %swap3A_257] {strides = array<i32>} : memref<32x768xf32, #tpu.memory_space<vmem>>, vector<16xf32>,
        tpu.vector_store %arg8[%swap3A_256, %swap3A_257], %gather3A_229 {strides = array<i32>} : memref<32x768xf32, #tpu.memory_space<vmem>>, vector<16xf32>,
        %swap3A_259 = arith.index_cast %scan3A_94 : i32 to index
        %swap3A_260 = arith.constant 304 : index
        %swap3A_261 = tpu.vector_load %arg8[%swap3A_259, %swap3A_260] {strides = array<i32>} : memref<32x768xf32, #tpu.memory_space<vmem>>, vector<16xf32>,
        tpu.vector_store %arg8[%swap3A_259, %swap3A_260], %gather3A_233 {strides = array<i32>} : memref<32x768xf32, #tpu.memory_space<vmem>>, vector<16xf32>,
        %swap3A_262 = arith.index_cast %scan3A_94 : i32 to index
        %swap3A_263 = arith.constant 320 : index
        %swap3A_264 = tpu.vector_load %arg8[%swap3A_262, %swap3A_263] {strides = array<i32>} : memref<32x768xf32, #tpu.memory_space<vmem>>, vector<16xf32>,
        tpu.vector_store %arg8[%swap3A_262, %swap3A_263], %gather3A_237 {strides = array<i32>} : memref<32x768xf32, #tpu.memory_space<vmem>>, vector<16xf32>,
        %swap3A_265 = arith.index_cast %scan3A_94 : i32 to index
        %swap3A_266 = arith.constant 336 : index
        %swap3A_267 = tpu.vector_load %arg8[%swap3A_265, %swap3A_266] {strides = array<i32>} : memref<32x768xf32, #tpu.memory_space<vmem>>, vector<16xf32>,
        tpu.vector_store %arg8[%swap3A_265, %swap3A_266], %gather3A_241 {strides = array<i32>} : memref<32x768xf32, #tpu.memory_space<vmem>>, vector<16xf32>,
        %swap3A_268 = arith.index_cast %scan3A_94 : i32 to index
        %swap3A_269 = arith.constant 352 : index
        %swap3A_270 = tpu.vector_load %arg8[%swap3A_268, %swap3A_269] {strides = array<i32>} : memref<32x768xf32, #tpu.memory_space<vmem>>, vector<16xf32>,
        tpu.vector_store %arg8[%swap3A_268, %swap3A_269], %gather3A_245 {strides = array<i32>} : memref<32x768xf32, #tpu.memory_space<vmem>>, vector<16xf32>,
        %swap3A_271 = arith.index_cast %scan3A_94 : i32 to index
        %swap3A_272 = arith.constant 368 : index
        %swap3A_273 = tpu.vector_load %arg8[%swap3A_271, %swap3A_272] {strides = array<i32>} : memref<32x768xf32, #tpu.memory_space<vmem>>, vector<16xf32>,
        tpu.vector_store %arg8[%swap3A_271, %swap3A_272], %gather3A_249 {strides = array<i32>} : memref<32x768xf32, #tpu.memory_space<vmem>>, vector<16xf32>,
        %add3A_274 = arith.constant 384 : i32
        %add3A_275 = vector.broadcast %add3A_274 : i32 to vector<16xi32>
        %add3A_276 = arith.addi %add3A_106, %add3A_275 : vector<16xi32>
        %gather3A_277 = tpu.vector_load_idx %arg5[%add3A_276] : memref<49152xf32, #tpu.memory_space<vmem>>[vector<16xi32>], vector<16xf32>,
        %add3A_278 = arith.constant 400 : i32
        %add3A_279 = vector.broadcast %add3A_278 : i32 to vector<16xi32>
        %add3A_280 = arith.addi %add3A_106, %add3A_279 : vector<16xi32>
        %gather3A_281 = tpu.vector_load_idx %arg5[%add3A_280] : memref<49152xf32, #tpu.memory_space<vmem>>[vector<16xi32>], vector<16xf32>,
        %add3A_282 = arith.constant 416 : i32
        %add3A_283 = vector.broadcast %add3A_282 : i32 to vector<16xi32>
        %add3A_284 = arith.addi %add3A_106, %add3A_283 : vector<16xi32>
        %gather3A_285 = tpu.vector_load_idx %arg5[%add3A_284] : memref<49152xf32, #tpu.memory_space<vmem>>[vector<16xi32>], vector<16xf32>,
        %add3A_286 = arith.constant 432 : i32
        %add3A_287 = vector.broadcast %add3A_286 : i32 to vector<16xi32>
        %add3A_288 = arith.addi %add3A_106, %add3A_287 : vector<16xi32>
        %gather3A_289 = tpu.vector_load_idx %arg5[%add3A_288] : memref<49152xf32, #tpu.memory_space<vmem>>[vector<16xi32>], vector<16xf32>,
        %add3A_290 = arith.constant 448 : i32
        %add3A_291 = vector.broadcast %add3A_290 : i32 to vector<16xi32>
        %add3A_292 = arith.addi %add3A_106, %add3A_291 : vector<16xi32>
        %gather3A_293 = tpu.vector_load_idx %arg5[%add3A_292] : memref<49152xf32, #tpu.memory_space<vmem>>[vector<16xi32>], vector<16xf32>,
        %add3A_294 = arith.constant 464 : i32
        %add3A_295 = vector.broadcast %add3A_294 : i32 to vector<16xi32>
        %add3A_296 = arith.addi %add3A_106, %add3A_295 : vector<16xi32>
        %gather3A_297 = tpu.vector_load_idx %arg5[%add3A_296] : memref<49152xf32, #tpu.memory_space<vmem>>[vector<16xi32>], vector<16xf32>,
        %add3A_298 = arith.constant 480 : i32
        %add3A_299 = vector.broadcast %add3A_298 : i32 to vector<16xi32>
        %add3A_300 = arith.addi %add3A_106, %add3A_299 : vector<16xi32>
        %gather3A_301 = tpu.vector_load_idx %arg5[%add3A_300] : memref<49152xf32, #tpu.memory_space<vmem>>[vector<16xi32>], vector<16xf32>,
        %add3A_302 = arith.constant 496 : i32
        %add3A_303 = vector.broadcast %add3A_302 : i32 to vector<16xi32>
        %add3A_304 = arith.addi %add3A_106, %add3A_303 : vector<16xi32>
        %gather3A_305 = tpu.vector_load_idx %arg5[%add3A_304] : memref<49152xf32, #tpu.memory_space<vmem>>[vector<16xi32>], vector<16xf32>,
        %swap3A_306 = arith.index_cast %scan3A_94 : i32 to index
        %swap3A_307 = arith.constant 384 : index
        %swap3A_308 = tpu.vector_load %arg8[%swap3A_306, %swap3A_307] {strides = array<i32>} : memref<32x768xf32, #tpu.memory_space<vmem>>, vector<16xf32>,
        tpu.vector_store %arg8[%swap3A_306, %swap3A_307], %gather3A_277 {strides = array<i32>} : memref<32x768xf32, #tpu.memory_space<vmem>>, vector<16xf32>,
        %swap3A_309 = arith.index_cast %scan3A_94 : i32 to index
        %swap3A_310 = arith.constant 400 : index
        %swap3A_311 = tpu.vector_load %arg8[%swap3A_309, %swap3A_310] {strides = array<i32>} : memref<32x768xf32, #tpu.memory_space<vmem>>, vector<16xf32>,
        tpu.vector_store %arg8[%swap3A_309, %swap3A_310], %gather3A_281 {strides = array<i32>} : memref<32x768xf32, #tpu.memory_space<vmem>>, vector<16xf32>,
        %swap3A_312 = arith.index_cast %scan3A_94 : i32 to index
        %swap3A_313 = arith.constant 416 : index
        %swap3A_314 = tpu.vector_load %arg8[%swap3A_312, %swap3A_313] {strides = array<i32>} : memref<32x768xf32, #tpu.memory_space<vmem>>, vector<16xf32>,
        tpu.vector_store %arg8[%swap3A_312, %swap3A_313], %gather3A_285 {strides = array<i32>} : memref<32x768xf32, #tpu.memory_space<vmem>>, vector<16xf32>,
        %swap3A_315 = arith.index_cast %scan3A_94 : i32 to index
        %swap3A_316 = arith.constant 432 : index
        %swap3A_317 = tpu.vector_load %arg8[%swap3A_315, %swap3A_316] {strides = array<i32>} : memref<32x768xf32, #tpu.memory_space<vmem>>, vector<16xf32>,
        tpu.vector_store %arg8[%swap3A_315, %swap3A_316], %gather3A_289 {strides = array<i32>} : memref<32x768xf32, #tpu.memory_space<vmem>>, vector<16xf32>,
        %swap3A_318 = arith.index_cast %scan3A_94 : i32 to index
        %swap3A_319 = arith.constant 448 : index
        %swap3A_320 = tpu.vector_load %arg8[%swap3A_318, %swap3A_319] {strides = array<i32>} : memref<32x768xf32, #tpu.memory_space<vmem>>, vector<16xf32>,
        tpu.vector_store %arg8[%swap3A_318, %swap3A_319], %gather3A_293 {strides = array<i32>} : memref<32x768xf32, #tpu.memory_space<vmem>>, vector<16xf32>,
        %swap3A_321 = arith.index_cast %scan3A_94 : i32 to index
        %swap3A_322 = arith.constant 464 : index
        %swap3A_323 = tpu.vector_load %arg8[%swap3A_321, %swap3A_322] {strides = array<i32>} : memref<32x768xf32, #tpu.memory_space<vmem>>, vector<16xf32>,
        tpu.vector_store %arg8[%swap3A_321, %swap3A_322], %gather3A_297 {strides = array<i32>} : memref<32x768xf32, #tpu.memory_space<vmem>>, vector<16xf32>,
        %swap3A_324 = arith.index_cast %scan3A_94 : i32 to index
        %swap3A_325 = arith.constant 480 : index
        %swap3A_326 = tpu.vector_load %arg8[%swap3A_324, %swap3A_325] {strides = array<i32>} : memref<32x768xf32, #tpu.memory_space<vmem>>, vector<16xf32>,
        tpu.vector_store %arg8[%swap3A_324, %swap3A_325], %gather3A_301 {strides = array<i32>} : memref<32x768xf32, #tpu.memory_space<vmem>>, vector<16xf32>,
        %swap3A_327 = arith.index_cast %scan3A_94 : i32 to index
        %swap3A_328 = arith.constant 496 : index
        %swap3A_329 = tpu.vector_load %arg8[%swap3A_327, %swap3A_328] {strides = array<i32>} : memref<32x768xf32, #tpu.memory_space<vmem>>, vector<16xf32>,
        tpu.vector_store %arg8[%swap3A_327, %swap3A_328], %gather3A_305 {strides = array<i32>} : memref<32x768xf32, #tpu.memory_space<vmem>>, vector<16xf32>,
        %add3A_330 = arith.constant 512 : i32
        %add3A_331 = vector.broadcast %add3A_330 : i32 to vector<16xi32>
        %add3A_332 = arith.addi %add3A_106, %add3A_331 : vector<16xi32>
        %gather3A_333 = tpu.vector_load_idx %arg5[%add3A_332] : memref<49152xf32, #tpu.memory_space<vmem>>[vector<16xi32>], vector<16xf32>,
        %add3A_334 = arith.constant 528 : i32
        %add3A_335 = vector.broadcast %add3A_334 : i32 to vector<16xi32>
        %add3A_336 = arith.addi %add3A_106, %add3A_335 : vector<16xi32>
        %gather3A_337 = tpu.vector_load_idx %arg5[%add3A_336] : memref<49152xf32, #tpu.memory_space<vmem>>[vector<16xi32>], vector<16xf32>,
        %add3A_338 = arith.constant 544 : i32
        %add3A_339 = vector.broadcast %add3A_338 : i32 to vector<16xi32>
        %add3A_340 = arith.addi %add3A_106, %add3A_339 : vector<16xi32>
        %gather3A_341 = tpu.vector_load_idx %arg5[%add3A_340] : memref<49152xf32, #tpu.memory_space<vmem>>[vector<16xi32>], vector<16xf32>,
        %add3A_342 = arith.constant 560 : i32
        %add3A_343 = vector.broadcast %add3A_342 : i32 to vector<16xi32>
        %add3A_344 = arith.addi %add3A_106, %add3A_343 : vector<16xi32>
        %gather3A_345 = tpu.vector_load_idx %arg5[%add3A_344] : memref<49152xf32, #tpu.memory_space<vmem>>[vector<16xi32>], vector<16xf32>,
        %add3A_346 = arith.constant 576 : i32
        %add3A_347 = vector.broadcast %add3A_346 : i32 to vector<16xi32>
        %add3A_348 = arith.addi %add3A_106, %add3A_347 : vector<16xi32>
        %gather3A_349 = tpu.vector_load_idx %arg5[%add3A_348] : memref<49152xf32, #tpu.memory_space<vmem>>[vector<16xi32>], vector<16xf32>,
        %add3A_350 = arith.constant 592 : i32
        %add3A_351 = vector.broadcast %add3A_350 : i32 to vector<16xi32>
        %add3A_352 = arith.addi %add3A_106, %add3A_351 : vector<16xi32>
        %gather3A_353 = tpu.vector_load_idx %arg5[%add3A_352] : memref<49152xf32, #tpu.memory_space<vmem>>[vector<16xi32>], vector<16xf32>,
        %add3A_354 = arith.constant 608 : i32
        %add3A_355 = vector.broadcast %add3A_354 : i32 to vector<16xi32>
        %add3A_356 = arith.addi %add3A_106, %add3A_355 : vector<16xi32>
        %gather3A_357 = tpu.vector_load_idx %arg5[%add3A_356] : memref<49152xf32, #tpu.memory_space<vmem>>[vector<16xi32>], vector<16xf32>,
        %add3A_358 = arith.constant 624 : i32
        %add3A_359 = vector.broadcast %add3A_358 : i32 to vector<16xi32>
        %add3A_360 = arith.addi %add3A_106, %add3A_359 : vector<16xi32>
        %gather3A_361 = tpu.vector_load_idx %arg5[%add3A_360] : memref<49152xf32, #tpu.memory_space<vmem>>[vector<16xi32>], vector<16xf32>,
        %swap3A_362 = arith.index_cast %scan3A_94 : i32 to index
        %swap3A_363 = arith.constant 512 : index
        %swap3A_364 = tpu.vector_load %arg8[%swap3A_362, %swap3A_363] {strides = array<i32>} : memref<32x768xf32, #tpu.memory_space<vmem>>, vector<16xf32>,
        tpu.vector_store %arg8[%swap3A_362, %swap3A_363], %gather3A_333 {strides = array<i32>} : memref<32x768xf32, #tpu.memory_space<vmem>>, vector<16xf32>,
        %swap3A_365 = arith.index_cast %scan3A_94 : i32 to index
        %swap3A_366 = arith.constant 528 : index
        %swap3A_367 = tpu.vector_load %arg8[%swap3A_365, %swap3A_366] {strides = array<i32>} : memref<32x768xf32, #tpu.memory_space<vmem>>, vector<16xf32>,
        tpu.vector_store %arg8[%swap3A_365, %swap3A_366], %gather3A_337 {strides = array<i32>} : memref<32x768xf32, #tpu.memory_space<vmem>>, vector<16xf32>,
        %swap3A_368 = arith.index_cast %scan3A_94 : i32 to index
        %swap3A_369 = arith.constant 544 : index
        %swap3A_370 = tpu.vector_load %arg8[%swap3A_368, %swap3A_369] {strides = array<i32>} : memref<32x768xf32, #tpu.memory_space<vmem>>, vector<16xf32>,
        tpu.vector_store %arg8[%swap3A_368, %swap3A_369], %gather3A_341 {strides = array<i32>} : memref<32x768xf32, #tpu.memory_space<vmem>>, vector<16xf32>,
        %swap3A_371 = arith.index_cast %scan3A_94 : i32 to index
        %swap3A_372 = arith.constant 560 : index
        %swap3A_373 = tpu.vector_load %arg8[%swap3A_371, %swap3A_372] {strides = array<i32>} : memref<32x768xf32, #tpu.memory_space<vmem>>, vector<16xf32>,
        tpu.vector_store %arg8[%swap3A_371, %swap3A_372], %gather3A_345 {strides = array<i32>} : memref<32x768xf32, #tpu.memory_space<vmem>>, vector<16xf32>,
        %swap3A_374 = arith.index_cast %scan3A_94 : i32 to index
        %swap3A_375 = arith.constant 576 : index
        %swap3A_376 = tpu.vector_load %arg8[%swap3A_374, %swap3A_375] {strides = array<i32>} : memref<32x768xf32, #tpu.memory_space<vmem>>, vector<16xf32>,
        tpu.vector_store %arg8[%swap3A_374, %swap3A_375], %gather3A_349 {strides = array<i32>} : memref<32x768xf32, #tpu.memory_space<vmem>>, vector<16xf32>,
        %swap3A_377 = arith.index_cast %scan3A_94 : i32 to index
        %swap3A_378 = arith.constant 592 : index
        %swap3A_379 = tpu.vector_load %arg8[%swap3A_377, %swap3A_378] {strides = array<i32>} : memref<32x768xf32, #tpu.memory_space<vmem>>, vector<16xf32>,
        tpu.vector_store %arg8[%swap3A_377, %swap3A_378], %gather3A_353 {strides = array<i32>} : memref<32x768xf32, #tpu.memory_space<vmem>>, vector<16xf32>,
        %swap3A_380 = arith.index_cast %scan3A_94 : i32 to index
        %swap3A_381 = arith.constant 608 : index
        %swap3A_382 = tpu.vector_load %arg8[%swap3A_380, %swap3A_381] {strides = array<i32>} : memref<32x768xf32, #tpu.memory_space<vmem>>, vector<16xf32>,
        tpu.vector_store %arg8[%swap3A_380, %swap3A_381], %gather3A_357 {strides = array<i32>} : memref<32x768xf32, #tpu.memory_space<vmem>>, vector<16xf32>,
        %swap3A_383 = arith.index_cast %scan3A_94 : i32 to index
        %swap3A_384 = arith.constant 624 : index
        %swap3A_385 = tpu.vector_load %arg8[%swap3A_383, %swap3A_384] {strides = array<i32>} : memref<32x768xf32, #tpu.memory_space<vmem>>, vector<16xf32>,
        tpu.vector_store %arg8[%swap3A_383, %swap3A_384], %gather3A_361 {strides = array<i32>} : memref<32x768xf32, #tpu.memory_space<vmem>>, vector<16xf32>,
        %add3A_386 = arith.constant 640 : i32
        %add3A_387 = vector.broadcast %add3A_386 : i32 to vector<16xi32>
        %add3A_388 = arith.addi %add3A_106, %add3A_387 : vector<16xi32>
        %gather3A_389 = tpu.vector_load_idx %arg5[%add3A_388] : memref<49152xf32, #tpu.memory_space<vmem>>[vector<16xi32>], vector<16xf32>,
        %add3A_390 = arith.constant 656 : i32
        %add3A_391 = vector.broadcast %add3A_390 : i32 to vector<16xi32>
        %add3A_392 = arith.addi %add3A_106, %add3A_391 : vector<16xi32>
        %gather3A_393 = tpu.vector_load_idx %arg5[%add3A_392] : memref<49152xf32, #tpu.memory_space<vmem>>[vector<16xi32>], vector<16xf32>,
        %add3A_394 = arith.constant 672 : i32
        %add3A_395 = vector.broadcast %add3A_394 : i32 to vector<16xi32>
        %add3A_396 = arith.addi %add3A_106, %add3A_395 : vector<16xi32>
        %gather3A_397 = tpu.vector_load_idx %arg5[%add3A_396] : memref<49152xf32, #tpu.memory_space<vmem>>[vector<16xi32>], vector<16xf32>,
        %add3A_398 = arith.constant 688 : i32
        %add3A_399 = vector.broadcast %add3A_398 : i32 to vector<16xi32>
        %add3A_400 = arith.addi %add3A_106, %add3A_399 : vector<16xi32>
        %gather3A_401 = tpu.vector_load_idx %arg5[%add3A_400] : memref<49152xf32, #tpu.memory_space<vmem>>[vector<16xi32>], vector<16xf32>,
        %add3A_402 = arith.constant 704 : i32
        %add3A_403 = vector.broadcast %add3A_402 : i32 to vector<16xi32>
        %add3A_404 = arith.addi %add3A_106, %add3A_403 : vector<16xi32>
        %gather3A_405 = tpu.vector_load_idx %arg5[%add3A_404] : memref<49152xf32, #tpu.memory_space<vmem>>[vector<16xi32>], vector<16xf32>,
        %add3A_406 = arith.constant 720 : i32
        %add3A_407 = vector.broadcast %add3A_406 : i32 to vector<16xi32>
        %add3A_408 = arith.addi %add3A_106, %add3A_407 : vector<16xi32>
        %gather3A_409 = tpu.vector_load_idx %arg5[%add3A_408] : memref<49152xf32, #tpu.memory_space<vmem>>[vector<16xi32>], vector<16xf32>,
        %add3A_410 = arith.constant 736 : i32
        %add3A_411 = vector.broadcast %add3A_410 : i32 to vector<16xi32>
        %add3A_412 = arith.addi %add3A_106, %add3A_411 : vector<16xi32>
        %gather3A_413 = tpu.vector_load_idx %arg5[%add3A_412] : memref<49152xf32, #tpu.memory_space<vmem>>[vector<16xi32>], vector<16xf32>,
        %add3A_414 = arith.constant 752 : i32
        %add3A_415 = vector.broadcast %add3A_414 : i32 to vector<16xi32>
        %add3A_416 = arith.addi %add3A_106, %add3A_415 : vector<16xi32>
        %gather3A_417 = tpu.vector_load_idx %arg5[%add3A_416] : memref<49152xf32, #tpu.memory_space<vmem>>[vector<16xi32>], vector<16xf32>,
        %swap3A_418 = arith.index_cast %scan3A_94 : i32 to index
        %swap3A_419 = arith.constant 640 : index
        %swap3A_420 = tpu.vector_load %arg8[%swap3A_418, %swap3A_419] {strides = array<i32>} : memref<32x768xf32, #tpu.memory_space<vmem>>, vector<16xf32>,
        tpu.vector_store %arg8[%swap3A_418, %swap3A_419], %gather3A_389 {strides = array<i32>} : memref<32x768xf32, #tpu.memory_space<vmem>>, vector<16xf32>,
        %swap3A_421 = arith.index_cast %scan3A_94 : i32 to index
        %swap3A_422 = arith.constant 656 : index
        %swap3A_423 = tpu.vector_load %arg8[%swap3A_421, %swap3A_422] {strides = array<i32>} : memref<32x768xf32, #tpu.memory_space<vmem>>, vector<16xf32>,
        tpu.vector_store %arg8[%swap3A_421, %swap3A_422], %gather3A_393 {strides = array<i32>} : memref<32x768xf32, #tpu.memory_space<vmem>>, vector<16xf32>,
        %swap3A_424 = arith.index_cast %scan3A_94 : i32 to index
        %swap3A_425 = arith.constant 672 : index
        %swap3A_426 = tpu.vector_load %arg8[%swap3A_424, %swap3A_425] {strides = array<i32>} : memref<32x768xf32, #tpu.memory_space<vmem>>, vector<16xf32>,
        tpu.vector_store %arg8[%swap3A_424, %swap3A_425], %gather3A_397 {strides = array<i32>} : memref<32x768xf32, #tpu.memory_space<vmem>>, vector<16xf32>,
        %swap3A_427 = arith.index_cast %scan3A_94 : i32 to index
        %swap3A_428 = arith.constant 688 : index
        %swap3A_429 = tpu.vector_load %arg8[%swap3A_427, %swap3A_428] {strides = array<i32>} : memref<32x768xf32, #tpu.memory_space<vmem>>, vector<16xf32>,
        tpu.vector_store %arg8[%swap3A_427, %swap3A_428], %gather3A_401 {strides = array<i32>} : memref<32x768xf32, #tpu.memory_space<vmem>>, vector<16xf32>,
        %swap3A_430 = arith.index_cast %scan3A_94 : i32 to index
        %swap3A_431 = arith.constant 704 : index
        %swap3A_432 = tpu.vector_load %arg8[%swap3A_430, %swap3A_431] {strides = array<i32>} : memref<32x768xf32, #tpu.memory_space<vmem>>, vector<16xf32>,
        tpu.vector_store %arg8[%swap3A_430, %swap3A_431], %gather3A_405 {strides = array<i32>} : memref<32x768xf32, #tpu.memory_space<vmem>>, vector<16xf32>,
        %swap3A_433 = arith.index_cast %scan3A_94 : i32 to index
        %swap3A_434 = arith.constant 720 : index
        %swap3A_435 = tpu.vector_load %arg8[%swap3A_433, %swap3A_434] {strides = array<i32>} : memref<32x768xf32, #tpu.memory_space<vmem>>, vector<16xf32>,
        tpu.vector_store %arg8[%swap3A_433, %swap3A_434], %gather3A_409 {strides = array<i32>} : memref<32x768xf32, #tpu.memory_space<vmem>>, vector<16xf32>,
        %swap3A_436 = arith.index_cast %scan3A_94 : i32 to index
        %swap3A_437 = arith.constant 736 : index
        %swap3A_438 = tpu.vector_load %arg8[%swap3A_436, %swap3A_437] {strides = array<i32>} : memref<32x768xf32, #tpu.memory_space<vmem>>, vector<16xf32>,
        tpu.vector_store %arg8[%swap3A_436, %swap3A_437], %gather3A_413 {strides = array<i32>} : memref<32x768xf32, #tpu.memory_space<vmem>>, vector<16xf32>,
        %swap3A_439 = arith.index_cast %scan3A_94 : i32 to index
        %swap3A_440 = arith.constant 752 : index
        %swap3A_441 = tpu.vector_load %arg8[%swap3A_439, %swap3A_440] {strides = array<i32>} : memref<32x768xf32, #tpu.memory_space<vmem>>, vector<16xf32>,
        tpu.vector_store %arg8[%swap3A_439, %swap3A_440], %gather3A_417 {strides = array<i32>} : memref<32x768xf32, #tpu.memory_space<vmem>>, vector<16xf32>,
      }
      %scan3A_86 = arith.constant 32 : i32
      %mul3A_87 = arith.constant 32 : i32
      %mul3A_88 = arith.muli %add3A_71, %mul3A_87 : i32
      %add3A_89 = arith.addi %mul3A_2, %mul3A_88 : i32
      %dma_start3A_90 = arith.constant 0 : i32
      %dma_start3A_91 = tpu.memref_slice %arg4[%add3A_89, %dma_start3A_90] : memref<65536x768xf32, #tpu.memory_space<hbm>> -> memref<32x768xf32, #tpu.memory_space<hbm>>
      %dma_start3A_92 = arith.constant 0 : i32
      %dma_start3A_93 = tpu.memref_slice %arg4[%add3A_89, %dma_start3A_92] : memref<65536x768xf32, #tpu.memory_space<hbm>> -> memref<32x768xf32, #tpu.memory_space<hbm>>
      tpu.enqueue_dma source(%arg8 : memref<32x768xf32, #tpu.memory_space<vmem>>) target(%dma_start3A_93 : memref<32x768xf32, #tpu.memory_space<hbm>>) target_semaphore(%arg10 : memref<!tpu.dma_semaphore, #tpu.memory_space<semaphore_mem>>)
    }
    %scan3A_30 = arith.constant 31 : i32
    %add3A_31 = arith.constant 1984 : i32
    %add3A_32 = arith.addi %mul3A_2, %add3A_31 : i32
    %dma_wait3A = arith.constant 0 : i32
    %dma_wait3A_33 = tpu.memref_slice %arg4[%add3A_32, %dma_wait3A] : memref<65536x768xf32, #tpu.memory_space<hbm>> -> memref<32x768xf32, #tpu.memory_space<hbm>>
    %dma_wait3A_34 = arith.constant 0 : i32
    %dma_wait3A_35 = tpu.memref_slice %arg4[%add3A_32, %dma_wait3A_34] : memref<65536x768xf32, #tpu.memory_space<hbm>> -> memref<32x768xf32, #tpu.memory_space<hbm>>
    tpu.wait_dma2 semaphore(%arg9 : memref<!tpu.dma_semaphore, #tpu.memory_space<semaphore_mem>>) src(%arg7 : memref<32x768xf32, #tpu.memory_space<vmem>>) dst(%dma_wait3A_35 : memref<32x768xf32, #tpu.memory_space<hbm>>)
    %add3A_36 = arith.constant 2016 : i32
    %add3A_37 = arith.addi %mul3A_2, %add3A_36 : i32
    %dma_wait3A_38 = arith.constant 0 : i32
    %dma_wait3A_39 = tpu.memref_slice %arg4[%add3A_37, %dma_wait3A_38] : memref<65536x768xf32, #tpu.memory_space<hbm>> -> memref<32x768xf32, #tpu.memory_space<hbm>>
    %dma_wait3A_40 = arith.constant 0 : i32
    %dma_wait3A_41 = tpu.memref_slice %arg4[%add3A_37, %dma_wait3A_40] : memref<65536x768xf32, #tpu.memory_space<hbm>> -> memref<32x768xf32, #tpu.memory_space<hbm>>
    tpu.wait_dma2 semaphore(%arg10 : memref<!tpu.dma_semaphore, #tpu.memory_space<semaphore_mem>>) src(%arg8 : memref<32x768xf32, #tpu.memory_space<vmem>>) dst(%dma_wait3A_41 : memref<32x768xf32, #tpu.memory_space<hbm>>)
    return
  }
}

module attributes {stable_mosaic.version = 14 : i64} {
  func.func @_tc_body(%arg0: i32, %arg1: memref<2048x256xf32, #tpu.memory_space<vmem>>, %arg2: memref<64x256xf32, #tpu.memory_space<vmem>>, %arg3: memref<768x256xf32, #tpu.memory_space<vmem>>, %arg4: memref<2048x8xi32, #tpu.memory_space<vmem>>, %arg5: memref<1x1xf32, #tpu.memory_space<smem>>, %arg6: memref<64x768xf32, #tpu.memory_space<vmem>>) attributes {dimension_semantics = [#tpu.dimension_semantics<arbitrary>], iteration_bounds = array<i64: 4>, scalar_prefetch = 0 : i64, scratch_operands = 0 : i64, tpu.core_type = #tpu.core_type<tc>, window_params = [{transform_indices = @transform_0, window_bounds = array<i64: 2048, 256>}, {pipeline_mode = #tpu.pipeline_mode<synchronous>, transform_indices = @transform_1, window_bounds = array<i64: 64, 256>}, {pipeline_mode = #tpu.pipeline_mode<synchronous>, transform_indices = @transform_2, window_bounds = array<i64: 768, 256>}, {transform_indices = @transform_3, window_bounds = array<i64: 2048, 8>}, {transform_indices = @transform_4, window_bounds = array<i64: 1, 1>}, {pipeline_mode = #tpu.pipeline_mode<synchronous>, transform_indices = @transform_5, window_bounds = array<i64: 64, 768>}]} {
    %get3A = arith.constant 0 : index
    %get3A_0 = arith.constant 0 : index
    %get3A_1 = vector.load %arg1[%get3A, %get3A_0] : memref<2048x256xf32, #tpu.memory_space<vmem>>, vector<2048x256xf32>
    %get3A_2 = arith.constant 0 : index
    %get3A_3 = arith.constant 0 : index
    %get3A_4 = vector.load %arg2[%get3A_2, %get3A_3] : memref<64x256xf32, #tpu.memory_space<vmem>>, vector<64x256xf32>
    %dot_general3A = arith.constant dense<0.000000e+00> : vector<2048x64xf32>
    %dot_general3A_5 = tpu.matmul %get3A_1, %get3A_4, %dot_general3A {dimension_numbers = #tpu.dot_dimension_numbers<[1], [1], [0], [0], [0, 0, 1, 0], [], []>, transpose_lhs_hint = false} : vector<2048x256xf32>, vector<64x256xf32>, vector<2048x64xf32> -> vector<2048x64xf32>
    %iota3A = tpu.iota {dimensions = array<i32: 1>} : vector<2048x64xi32>
    %broadcast_in_dim3A = arith.constant false
    %broadcast_in_dim3A_6 = vector.broadcast %broadcast_in_dim3A : i1 to vector<2048x64xi1>
    %reduce_max3A = arith.constant dense<0xFF800000> : vector<2048xf32>
    %reduce_max3A_7 = vector.multi_reduction <maximumf>, %dot_general3A_5, %reduce_max3A [1] : vector<2048x64xf32> to vector<2048xf32>
    %broadcast_in_dim3A_8 = vector.shape_cast %reduce_max3A_7 : vector<2048xf32> to vector<2048x1xf32>
    %eq3A = vector.broadcast %broadcast_in_dim3A_8 : vector<2048x1xf32> to vector<2048x64xf32>
    %eq3A_9 = arith.cmpf oeq, %dot_general3A_5, %eq3A : vector<2048x64xf32>
    %jit3A = arith.constant 64 : i32
    %broadcast_in_dim3A_10 = vector.broadcast %jit3A : i32 to vector<2048x64xi32>
    %select_n3A = arith.select %eq3A_9, %iota3A, %broadcast_in_dim3A_10 : vector<2048x64xi1>, vector<2048x64xi32>
    %reduce_min3A = arith.constant dense<2147483647> : vector<2048xi32>
    %reduce_min3A_11 = vector.multi_reduction <minsi>, %select_n3A, %reduce_min3A [1] : vector<2048x64xi32> to vector<2048xi32>
    %broadcast_in_dim3A_12 = vector.shape_cast %reduce_min3A_11 : vector<2048xi32> to vector<2048x1xi32>
    %eq3A_13 = vector.broadcast %broadcast_in_dim3A_12 : vector<2048x1xi32> to vector<2048x64xi32>
    %eq3A_14 = arith.cmpi eq, %iota3A, %eq3A_13 : vector<2048x64xi32>
    %or3A = arith.ori %broadcast_in_dim3A_6, %eq3A_14 : vector<2048x64xi1>
    %jit3A_15 = arith.constant 0xFF800000 : f32
    %broadcast_in_dim3A_16 = vector.broadcast %jit3A_15 : f32 to vector<2048x64xf32>
    %select_n3A_17 = arith.select %eq3A_14, %broadcast_in_dim3A_16, %dot_general3A_5 : vector<2048x64xi1>, vector<2048x64xf32>
    %reduce_max3A_18 = arith.constant dense<0xFF800000> : vector<2048xf32>
    %reduce_max3A_19 = vector.multi_reduction <maximumf>, %select_n3A_17, %reduce_max3A_18 [1] : vector<2048x64xf32> to vector<2048xf32>
    %broadcast_in_dim3A_20 = vector.shape_cast %reduce_max3A_19 : vector<2048xf32> to vector<2048x1xf32>
    %eq3A_21 = vector.broadcast %broadcast_in_dim3A_20 : vector<2048x1xf32> to vector<2048x64xf32>
    %eq3A_22 = arith.cmpf oeq, %select_n3A_17, %eq3A_21 : vector<2048x64xf32>
    %jit3A_23 = arith.constant 64 : i32
    %broadcast_in_dim3A_24 = vector.broadcast %jit3A_23 : i32 to vector<2048x64xi32>
    %select_n3A_25 = arith.select %eq3A_22, %iota3A, %broadcast_in_dim3A_24 : vector<2048x64xi1>, vector<2048x64xi32>
    %reduce_min3A_26 = arith.constant dense<2147483647> : vector<2048xi32>
    %reduce_min3A_27 = vector.multi_reduction <minsi>, %select_n3A_25, %reduce_min3A_26 [1] : vector<2048x64xi32> to vector<2048xi32>
    %broadcast_in_dim3A_28 = vector.shape_cast %reduce_min3A_27 : vector<2048xi32> to vector<2048x1xi32>
    %eq3A_29 = vector.broadcast %broadcast_in_dim3A_28 : vector<2048x1xi32> to vector<2048x64xi32>
    %eq3A_30 = arith.cmpi eq, %iota3A, %eq3A_29 : vector<2048x64xi32>
    %or3A_31 = arith.ori %or3A, %eq3A_30 : vector<2048x64xi1>
    %jit3A_32 = arith.constant 0xFF800000 : f32
    %broadcast_in_dim3A_33 = vector.broadcast %jit3A_32 : f32 to vector<2048x64xf32>
    %select_n3A_34 = arith.select %eq3A_30, %broadcast_in_dim3A_33, %select_n3A_17 : vector<2048x64xi1>, vector<2048x64xf32>
    %reduce_max3A_35 = arith.constant dense<0xFF800000> : vector<2048xf32>
    %reduce_max3A_36 = vector.multi_reduction <maximumf>, %select_n3A_34, %reduce_max3A_35 [1] : vector<2048x64xf32> to vector<2048xf32>
    %broadcast_in_dim3A_37 = vector.shape_cast %reduce_max3A_36 : vector<2048xf32> to vector<2048x1xf32>
    %eq3A_38 = vector.broadcast %broadcast_in_dim3A_37 : vector<2048x1xf32> to vector<2048x64xf32>
    %eq3A_39 = arith.cmpf oeq, %select_n3A_34, %eq3A_38 : vector<2048x64xf32>
    %jit3A_40 = arith.constant 64 : i32
    %broadcast_in_dim3A_41 = vector.broadcast %jit3A_40 : i32 to vector<2048x64xi32>
    %select_n3A_42 = arith.select %eq3A_39, %iota3A, %broadcast_in_dim3A_41 : vector<2048x64xi1>, vector<2048x64xi32>
    %reduce_min3A_43 = arith.constant dense<2147483647> : vector<2048xi32>
    %reduce_min3A_44 = vector.multi_reduction <minsi>, %select_n3A_42, %reduce_min3A_43 [1] : vector<2048x64xi32> to vector<2048xi32>
    %broadcast_in_dim3A_45 = vector.shape_cast %reduce_min3A_44 : vector<2048xi32> to vector<2048x1xi32>
    %eq3A_46 = vector.broadcast %broadcast_in_dim3A_45 : vector<2048x1xi32> to vector<2048x64xi32>
    %eq3A_47 = arith.cmpi eq, %iota3A, %eq3A_46 : vector<2048x64xi32>
    %or3A_48 = arith.ori %or3A_31, %eq3A_47 : vector<2048x64xi1>
    %jit3A_49 = arith.constant 0xFF800000 : f32
    %broadcast_in_dim3A_50 = vector.broadcast %jit3A_49 : f32 to vector<2048x64xf32>
    %select_n3A_51 = arith.select %eq3A_47, %broadcast_in_dim3A_50, %select_n3A_34 : vector<2048x64xi1>, vector<2048x64xf32>
    %reduce_max3A_52 = arith.constant dense<0xFF800000> : vector<2048xf32>
    %reduce_max3A_53 = vector.multi_reduction <maximumf>, %select_n3A_51, %reduce_max3A_52 [1] : vector<2048x64xf32> to vector<2048xf32>
    %broadcast_in_dim3A_54 = vector.shape_cast %reduce_max3A_53 : vector<2048xf32> to vector<2048x1xf32>
    %eq3A_55 = vector.broadcast %broadcast_in_dim3A_54 : vector<2048x1xf32> to vector<2048x64xf32>
    %eq3A_56 = arith.cmpf oeq, %select_n3A_51, %eq3A_55 : vector<2048x64xf32>
    %jit3A_57 = arith.constant 64 : i32
    %broadcast_in_dim3A_58 = vector.broadcast %jit3A_57 : i32 to vector<2048x64xi32>
    %select_n3A_59 = arith.select %eq3A_56, %iota3A, %broadcast_in_dim3A_58 : vector<2048x64xi1>, vector<2048x64xi32>
    %reduce_min3A_60 = arith.constant dense<2147483647> : vector<2048xi32>
    %reduce_min3A_61 = vector.multi_reduction <minsi>, %select_n3A_59, %reduce_min3A_60 [1] : vector<2048x64xi32> to vector<2048xi32>
    %broadcast_in_dim3A_62 = vector.shape_cast %reduce_min3A_61 : vector<2048xi32> to vector<2048x1xi32>
    %eq3A_63 = vector.broadcast %broadcast_in_dim3A_62 : vector<2048x1xi32> to vector<2048x64xi32>
    %eq3A_64 = arith.cmpi eq, %iota3A, %eq3A_63 : vector<2048x64xi32>
    %or3A_65 = arith.ori %or3A_48, %eq3A_64 : vector<2048x64xi1>
    %jit3A_66 = arith.constant 0xFF800000 : f32
    %broadcast_in_dim3A_67 = vector.broadcast %jit3A_66 : f32 to vector<2048x64xf32>
    %select_n3A_68 = arith.select %eq3A_64, %broadcast_in_dim3A_67, %select_n3A_51 : vector<2048x64xi1>, vector<2048x64xf32>
    %reduce_max3A_69 = arith.constant dense<0xFF800000> : vector<2048xf32>
    %reduce_max3A_70 = vector.multi_reduction <maximumf>, %select_n3A_68, %reduce_max3A_69 [1] : vector<2048x64xf32> to vector<2048xf32>
    %broadcast_in_dim3A_71 = vector.shape_cast %reduce_max3A_70 : vector<2048xf32> to vector<2048x1xf32>
    %eq3A_72 = vector.broadcast %broadcast_in_dim3A_71 : vector<2048x1xf32> to vector<2048x64xf32>
    %eq3A_73 = arith.cmpf oeq, %select_n3A_68, %eq3A_72 : vector<2048x64xf32>
    %jit3A_74 = arith.constant 64 : i32
    %broadcast_in_dim3A_75 = vector.broadcast %jit3A_74 : i32 to vector<2048x64xi32>
    %select_n3A_76 = arith.select %eq3A_73, %iota3A, %broadcast_in_dim3A_75 : vector<2048x64xi1>, vector<2048x64xi32>
    %reduce_min3A_77 = arith.constant dense<2147483647> : vector<2048xi32>
    %reduce_min3A_78 = vector.multi_reduction <minsi>, %select_n3A_76, %reduce_min3A_77 [1] : vector<2048x64xi32> to vector<2048xi32>
    %broadcast_in_dim3A_79 = vector.shape_cast %reduce_min3A_78 : vector<2048xi32> to vector<2048x1xi32>
    %eq3A_80 = vector.broadcast %broadcast_in_dim3A_79 : vector<2048x1xi32> to vector<2048x64xi32>
    %eq3A_81 = arith.cmpi eq, %iota3A, %eq3A_80 : vector<2048x64xi32>
    %or3A_82 = arith.ori %or3A_65, %eq3A_81 : vector<2048x64xi1>
    %jit3A_83 = arith.constant 0xFF800000 : f32
    %broadcast_in_dim3A_84 = vector.broadcast %jit3A_83 : f32 to vector<2048x64xf32>
    %select_n3A_85 = arith.select %eq3A_81, %broadcast_in_dim3A_84, %select_n3A_68 : vector<2048x64xi1>, vector<2048x64xf32>
    %reduce_max3A_86 = arith.constant dense<0xFF800000> : vector<2048xf32>
    %reduce_max3A_87 = vector.multi_reduction <maximumf>, %select_n3A_85, %reduce_max3A_86 [1] : vector<2048x64xf32> to vector<2048xf32>
    %broadcast_in_dim3A_88 = vector.shape_cast %reduce_max3A_87 : vector<2048xf32> to vector<2048x1xf32>
    %eq3A_89 = vector.broadcast %broadcast_in_dim3A_88 : vector<2048x1xf32> to vector<2048x64xf32>
    %eq3A_90 = arith.cmpf oeq, %select_n3A_85, %eq3A_89 : vector<2048x64xf32>
    %jit3A_91 = arith.constant 64 : i32
    %broadcast_in_dim3A_92 = vector.broadcast %jit3A_91 : i32 to vector<2048x64xi32>
    %select_n3A_93 = arith.select %eq3A_90, %iota3A, %broadcast_in_dim3A_92 : vector<2048x64xi1>, vector<2048x64xi32>
    %reduce_min3A_94 = arith.constant dense<2147483647> : vector<2048xi32>
    %reduce_min3A_95 = vector.multi_reduction <minsi>, %select_n3A_93, %reduce_min3A_94 [1] : vector<2048x64xi32> to vector<2048xi32>
    %broadcast_in_dim3A_96 = vector.shape_cast %reduce_min3A_95 : vector<2048xi32> to vector<2048x1xi32>
    %eq3A_97 = vector.broadcast %broadcast_in_dim3A_96 : vector<2048x1xi32> to vector<2048x64xi32>
    %eq3A_98 = arith.cmpi eq, %iota3A, %eq3A_97 : vector<2048x64xi32>
    %or3A_99 = arith.ori %or3A_82, %eq3A_98 : vector<2048x64xi1>
    %jit3A_100 = arith.constant 0xFF800000 : f32
    %broadcast_in_dim3A_101 = vector.broadcast %jit3A_100 : f32 to vector<2048x64xf32>
    %select_n3A_102 = arith.select %eq3A_98, %broadcast_in_dim3A_101, %select_n3A_85 : vector<2048x64xi1>, vector<2048x64xf32>
    %reduce_max3A_103 = arith.constant dense<0xFF800000> : vector<2048xf32>
    %reduce_max3A_104 = vector.multi_reduction <maximumf>, %select_n3A_102, %reduce_max3A_103 [1] : vector<2048x64xf32> to vector<2048xf32>
    %broadcast_in_dim3A_105 = vector.shape_cast %reduce_max3A_104 : vector<2048xf32> to vector<2048x1xf32>
    %eq3A_106 = vector.broadcast %broadcast_in_dim3A_105 : vector<2048x1xf32> to vector<2048x64xf32>
    %eq3A_107 = arith.cmpf oeq, %select_n3A_102, %eq3A_106 : vector<2048x64xf32>
    %jit3A_108 = arith.constant 64 : i32
    %broadcast_in_dim3A_109 = vector.broadcast %jit3A_108 : i32 to vector<2048x64xi32>
    %select_n3A_110 = arith.select %eq3A_107, %iota3A, %broadcast_in_dim3A_109 : vector<2048x64xi1>, vector<2048x64xi32>
    %reduce_min3A_111 = arith.constant dense<2147483647> : vector<2048xi32>
    %reduce_min3A_112 = vector.multi_reduction <minsi>, %select_n3A_110, %reduce_min3A_111 [1] : vector<2048x64xi32> to vector<2048xi32>
    %broadcast_in_dim3A_113 = vector.shape_cast %reduce_min3A_112 : vector<2048xi32> to vector<2048x1xi32>
    %eq3A_114 = vector.broadcast %broadcast_in_dim3A_113 : vector<2048x1xi32> to vector<2048x64xi32>
    %eq3A_115 = arith.cmpi eq, %iota3A, %eq3A_114 : vector<2048x64xi32>
    %or3A_116 = arith.ori %or3A_99, %eq3A_115 : vector<2048x64xi1>
    %jit3A_117 = arith.constant 0xFF800000 : f32
    %broadcast_in_dim3A_118 = vector.broadcast %jit3A_117 : f32 to vector<2048x64xf32>
    %select_n3A_119 = arith.select %eq3A_115, %broadcast_in_dim3A_118, %select_n3A_102 : vector<2048x64xi1>, vector<2048x64xf32>
    %reduce_max3A_120 = arith.constant dense<0xFF800000> : vector<2048xf32>
    %reduce_max3A_121 = vector.multi_reduction <maximumf>, %select_n3A_119, %reduce_max3A_120 [1] : vector<2048x64xf32> to vector<2048xf32>
    %broadcast_in_dim3A_122 = vector.shape_cast %reduce_max3A_121 : vector<2048xf32> to vector<2048x1xf32>
    %eq3A_123 = vector.broadcast %broadcast_in_dim3A_122 : vector<2048x1xf32> to vector<2048x64xf32>
    %eq3A_124 = arith.cmpf oeq, %select_n3A_119, %eq3A_123 : vector<2048x64xf32>
    %jit3A_125 = arith.constant 64 : i32
    %broadcast_in_dim3A_126 = vector.broadcast %jit3A_125 : i32 to vector<2048x64xi32>
    %select_n3A_127 = arith.select %eq3A_124, %iota3A, %broadcast_in_dim3A_126 : vector<2048x64xi1>, vector<2048x64xi32>
    %reduce_min3A_128 = arith.constant dense<2147483647> : vector<2048xi32>
    %reduce_min3A_129 = vector.multi_reduction <minsi>, %select_n3A_127, %reduce_min3A_128 [1] : vector<2048x64xi32> to vector<2048xi32>
    %broadcast_in_dim3A_130 = vector.shape_cast %reduce_min3A_129 : vector<2048xi32> to vector<2048x1xi32>
    %eq3A_131 = vector.broadcast %broadcast_in_dim3A_130 : vector<2048x1xi32> to vector<2048x64xi32>
    %eq3A_132 = arith.cmpi eq, %iota3A, %eq3A_131 : vector<2048x64xi32>
    %or3A_133 = arith.ori %or3A_116, %eq3A_132 : vector<2048x64xi1>
    %concatenate3A = tpu.concatenate %broadcast_in_dim3A_12, %broadcast_in_dim3A_28, %broadcast_in_dim3A_45, %broadcast_in_dim3A_62, %broadcast_in_dim3A_79, %broadcast_in_dim3A_96, %broadcast_in_dim3A_113, %broadcast_in_dim3A_130 in 1 : vector<2048x1xi32>, vector<2048x1xi32>, vector<2048x1xi32>, vector<2048x1xi32>, vector<2048x1xi32>, vector<2048x1xi32>, vector<2048x1xi32>, vector<2048x1xi32> -> vector<2048x8xi32>
    %swap3A = arith.constant 0 : index
    %swap3A_134 = arith.constant 0 : index
    %swap3A_135 = vector.load %arg4[%swap3A, %swap3A_134] : memref<2048x8xi32, #tpu.memory_space<vmem>>, vector<2048x8xi32>
    tpu.vector_store %arg4[%swap3A, %swap3A_134], %concatenate3A {strides = array<i32>} : memref<2048x8xi32, #tpu.memory_space<vmem>>, vector<2048x8xi32>,
    %jit3A_136 = arith.constant 0.000000e+00 : f32
    %broadcast_in_dim3A_137 = vector.broadcast %jit3A_136 : f32 to vector<2048x64xf32>
    %select_n3A_138 = arith.select %or3A_133, %dot_general3A_5, %broadcast_in_dim3A_137 : vector<2048x64xi1>, vector<2048x64xf32>
    %dot_general3A_139 = arith.constant dense<0.000000e+00> : vector<2048x256xf32>
    %dot_general3A_140 = tpu.matmul %select_n3A_138, %get3A_4, %dot_general3A_139 {dimension_numbers = #tpu.dot_dimension_numbers<[1], [0], [0], [1], [0, 0, 1, 1], [], []>, transpose_lhs_hint = false} : vector<2048x64xf32>, vector<64x256xf32>, vector<2048x256xf32> -> vector<2048x256xf32>
    %sub3A = arith.subf %dot_general3A_140, %get3A_1 : vector<2048x256xf32>
    %mul3A = arith.mulf %sub3A, %sub3A : vector<2048x256xf32>
    %reduce_sum3A = vector.shape_cast %mul3A : vector<2048x256xf32> to vector<1x2048x256xf32>
    %reduce_sum3A_141 = arith.constant dense<0.000000e+00> : vector<1xf32>
    %reduce_sum3A_142 = vector.multi_reduction <add>, %reduce_sum3A, %reduce_sum3A_141 [1, 2] : vector<1x2048x256xf32> to vector<1xf32>
    %reduce_sum3A_143 = vector.shape_cast %reduce_sum3A_142 : vector<1xf32> to vector<1x1x1xf32>
    %reduce_sum3A_144 = vector.extract %reduce_sum3A_143[0, 0, 0] : f32 from vector<1x1x1xf32>
    %mul3A_145 = arith.constant 1.22070313E-4 : f32
    %mul3A_146 = arith.mulf %reduce_sum3A_144, %mul3A_145 : f32
    %eq3A_147 = arith.constant 0 : i32
    %eq3A_148 = arith.cmpi eq, %arg0, %eq3A_147 : i32
    %convert_element_type3A = arith.extui %eq3A_148 : i1 to i32
    %cond3A = arith.constant 0 : i32
    %cond3A_149 = arith.cmpi ne, %convert_element_type3A, %cond3A : i32
    scf.if %cond3A_149 {
      %dot_general3A_156 = arith.constant dense<0.000000e+00> : vector<64x64xf32>
      %dot_general3A_157 = tpu.matmul %get3A_4, %get3A_4, %dot_general3A_156 {dimension_numbers = #tpu.dot_dimension_numbers<[1], [1], [0], [0], [0, 0, 1, 0], [], []>, transpose_lhs_hint = false} : vector<64x256xf32>, vector<64x256xf32>, vector<64x64xf32> -> vector<64x64xf32>
      %iota3A_158 = tpu.iota {dimensions = array<i32: 0>} : vector<64x64xi32>
      %iota3A_159 = tpu.iota {dimensions = array<i32: 1>} : vector<64x64xi32>
      %eq3A_160 = arith.cmpi eq, %iota3A_158, %iota3A_159 : vector<64x64xi32>
      %convert_element_type3A_161 = arith.extui %eq3A_160 : vector<64x64xi1> to vector<64x64xi32>
      %convert_element_type3A_162 = arith.sitofp %convert_element_type3A_161 : vector<64x64xi32> to vector<64x64xf32>
      %sub3A_163 = arith.subf %dot_general3A_157, %convert_element_type3A_162 : vector<64x64xf32>
      %abs3A = math.absf %sub3A_163 : vector<64x64xf32>
      %reduce_sum3A_164 = vector.shape_cast %abs3A : vector<64x64xf32> to vector<1x64x64xf32>
      %reduce_sum3A_165 = arith.constant dense<0.000000e+00> : vector<1xf32>
      %reduce_sum3A_166 = vector.multi_reduction <add>, %reduce_sum3A_164, %reduce_sum3A_165 [1, 2] : vector<1x64x64xf32> to vector<1xf32>
      %reduce_sum3A_167 = vector.shape_cast %reduce_sum3A_166 : vector<1xf32> to vector<1x1x1xf32>
      %reduce_sum3A_168 = vector.extract %reduce_sum3A_167[0, 0, 0] : f32 from vector<1x1x1xf32>
      %mul3A_169 = arith.constant 1.22070313E-4 : f32
      %mul3A_170 = arith.mulf %reduce_sum3A_168, %mul3A_169 : f32
      %swap3A_171 = arith.constant 0 : index
      %swap3A_172 = arith.constant 0 : index
      %swap3A_173 = memref.load %arg5[%swap3A_171, %swap3A_172] : memref<1x1xf32, #tpu.memory_space<smem>>
      memref.store %mul3A_170, %arg5[%swap3A_171, %swap3A_172] : memref<1x1xf32, #tpu.memory_space<smem>>
      %get3A_174 = arith.constant 0 : index
      %get3A_175 = arith.constant 0 : index
      %get3A_176 = vector.load %arg3[%get3A_174, %get3A_175] : memref<768x256xf32, #tpu.memory_space<vmem>>, vector<768x256xf32>
      %dot_general3A_177 = arith.constant dense<0.000000e+00> : vector<64x768xf32>
      %dot_general3A_178 = tpu.matmul %get3A_4, %get3A_176, %dot_general3A_177 {dimension_numbers = #tpu.dot_dimension_numbers<[1], [1], [0], [0], [0, 0, 1, 0], [], []>, transpose_lhs_hint = false} : vector<64x256xf32>, vector<768x256xf32>, vector<64x768xf32> -> vector<64x768xf32>
      %swap3A_179 = arith.constant 0 : index
      %swap3A_180 = arith.constant 0 : index
      %swap3A_181 = vector.load %arg6[%swap3A_179, %swap3A_180] : memref<64x768xf32, #tpu.memory_space<vmem>>, vector<64x768xf32>
      tpu.vector_store %arg6[%swap3A_179, %swap3A_180], %dot_general3A_178 {strides = array<i32>} : memref<64x768xf32, #tpu.memory_space<vmem>>, vector<64x768xf32>,
    } else {
    }
    %get3A_150 = arith.constant 0 : index
    %get3A_151 = arith.constant 0 : index
    %get3A_152 = memref.load %arg5[%get3A_150, %get3A_151] : memref<1x1xf32, #tpu.memory_space<smem>>
    %add3A = arith.addf %get3A_152, %mul3A_146 : f32
    %swap3A_153 = arith.constant 0 : index
    %swap3A_154 = arith.constant 0 : index
    %swap3A_155 = memref.load %arg5[%swap3A_153, %swap3A_154] : memref<1x1xf32, #tpu.memory_space<smem>>
    memref.store %add3A, %arg5[%swap3A_153, %swap3A_154] : memref<1x1xf32, #tpu.memory_space<smem>>
    return
  }
  func.func @transform_0(%arg0: i32) -> (i32, i32) {
    %c0_i32 = arith.constant 0 : i32
    %c0_i32_0 = arith.constant 0 : i32
    return %arg0, %c0_i32 : i32, i32
  }
  func.func @transform_1(%arg0: i32) -> (i32, i32) {
    %c0_i32 = arith.constant 0 : i32
    %c0_i32_0 = arith.constant 0 : i32
    %c0_i32_1 = arith.constant 0 : i32
    return %c0_i32, %c0_i32_0 : i32, i32
  }
  func.func @transform_2(%arg0: i32) -> (i32, i32) {
    %c0_i32 = arith.constant 0 : i32
    %c0_i32_0 = arith.constant 0 : i32
    %c0_i32_1 = arith.constant 0 : i32
    return %c0_i32, %c0_i32_0 : i32, i32
  }
  func.func @transform_3(%arg0: i32) -> (i32, i32) {
    %c0_i32 = arith.constant 0 : i32
    %c0_i32_0 = arith.constant 0 : i32
    return %arg0, %c0_i32 : i32, i32
  }
  func.func @transform_4(%arg0: i32) -> (i32, i32) {
    %c0_i32 = arith.constant 0 : i32
    %c0_i32_0 = arith.constant 0 : i32
    %c0_i32_1 = arith.constant 0 : i32
    return %c0_i32, %c0_i32_0 : i32, i32
  }
  func.func @transform_5(%arg0: i32) -> (i32, i32) {
    %c0_i32 = arith.constant 0 : i32
    %c0_i32_0 = arith.constant 0 : i32
    %c0_i32_1 = arith.constant 0 : i32
    return %c0_i32, %c0_i32_0 : i32, i32
  }
}

</mosaic_0001>

<sc_bundles>
// kernel: kernel.4.cloned.1.call-start
scs
__scs_entry_jumppad:
0x0: {  	(pc) =	sbr.rel $0x88, $3  }
0x1: {  	(tag) =	ssettag $0x0;
	lr =	simm.s32 $0x1  }
0x2: {  	[smem:$0x3F9D] =	sst lr;
	_ =	strace $0xD0000000  }
0x3: {  	_ = 	snop  }
0x4: {  	_ = 	snop  }
0x5: {  	_ = 	snop  }
0x6: {  	_ = 	snop  }
0x7: {  	_ = 	snop  }
__scs_overlays_trampoline_lowered:
0x8: {  	[smem:$0x3FAC] =	sst s0  }
0x9: {  	[smem:$0x3FAD] =	sst s1  }
0xa: {  	[smem:$0x3FAE] =	sst s2  }
0xb: {  	[smem:$0x3FAF] =	sst s3  }
0xc: {  	[smem:$0x3FB0] =	sst s4  }
0xd: {  	[smem:$0x3FB1] =	sst s5  }
0xe: {  	[smem:$0x3FB2] =	sst s6  }
0xf: {  	[smem:$0x3FB3] =	sst s7  }
0x10: {  	[smem:$0x3FB4] =	sst s8  }
0x11: {  	[smem:$0x3FB5] =	sst s9;
	s0 =	simm.s32 @!p0 $0x0  }
0x12: {  	s1 =	sld [smem:$0x3F9B];
	s0 =	simm.s32 @p0 $0x1  }
0x13: {  	[smem:$0x3FB6] =	sst s0;
	s0 =	simm.s32 @!p1 $0x0  }
0x14: {  	s2 =	sld [smem:$0x3F9A];
	s0 =	simm.s32 @p1 $0x1  }
0x15: {  	[smem:$0x3FB7] =	sst s0;
	s0 =	simm.s32 @!p2 $0x0  }
0x16: {  	s3 =	sld [smem:$0x3FDB];
	s0 =	simm.s32 @p2 $0x1  }
0x17: {  	s4 =	simm.s32 $0x1BF5;
	[smem:$0x3FB9] =	sst s0  }
0x18: {  	s0 =	sld [smem:$0x3F9C];
	_ =	swait.ge [sflag:s4], $0x0  }
0x19: {  	s7 =	sld [smem:$0x3F9D]  }
0x1a: {  	s8 =	sadd.s32 $0xFFFFE003, lr  }
0x1b: {  	s9 =	sadd.s32 $0xFFFFFEF7, lr;
	s5 =	simm.s32 $0xFFFFFFFF;
	p2 =	slt.u32 s8, $0xFFFFF086  }
0x1c: {  	p1 =	slt.u32 s9, $0xF7A;
	s5 =	simm.s32 @!p2 $0x0  }
0x1d: {  	s5 =	simm.s32 @p1 $0x1;
	p0 =	seq.s32 s7, s2  }
0x1e: {  	s7 =	smul.u32 @!p0 $0xF7A, s2;
	p2 =	seq.s32 @!p0 s5, $0x0  }
0x1f: {  	s9 =	smul.u32 $0xF7A, s1;
	s8 =	simm.s32 @!p0 $0x1BF5;
	p2 =	por !p2, p0  }
0x20: {  	[sflag:s8] =	ssyncset.s32 @!p0 $0xFFFFF086;
	s6 =	sadd.s32 @!p0 s3, s7;
	s7 =	simm.s32 @!p0 $0x108  }
0x21: {  	s3 =	sadd.s32 s3, s9;
	s6 =	sadd.s32 @!p0 $0x88, s6;
	s7 =	simm.s32 @p2 $0x1082  }
0x22: {  	[simem:s7], [sflag:s8] =	dma.local @!p0 [hbm:s6], $0xF7A  }
0x23: {  	s9 =	sor.u32 $0xD0000000, s2;
	s6 =	simm.s32 $0x108;
	_ =	swait.ge @!p0 [sflag:s8], $0x0  }
0x24: {  	s3 =	sadd.s32 $0x88, s3;
	s6 =	simm.s32 @!p1 $0x1082;
	[sflag:s4] =	ssyncset.s32 $0xFFFFF086  }
0x25: {  	[simem:s6], [sflag:s4] =	dma.local [hbm:s3], $0xF7A  }
0x26: {  	[smem:$0x3F9D] =	sst s1;
	(tag) =	ssettag s2;
	_ =	strace s9  }
0x27: {  	s1 =	sld [smem:$0x3FAD]  }
0x28: {  	s2 =	sld [smem:$0x3FAE]  }
0x29: {  	s4 =	sld [smem:$0x3FB0]  }
0x2a: {  	p0 =	seq.s32 s5, $0x0;
	s5 =	sld [smem:$0x3FB1]  }
0x2b: {  	s6 =	sld [smem:$0x3FB2]  }
0x2c: {  	s7 =	sld [smem:$0x3FB3]  }
0x2d: {  	s3 =	simm.s32 $0x108;
	s8 =	sld [smem:$0x3FB4]  }
0x2e: {  	s3 =	simm.s32 @!p0 $0x1082;
	s9 =	sld [smem:$0x3FB5]  }
0x2f: {  	lr =	sadd.s32 s0, s3;
	s0 =	sld [smem:$0x3FAC]  }
0x30: {  	s3 =	sld [smem:$0x3FAF]  }
0x31: {  	[smem:$0x3FB8] =	sst s10  }
0x32: {  	s10 =	sld [smem:$0x3FB6];
	_ =	sdelay $0x3  }
0x33: {  	p0 =	seq.s32 s10, $0x1;
	s10 =	sld [smem:$0x3FB8];
	_ =	sdelay $0x3  }
0x34: {  	[smem:$0x3FB8] =	sst s10  }
0x35: {  	s10 =	sld [smem:$0x3FB7];
	_ =	sdelay $0x3  }
0x36: {  	p1 =	seq.s32 s10, $0x1;
	s10 =	sld [smem:$0x3FB8];
	_ =	sdelay $0x3  }
0x37: {  	[smem:$0x3FB8] =	sst s10  }
0x38: {  	s10 =	sld [smem:$0x3FB9]  }
0x39: {  	_ = 	snop;
	(pc) =	sbr.ind lr, $3  }
0x3a: {  	_ = 	snop  }
0x3b: {  	_ = 	snop  }
0x3c: {  	p2 =	seq.s32 s10, $0x1;
	s10 =	sld [smem:$0x3FB8]  }
0x3d: {  	_ =	shalt  }
0x3e: {  	_ =	shalt  }
0x3f: {  	_ =	shalt  }
0x40: {  	_ =	shalt  }
0x41: {  	_ =	shalt  }
0x42: {  	_ =	shalt  }
0x43: {  	_ =	shalt  }
0x44: {  	_ =	shalt  }
0x45: {  	_ =	shalt  }
0x46: {  	_ =	shalt  }
0x47: {  	_ =	shalt  }
0x48: {  	_ =	shalt  }
0x49: {  	_ =	shalt  }
0x4a: {  	_ =	shalt  }
0x4b: {  	_ =	shalt  }
0x4c: {  	_ =	shalt  }
0x4d: {  	_ =	shalt  }
0x4e: {  	_ =	shalt  }
0x4f: {  	_ =	shalt  }
0x50: {  	_ =	shalt  }
0x51: {  	_ =	shalt  }
0x52: {  	_ =	shalt  }
0x53: {  	_ =	shalt  }
0x54: {  	_ =	shalt  }
0x55: {  	_ =	shalt  }
0x56: {  	_ =	shalt  }
0x57: {  	_ =	shalt  }
0x58: {  	_ =	shalt  }
0x59: {  	_ =	shalt  }
0x5a: {  	_ =	shalt  }
0x5b: {  	_ =	shalt  }
0x5c: {  	_ =	shalt  }
0x5d: {  	_ =	shalt  }
0x5e: {  	_ =	shalt  }
0x5f: {  	_ =	shalt  }
0x60: {  	_ =	shalt  }
0x61: {  	_ =	shalt  }
0x62: {  	_ =	shalt  }
0x63: {  	_ =	shalt  }
0x64: {  	_ =	shalt  }
0x65: {  	_ =	shalt  }
0x66: {  	_ =	shalt  }
0x67: {  	_ =	shalt  }
0x68: {  	_ =	shalt  }
0x69: {  	_ =	shalt  }
0x6a: {  	_ =	shalt  }
0x6b: {  	_ =	shalt  }
0x6c: {  	_ =	shalt  }
0x6d: {  	_ =	shalt  }
0x6e: {  	_ =	shalt  }
0x6f: {  	_ =	shalt  }
0x70: {  	_ =	shalt  }
0x71: {  	_ =	shalt  }
0x72: {  	_ =	shalt  }
0x73: {  	_ =	shalt  }
0x74: {  	_ =	shalt  }
0x75: {  	_ =	shalt  }
0x76: {  	_ =	shalt  }
0x77: {  	_ =	shalt  }
0x78: {  	_ =	shalt  }
0x79: {  	_ =	shalt  }
0x7a: {  	_ =	shalt  }
0x7b: {  	_ =	shalt  }
0x7c: {  	_ =	shalt  }
0x7d: {  	_ =	shalt  }
0x7e: {  	_ =	shalt  }
0x7f: {  	_ =	shalt  }
0x80: {  	_ =	shalt  }
0x81: {  	_ =	shalt  }
0x82: {  	_ =	shalt  }
0x83: {  	_ =	shalt  }
0x84: {  	_ =	shalt  }
0x85: {  	_ =	shalt  }
0x86: {  	_ =	shalt  }
0x87: {  	_ =	shalt  }
.Lfunc_end0:
.L_simem_size_0:
called_computation_lowered:
.L_overlay_start_0:
0x88: {  	s2 =	sld [smem:$0x3FD9]  }
0x89: {  	s3 =	sld [smem:$0x3FFE];
	_ =	sdelay $0x1  }
0x8a: {  	s1 =	srdreg.scid  }
0x8b: {  	s0 =	sand.u32 $0x1, s1  }
0x8c: {  	s14 =	sshll.u32 s0, $0xA;
	s2 =	sadd.s32 s3, s2  }
0x8d: {  	s2 =	sadd.s32 s2, s14  }
0x8e: {  	[smem:$0x3FC4] =	sst s2  }
0x8f: {  	_ = 	snop  }
0x90: {  	s2 =	sld [smem:$0x3FD0];
	_ =	sdelay $0x2  }
0x91: {  	s15 =	simm.s32 $0xA;
	s4 =	simm.s32 $0x10  }
0x92: {  	[smem:s4], [sflag:s15] =	dma.local [hbm:s2], $0x1  }
0x93: {  	_ =	swait.eq [sflag:s15], $0x1  }
0x94: {  	[sflag:s15] =	ssyncset.done $0x0  }
0x95: {  	[sflag:s15] =	ssyncadd.s32 $0xFFFFFFFF  }
0x96: {  	s16 =	sld [smem:$0x10];
	(tm) =	ssettm $0x1  }
0x97: {  	s17 =	sld [smem:$0x3FFB];
	_ =	sdelay $0x3  }
0x98: {  	_ =	strace s17  }
0x99: {  	s3 =	sld [smem:$0x3FFC];
	_ =	sdelay $0x3  }
0x9a: {  	_ =	strace s3  }
0x9b: {  	s3 =	sld [smem:$0x3FFD];
	_ =	sdelay $0x3  }
0x9c: {  	_ =	strace s3  }
0x9d: {  	_ =	strace $0x8FFFFFFF  }
0x9e: {  	s18 =	sld [smem:$0x3FDB];
	_ =	sdelay $0x1  }
0x9f: {  	s19 =	simm.s32 $_scs_section_size  }
0xa0: {  	s5 =	simm.s32 $_size__tile_overlayer_lowered;
	s6 =	simm.s32 $_tile_overlayer_lowered  }
0xa1: {  	s22 =	simm.s32 $0x1BFF;
	s21 =	sshll.u32 s6, $0x1;
	s3 =	sadd.s32 s19, s18  }
0xa2: {  	s7 =	simm.s32 $0x0;
	s20 =	sshll.u32 s5, $0x1;
	s5 =	sadd.s32 s21, s3  }
0xa3: {  	[timem:s7], [sflag:s22] =	dma.local [hbm:s5], s20  }
0xa4: {  	_ =	swait.ge [sflag:s22], s20  }
0xa5: {  	s4 =	ssub.s32 $0x0, s20;
	[sflag:s22] =	ssyncset.done $0x0  }
0xa6: {  	[sflag:s22] =	ssyncadd.s32 s4;
	_ =	sdelay $0x1  }
0xa7: {  	s23 =	simm.s32 $0x1B8B  }
0xa8: {  	_ =	swait.ge [sflag:s23], $0x1  }
0xa9: {  	[sflag:s23] =	ssyncset.done $0x0  }
0xaa: {  	s25 =	simm.s32 $0x1B8E;
	s24 =	sld [smem:$0x3FFE];
	[sflag:s23] =	ssyncadd.s32 $0xFFFFFFFF  }
0xab: {  	s26 =	simm.s32 $execute0_lowered;
	[smem:$0x3FD2] =	sst s25  }
0xac: {  	s5 =	sshll.u32 s26, $0x1;
	_ =	strace $0x80000046;
	[dreg:$0x1] =	wrdreg $0xFFFFFFFF  }
0xad: {  	s28 =	simm.s32 $_size_execute0_lowered;
	s3 =	sadd.s32 s3, s5;
	[dreg:$0x0] =	wrdreg $0x0  }
0xae: {  	s5 =	sshll.u32 s28, $0x1;
	[dreg:$0x2] =	wrdreg s3  }
0xaf: {  	[dreg:$0x3] =	wrdreg s5  }
0xb0: {  	[dreg:$0x4] =	wrdreg $0xC0  }
0xb1: {  	_ =	task [dreg:s7], $0x5FFFF  }
0xb2: {  	[dreg:$0x1] =	wrdreg $0xFFFFFFFF  }
0xb3: {  	[dreg:$0x0] =	wrdreg $0x60  }
0xb4: {  	[dreg:$0x2] =	wrdreg s24  }
0xb5: {  	[dreg:$0x3] =	wrdreg s16  }
0xb6: {  	[dreg:$0x4] =	wrdreg $0x9  }
0xb7: {  	_ =	task.clear_ibuf [dreg:s7], $0x5FFFF;
	_ =	strace $0x90000046  }
0xb8: {  	s29 =	simm.s32 $0x9;
	_ =	strace $0x80000048  }
0xb9: {  	_ =	swait.ge [sflag:s29], $0x1  }
0xba: {  	[sflag:s29] =	ssyncadd.s32 $0xFFFFFFFF  }
0xbb: {  	_ =	strace $0x90000048  }
0xbc: {  	_ =	sfence  }
0xbd: {  	s30 =	sld [smem:$0x0];
	_ =	sdelay $0x2  }
0xbe: {  	s31 =	sshll.u32 s1, $0xD;
	s1 =	sshrl.u32 s1, $0x2  }
0xbf: {  	s3 =	sand.u32 $0x4000, s31;
	s1 =	sadd.s32 s1, s30  }
0xc0: {  	s0 =	sor.u32 s3, s0;
	s1 =	sshll.u32 s1, $0x11  }
0xc1: {  	s0 =	sor.u32 s1, s0  }
0xc2: {  	s0 =	sadd.s32 $0x8F2B, s0  }
0xc3: {  	[sflag:s0] =	ssyncadd.remote.s32 $0x1  }
0xc4: {  	_ =	sfence.sel $0xFFFF  }
0xc5: {  	[dreg:$0x0] =	wrdreg $0xFFFFFFFF;
	(pc) =	sbr.abs _section_cstart, $3  }
0xc6: {  	[dreg:$0x1] =	wrdreg $0xFFFFFFFF  }
0xc7: {  	_ =	task.clear_ibuf [dreg:s7], $0x2FFFF;
	_ =	strace $0x9FFFFFFF  }
0xc8: {  	(tm) =	ssettm $0x7FFFFFFF  }
0xc9: {  	_ =	shalt  }
tec
execute0_lowered:
.L_overlay_start_1:
0x0: {  	(tag) =	ssettag $0x1  }
0x1: {  	v0 =	vlaneseq.u32  }
0x2: {  	v1 =	vor.u32 $0x10, v0;
	v2 =	vor.u32 $0x20, v0  }
0x3: {  	v3 =	vor.u32 $0x30, v0;
	v4 =	vor.u32 $0x40, v0;
	v5 =	vor.u32 $0x50, v0  }
0x4: {  	v6 =	vor.u32 $0x60, v0;
	v7 =	vor.u32 $0x70, v0;
	v8 =	vor.u32 $0x80, v0  }
0x5: {  	v9 =	vor.u32 $0x90, v0;
	v10 =	vor.u32 $0xA0, v0;
	v11 =	vor.u32 $0xB0, v0  }
0x6: {  	v12 =	vor.u32 $0xC0, v0;
	v13 =	vor.u32 $0xD0, v0;
	v14 =	vor.u32 $0xE0, v0  }
0x7: {  	s1 =	srdreg.scid;
	v15 =	vor.u32 $0xF0, v0;
	v16 =	vor.u32 $0x100, v0;
	v17 =	vor.u32 $0x110, v0  }
0x8: {  	s6 =	rddreg [dreg:$0x0];
	s0 =	stileid.u32;
	v18 =	vor.u32 $0x120, v0;
	v19 =	vor.u32 $0x130, v0;
	v20 =	vor.u32 $0x140, v0  }
0x9: {  	s2 =	rddreg [dreg:$0x1];
	s3 =	simm.s32 $0x0;
	s11 =	simm.s32 $0xC000;
	v21 =	vor.u32 $0x150, v0;
	v22 =	vor.u32 $0x160, v0;
	v23 =	vor.u32 $0x170, v0  }
0xa: {  	s12 =	simm.s32 $0xC800;
	s13 =	simm.s32 $0x12800;
	s5 =	sand.u32 $0x1, s1;
	v24 =	vor.u32 $0x180, v0;
	v25 =	vor.u32 $0x190, v0;
	v26 =	vor.u32 $0x1A0, v0  }
0xb: {  	s14 =	simm.s32 $0x1;
	s4 =	sshll.u32 s0, $0xC;
	v27 =	vor.u32 $0x1B0, v0;
	v28 =	vor.u32 $0x1C0, v0;
	v29 =	vor.u32 $0x1D0, v0;
	s7 =	sshll.u32 s5, $0xB  }
0xc: {  	s15 =	simm.s32 $0x2;
	s1 =	rddreg [dreg:$0x2];
	v30 =	vor.u32 $0x1E0, v0;
	v31 =	vor.u32 $0x1F0, v0;
	v32 =	vor.u32 $0x200, v0;
	s4 =	sor.u32 s7, s4  }
0xd: {  	s16 =	simm.s32 $0x0;
	[smem:$0x7FF] =	sst s3;
	v33 =	vor.u32 $0x210, v0;
	v34 =	vor.u32 $0x220, v0;
	v35 =	vor.u32 $0x230, v0;
	s7 =	sshrl.u32 s4, $0x3  }
0xe: {  	v36 =	vor.u32 $0x240, v0;
	v37 =	vor.u32 $0x250, v0;
	v38 =	vor.u32 $0x260, v0;
	_ =	strace $0x80000047;
	s8 =	ssub.s32 $0x2, s5;
	s9 =	smul.u32 $0x300, s7  }
0xf: {  	v39 =	vor.u32 $0x270, v0;
	v40 =	vor.u32 $0x280, v0;
	v41 =	vor.u32 $0x290, v0;
	s5 =	sadd.s32 $0x200, s6;
	s31 =	sshrl.u32 s8, $0x1;
	s6 =	sadd.s32 s7, s6  }
0x10: {  	v42 =	vor.u32 $0x2A0, v0;
	v43 =	vor.u32 $0x2B0, v0;
	v44 =	vor.u32 $0x2C0, v0;
	s10 =	ssub.s32 s8, s31;
	s6 =	sadd.s32 $0x1A00, s6;
	s7 =	sadd.s32 s2, s9  }
0x11: {  	v45 =	vor.u32 $0x2D0, v0;
	v46 =	vor.u32 $0x2E0, v0;
	v47 =	vor.u32 $0x2F0, v0;
	s9 =	smax.u32 s10, $0x1;
	s10 =	simm.s32 $0x3;
	s8 =	sadd.s32 $0xC00, s7  }
.LBB2_1:
0x12: {  	[tilespmem:s3], [sflag:$0x3] =	stream.linear.gather [hbm4b:s5+s3], $0xC000, $0x38;
	[tilespmem:$0x18800] =	vst v63  }
0x13: {  	_ =	swait.ge [sflag:s10], $0xC000  }
0x14: {  	[sflag:s10] =	ssyncset.done $0x0  }
0x15: {  	[sflag:s10] =	ssyncadd.s32 $0xFFFF4000  }
0x16: {  	[tilespmem:s11], [sflag:$0x3] =	stream.linear.gather [hbm4b:s6+s3], $0x800, $0x38;
	[tilespmem:$0x18800] =	vst v63  }
0x17: {  	_ =	swait.ge [sflag:s10], $0x800  }
0x18: {  	[sflag:s10] =	ssyncset.done $0x0  }
0x19: {  	s17 =	simm.s32 $0x0;
	s18 =	simm.s32 $0x0;
	[sflag:s10] =	ssyncadd.s32 $0xFFFFF800  }
.LBB2_2:
0x1a: {  	v48 =	vmov s18;
	_ =	sdelay $0x4  }
0x1b: {  	v48 =	vld.idx.msk [tilespmem:v48+s11+$0x0], $0xffff;
	_ =	sdelay $0x4  }
0x1c: {  	v48 =	vmul.u32 $0x300, v48;
	_ =	sdelay $0x1  }
0x1d: {  	v49 =	vor.u32 v0, v48  }
0x1e: {  	v50 =	vor.u32 v1, v48  }
0x1f: {  	v51 =	vor.u32 v2, v48  }
0x20: {  	v52 =	vor.u32 v3, v48  }
0x21: {  	v53 =	vor.u32 v4, v48  }
0x22: {  	v54 =	vor.u32 v5, v48;
	v49 =	vld.idx.msk [tilespmem:v49+s3+$0x0], $0xffff  }
0x23: {  	v55 =	vor.u32 v6, v48;
	v50 =	vld.idx.msk [tilespmem:v50+s3+$0x0], $0xffff  }
0x24: {  	s19 =	sshrl.u32 s18, $0x3;
	v56 =	vor.u32 v7, v48;
	v51 =	vld.idx.msk [tilespmem:v51+s3+$0x0], $0xffff  }
0x25: {  	s19 =	smul.u32 $0x6000, s19;
	v52 =	vld.idx.msk [tilespmem:v52+s3+$0x0], $0xffff  }
0x26: {  	v53 =	vld.idx.msk [tilespmem:v53+s3+$0x0], $0xffff  }
0x27: {  	s20 =	sand.u32 $0x380, s17;
	s19 =	sshra.s32 s19, $0x2;
	v54 =	vld.idx.msk [tilespmem:v54+s3+$0x0], $0xffff  }
0x28: {  	s19 =	sor.u32 s20, s19;
	v55 =	vld.idx.msk [tilespmem:v55+s3+$0x0], $0xffff  }
0x29: {  	v56 =	vld.idx.msk [tilespmem:v56+s3+$0x0], $0xffff;
	[tilespmem:s19+$0xC800] =	vst v49  }
0x2a: {  	[tilespmem:s19+$0xC810] =	vst v50  }
0x2b: {  	[tilespmem:s19+$0xC820] =	vst v51  }
0x2c: {  	v58 =	vor.u32 v8, v48;
	[tilespmem:s19+$0xC830] =	vst v52  }
0x2d: {  	v59 =	vor.u32 v9, v48;
	[tilespmem:s19+$0xC840] =	vst v53  }
0x2e: {  	v60 =	vor.u32 v10, v48;
	[tilespmem:s19+$0xC850] =	vst v54  }
0x2f: {  	v61 =	vor.u32 v12, v48;
	[tilespmem:s19+$0xC860] =	vst v55  }
0x30: {  	v62 =	vor.u32 v13, v48;
	[tilespmem:s19+$0xC870] =	vst v56  }
0x31: {  	v63 =	vor.u32 v14, v48;
	v49 =	vld.idx.msk [tilespmem:v58+s3+$0x0], $0xffff  }
0x32: {  	v52 =	vor.u32 v11, v48;
	v50 =	vld.idx.msk [tilespmem:v59+s3+$0x0], $0xffff  }
0x33: {  	v51 =	vld.idx.msk [tilespmem:v60+s3+$0x0], $0xffff;
	v60 =	vor.u32 v15, v48  }
0x34: {  	v53 =	vld.idx.msk [tilespmem:v61+s3+$0x0], $0xffff  }
0x35: {  	v54 =	vld.idx.msk [tilespmem:v62+s3+$0x0], $0xffff  }
0x36: {  	v55 =	vld.idx.msk [tilespmem:v63+s3+$0x0], $0xffff  }
0x37: {  	v52 =	vld.idx.msk [tilespmem:v52+s3+$0x0], $0xffff  }
0x38: {  	v56 =	vld.idx.msk [tilespmem:v60+s3+$0x0], $0xffff;
	[tilespmem:s19+$0xCC00] =	vst v49  }
0x39: {  	v61 =	vadd.s32 v16, v48;
	[tilespmem:s19+$0xCC10] =	vst v50  }
0x3a: {  	v62 =	vadd.s32 v17, v48;
	[tilespmem:s19+$0xCC20] =	vst v51;
	v49 =	vand.u32 $0xFFFFFF00, v61  }
0x3b: {  	v63 =	vadd.s32 v18, v48;
	v50 =	vand.u32 $0xFFFFFF00, v62;
	[tilespmem:s19+$0xCC40] =	vst v53;
	v49 =	vor.u32 v0, v49  }
0x3c: {  	v58 =	vadd.s32 v20, v48;
	v51 =	vand.u32 $0xFFFFFF00, v63;
	[tilespmem:s19+$0xCC50] =	vst v54;
	v50 =	vor.u32 v1, v50  }
0x3d: {  	v59 =	vadd.s32 v21, v48;
	[tilespmem:s19+$0xCC60] =	vst v55;
	v53 =	vand.u32 $0xFFFFFF00, v58;
	v51 =	vor.u32 v2, v51  }
0x3e: {  	v54 =	vand.u32 $0xFFFFFF00, v59;
	v60 =	vadd.s32 v22, v48;
	v53 =	vor.u32 v4, v53;
	[tilespmem:s19+$0xCC30] =	vst v52  }
0x3f: {  	v57 =	vadd.s32 v19, v48;
	v54 =	vor.u32 v5, v54;
	v55 =	vand.u32 $0xFFFFFF00, v60;
	[tilespmem:s19+$0xCC70] =	vst v56  }
0x40: {  	v61 =	vadd.s32 v23, v48;
	v55 =	vor.u32 v6, v55;
	v52 =	vand.u32 $0xFFFFFF00, v57;
	v49 =	vld.idx.msk [tilespmem:v49+s3+$0x0], $0xffff  }
0x41: {  	v52 =	vor.u32 v3, v52;
	v56 =	vand.u32 $0xFFFFFF00, v61;
	v50 =	vld.idx.msk [tilespmem:v50+s3+$0x0], $0xffff  }
0x42: {  	v51 =	vld.idx.msk [tilespmem:v51+s3+$0x0], $0xffff;
	v56 =	vor.u32 v7, v56  }
0x43: {  	v53 =	vld.idx.msk [tilespmem:v53+s3+$0x0], $0xffff  }
0x44: {  	v54 =	vld.idx.msk [tilespmem:v54+s3+$0x0], $0xffff  }
0x45: {  	v55 =	vld.idx.msk [tilespmem:v55+s3+$0x0], $0xffff  }
0x46: {  	v52 =	vld.idx.msk [tilespmem:v52+s3+$0x0], $0xffff  }
0x47: {  	v56 =	vld.idx.msk [tilespmem:v56+s3+$0x0], $0xffff;
	[tilespmem:s19+$0xD000] =	vst v49  }
0x48: {  	v62 =	vadd.s32 v24, v48;
	[tilespmem:s19+$0xD010] =	vst v50  }
0x49: {  	v63 =	vadd.s32 v25, v48;
	[tilespmem:s19+$0xD020] =	vst v51;
	v49 =	vand.u32 $0xFFFFFF80, v62  }
0x4a: {  	v57 =	vadd.s32 v26, v48;
	v50 =	vand.u32 $0xFFFFFF80, v63;
	[tilespmem:s19+$0xD040] =	vst v53;
	v49 =	vor.u32 v0, v49  }
0x4b: {  	v59 =	vadd.s32 v28, v48;
	v51 =	vand.u32 $0xFFFFFF80, v57;
	[tilespmem:s19+$0xD050] =	vst v54;
	v50 =	vor.u32 v1, v50  }
0x4c: {  	v60 =	vadd.s32 v29, v48;
	v53 =	vand.u32 $0xFFFFFF80, v59;
	v51 =	vor.u32 v2, v51;
	[tilespmem:s19+$0xD060] =	vst v55  }
0x4d: {  	v61 =	vadd.s32 v30, v48;
	v54 =	vand.u32 $0xFFFFFF80, v60;
	v53 =	vor.u32 v4, v53;
	[tilespmem:s19+$0xD030] =	vst v52  }
0x4e: {  	v58 =	vadd.s32 v27, v48;
	v54 =	vor.u32 v5, v54;
	v55 =	vand.u32 $0xFFFFFF80, v61;
	[tilespmem:s19+$0xD070] =	vst v56  }
0x4f: {  	v62 =	vadd.s32 v31, v48;
	v55 =	vor.u32 v6, v55;
	v52 =	vand.u32 $0xFFFFFF80, v58;
	v49 =	vld.idx.msk [tilespmem:v49+s3+$0x0], $0xffff  }
0x50: {  	v52 =	vor.u32 v3, v52;
	v56 =	vand.u32 $0xFFFFFF80, v62;
	v50 =	vld.idx.msk [tilespmem:v50+s3+$0x0], $0xffff  }
0x51: {  	v51 =	vld.idx.msk [tilespmem:v51+s3+$0x0], $0xffff;
	v56 =	vor.u32 v7, v56  }
0x52: {  	v53 =	vld.idx.msk [tilespmem:v53+s3+$0x0], $0xffff  }
0x53: {  	v54 =	vld.idx.msk [tilespmem:v54+s3+$0x0], $0xffff  }
0x54: {  	v55 =	vld.idx.msk [tilespmem:v55+s3+$0x0], $0xffff  }
0x55: {  	v52 =	vld.idx.msk [tilespmem:v52+s3+$0x0], $0xffff  }
0x56: {  	v56 =	vld.idx.msk [tilespmem:v56+s3+$0x0], $0xffff;
	[tilespmem:s19+$0xD400] =	vst v49  }
0x57: {  	v63 =	vadd.s32 v32, v48;
	[tilespmem:s19+$0xD410] =	vst v50  }
0x58: {  	v57 =	vadd.s32 v33, v48;
	[tilespmem:s19+$0xD420] =	vst v51;
	v49 =	vand.u32 $0xFFFFFF00, v63  }
0x59: {  	v58 =	vadd.s32 v34, v48;
	v50 =	vand.u32 $0xFFFFFF00, v57;
	[tilespmem:s19+$0xD440] =	vst v53;
	v49 =	vor.u32 v0, v49  }
0x5a: {  	v60 =	vadd.s32 v36, v48;
	v51 =	vand.u32 $0xFFFFFF00, v58;
	[tilespmem:s19+$0xD450] =	vst v54;
	v50 =	vor.u32 v1, v50  }
0x5b: {  	v61 =	vadd.s32 v37, v48;
	v53 =	vand.u32 $0xFFFFFF00, v60;
	v51 =	vor.u32 v2, v51;
	[tilespmem:s19+$0xD460] =	vst v55  }
0x5c: {  	v62 =	vadd.s32 v38, v48;
	v54 =	vand.u32 $0xFFFFFF00, v61;
	v53 =	vor.u32 v4, v53;
	[tilespmem:s19+$0xD430] =	vst v52  }
0x5d: {  	v59 =	vadd.s32 v35, v48;
	v54 =	vor.u32 v5, v54;
	v55 =	vand.u32 $0xFFFFFF00, v62;
	[tilespmem:s19+$0xD470] =	vst v56  }
0x5e: {  	v63 =	vadd.s32 v39, v48;
	v55 =	vor.u32 v6, v55;
	v52 =	vand.u32 $0xFFFFFF00, v59;
	v49 =	vld.idx.msk [tilespmem:v49+s3+$0x0], $0xffff  }
0x5f: {  	v52 =	vor.u32 v3, v52;
	v56 =	vand.u32 $0xFFFFFF00, v63;
	v50 =	vld.idx.msk [tilespmem:v50+s3+$0x0], $0xffff  }
0x60: {  	v51 =	vld.idx.msk [tilespmem:v51+s3+$0x0], $0xffff;
	v56 =	vor.u32 v7, v56  }
0x61: {  	v53 =	vld.idx.msk [tilespmem:v53+s3+$0x0], $0xffff  }
0x62: {  	v54 =	vld.idx.msk [tilespmem:v54+s3+$0x0], $0xffff  }
0x63: {  	v55 =	vld.idx.msk [tilespmem:v55+s3+$0x0], $0xffff  }
0x64: {  	v52 =	vld.idx.msk [tilespmem:v52+s3+$0x0], $0xffff  }
0x65: {  	v56 =	vld.idx.msk [tilespmem:v56+s3+$0x0], $0xffff;
	[tilespmem:s19+$0xD800] =	vst v49  }
0x66: {  	v57 =	vadd.s32 v40, v48;
	v58 =	vadd.s32 v41, v48;
	[tilespmem:s19+$0xD810] =	vst v50  }
0x67: {  	v60 =	vadd.s32 v43, v48;
	v61 =	vadd.s32 v44, v48;
	[tilespmem:s19+$0xD820] =	vst v51;
	v49 =	vand.u32 $0xFFFFFF80, v57  }
0x68: {  	v59 =	vadd.s32 v42, v48;
	v50 =	vand.u32 $0xFFFFFF80, v58;
	[tilespmem:s19+$0xD840] =	vst v53;
	v49 =	vor.u32 v0, v49  }
0x69: {  	v62 =	vadd.s32 v45, v48;
	v51 =	vand.u32 $0xFFFFFF80, v59;
	[tilespmem:s19+$0xD850] =	vst v54;
	v50 =	vor.u32 v1, v50  }
0x6a: {  	v63 =	vadd.s32 v46, v48;
	v53 =	vand.u32 $0xFFFFFF80, v61;
	v51 =	vor.u32 v2, v51;
	[tilespmem:s19+$0xD860] =	vst v55  }
0x6b: {  	v48 =	vadd.s32 v47, v48;
	v54 =	vand.u32 $0xFFFFFF80, v62;
	v53 =	vor.u32 v4, v53;
	[tilespmem:s19+$0xD830] =	vst v52  }
0x6c: {  	v48 =	vand.u32 $0xFFFFFF80, v48;
	v54 =	vor.u32 v5, v54;
	[tilespmem:s19+$0xD870] =	vst v56  }
0x6d: {  	v48 =	vor.u32 v7, v48;
	v55 =	vand.u32 $0xFFFFFF80, v63;
	v49 =	vld.idx.msk [tilespmem:v49+s3+$0x0], $0xffff  }
0x6e: {  	v55 =	vor.u32 v6, v55;
	v52 =	vand.u32 $0xFFFFFF80, v60;
	v50 =	vld.idx.msk [tilespmem:v50+s3+$0x0], $0xffff  }
0x6f: {  	v52 =	vor.u32 v3, v52;
	v51 =	vld.idx.msk [tilespmem:v51+s3+$0x0], $0xffff  }
0x70: {  	v53 =	vld.idx.msk [tilespmem:v53+s3+$0x0], $0xffff  }
0x71: {  	v54 =	vld.idx.msk [tilespmem:v54+s3+$0x0], $0xffff  }
0x72: {  	v48 =	vld.idx.msk [tilespmem:v48+s3+$0x0], $0xffff  }
0x73: {  	v55 =	vld.idx.msk [tilespmem:v55+s3+$0x0], $0xffff  }
0x74: {  	v52 =	vld.idx.msk [tilespmem:v52+s3+$0x0], $0xffff;
	[tilespmem:s19+$0xDC00] =	vst v49  }
0x75: {  	[tilespmem:s19+$0xDC10] =	vst v50  }
0x76: {  	p0 =	sne.s32 s18, $0x1F;
	[tilespmem:s19+$0xDC20] =	vst v51  }
.Ltmp0:
0x77: {  	[tilespmem:s19+$0xDC40] =	vst v53;
	(pc) =	sbr.rel @p0 .LBB2_2-.Ltmp0, $4  }
0x78: {  	[tilespmem:s19+$0xDC50] =	vst v54  }
0x79: {  	[tilespmem:s19+$0xDC70] =	vst v48  }
0x7a: {  	[tilespmem:s19+$0xDC60] =	vst v55  }
0x7b: {  	s17 =	sadd.s32 $0x80, s17;
	s18 =	sadd.s32 $0x1, s18;
	[tilespmem:s19+$0xDC30] =	vst v52  }
0x7c: {  	s17 =	simm.s32 $0x0;
	s18 =	simm.s32 $0x0  }
0x7d: {  	[hbm4b:s7+s17] =	stream.linear.scatter [tilespmem:s12], [sflag:$0x1], $0x6000, $0x38;
	[tilespmem:$0x18800] =	vst v63  }
.LBB2_4:
0x7e: {  	s19 =	sadd.s32 $0x20, s18  }
0x7f: {  	v48 =	vmov s19;
	_ =	sdelay $0x4  }
0x80: {  	v48 =	vld.idx.msk [tilespmem:v48+s11+$0x0], $0xffff;
	_ =	sdelay $0x4  }
0x81: {  	v48 =	vmul.u32 $0x300, v48;
	_ =	sdelay $0x1  }
0x82: {  	v49 =	vor.u32 v0, v48  }
0x83: {  	v50 =	vor.u32 v1, v48  }
0x84: {  	v51 =	vor.u32 v2, v48  }
0x85: {  	v53 =	vor.u32 v4, v48  }
0x86: {  	v54 =	vor.u32 v5, v48  }
0x87: {  	v55 =	vor.u32 v6, v48;
	v49 =	vld.idx.msk [tilespmem:v49+s3+$0x0], $0xffff  }
0x88: {  	v56 =	vor.u32 v7, v48;
	v50 =	vld.idx.msk [tilespmem:v50+s3+$0x0], $0xffff  }
0x89: {  	s26 =	sshrl.u32 s18, $0x3;
	v52 =	vor.u32 v3, v48;
	v51 =	vld.idx.msk [tilespmem:v51+s3+$0x0], $0xffff  }
0x8a: {  	s19 =	smul.u32 $0x6000, s26;
	v53 =	vld.idx.msk [tilespmem:v53+s3+$0x0], $0xffff  }
0x8b: {  	v54 =	vld.idx.msk [tilespmem:v54+s3+$0x0], $0xffff  }
0x8c: {  	s20 =	sand.u32 $0x380, s17;
	s19 =	sshra.s32 s19, $0x2;
	v55 =	vld.idx.msk [tilespmem:v55+s3+$0x0], $0xffff  }
0x8d: {  	s19 =	sor.u32 s20, s19;
	v56 =	vld.idx.msk [tilespmem:v56+s3+$0x0], $0xffff  }
0x8e: {  	s20 =	sadd.s32 $0x12800, s19;
	v52 =	vld.idx.msk [tilespmem:v52+s3+$0x0], $0xffff;
	[tilespmem:s19+$0x12800] =	vst v49  }
0x8f: {  	[tilespmem:s20+$0x40] =	vst v53  }
0x90: {  	[tilespmem:s20+$0x50] =	vst v54  }
0x91: {  	v58 =	vor.u32 v8, v48;
	[tilespmem:s20+$0x60] =	vst v55  }
0x92: {  	v59 =	vor.u32 v9, v48;
	[tilespmem:s20+$0x70] =	vst v56  }
0x93: {  	v60 =	vor.u32 v10, v48;
	[tilespmem:s20+$0x10] =	vst v50  }
0x94: {  	v61 =	vor.u32 v12, v48;
	[tilespmem:s20+$0x20] =	vst v51  }
0x95: {  	v62 =	vor.u32 v13, v48;
	[tilespmem:s20+$0x30] =	vst v52  }
0x96: {  	v63 =	vor.u32 v14, v48;
	v49 =	vld.idx.msk [tilespmem:v58+s3+$0x0], $0xffff  }
0x97: {  	v52 =	vor.u32 v11, v48;
	v50 =	vld.idx.msk [tilespmem:v59+s3+$0x0], $0xffff  }
0x98: {  	v51 =	vld.idx.msk [tilespmem:v60+s3+$0x0], $0xffff;
	v60 =	vor.u32 v15, v48  }
0x99: {  	v53 =	vld.idx.msk [tilespmem:v61+s3+$0x0], $0xffff  }
0x9a: {  	v54 =	vld.idx.msk [tilespmem:v62+s3+$0x0], $0xffff  }
0x9b: {  	v55 =	vld.idx.msk [tilespmem:v63+s3+$0x0], $0xffff  }
0x9c: {  	v52 =	vld.idx.msk [tilespmem:v52+s3+$0x0], $0xffff  }
0x9d: {  	v56 =	vld.idx.msk [tilespmem:v60+s3+$0x0], $0xffff;
	[tilespmem:s20+$0x400] =	vst v49  }
0x9e: {  	v61 =	vadd.s32 v16, v48;
	[tilespmem:s20+$0x410] =	vst v50  }
0x9f: {  	v62 =	vadd.s32 v17, v48;
	[tilespmem:s20+$0x420] =	vst v51;
	v49 =	vand.u32 $0xFFFFFF00, v61  }
0xa0: {  	v63 =	vadd.s32 v18, v48;
	v50 =	vand.u32 $0xFFFFFF00, v62;
	[tilespmem:s20+$0x440] =	vst v53;
	v49 =	vor.u32 v0, v49  }
0xa1: {  	v58 =	vadd.s32 v20, v48;
	v51 =	vand.u32 $0xFFFFFF00, v63;
	[tilespmem:s20+$0x450] =	vst v54;
	v50 =	vor.u32 v1, v50  }
0xa2: {  	v59 =	vadd.s32 v21, v48;
	[tilespmem:s20+$0x460] =	vst v55;
	v53 =	vand.u32 $0xFFFFFF00, v58;
	v51 =	vor.u32 v2, v51  }
0xa3: {  	v54 =	vand.u32 $0xFFFFFF00, v59;
	v60 =	vadd.s32 v22, v48;
	v53 =	vor.u32 v4, v53;
	[tilespmem:s20+$0x430] =	vst v52  }
0xa4: {  	v57 =	vadd.s32 v19, v48;
	v54 =	vor.u32 v5, v54;
	v55 =	vand.u32 $0xFFFFFF00, v60;
	[tilespmem:s20+$0x470] =	vst v56  }
0xa5: {  	v61 =	vadd.s32 v23, v48;
	v55 =	vor.u32 v6, v55;
	v52 =	vand.u32 $0xFFFFFF00, v57;
	v49 =	vld.idx.msk [tilespmem:v49+s3+$0x0], $0xffff  }
0xa6: {  	v52 =	vor.u32 v3, v52;
	v56 =	vand.u32 $0xFFFFFF00, v61;
	v50 =	vld.idx.msk [tilespmem:v50+s3+$0x0], $0xffff  }
0xa7: {  	v51 =	vld.idx.msk [tilespmem:v51+s3+$0x0], $0xffff;
	v56 =	vor.u32 v7, v56  }
0xa8: {  	v53 =	vld.idx.msk [tilespmem:v53+s3+$0x0], $0xffff  }
0xa9: {  	v54 =	vld.idx.msk [tilespmem:v54+s3+$0x0], $0xffff  }
0xaa: {  	v55 =	vld.idx.msk [tilespmem:v55+s3+$0x0], $0xffff  }
0xab: {  	v52 =	vld.idx.msk [tilespmem:v52+s3+$0x0], $0xffff  }
0xac: {  	s28 =	sadd.s32 $0x13000, s19;
	v56 =	vld.idx.msk [tilespmem:v56+s3+$0x0], $0xffff;
	[tilespmem:s19+$0x13000] =	vst v49  }
0xad: {  	v62 =	vadd.s32 v24, v48;
	[tilespmem:s28+$0x40] =	vst v53  }
0xae: {  	v59 =	vadd.s32 v28, v48;
	v49 =	vand.u32 $0xFFFFFF80, v62;
	[tilespmem:s28+$0x50] =	vst v54  }
0xaf: {  	v60 =	vadd.s32 v29, v48;
	v53 =	vand.u32 $0xFFFFFF80, v59;
	[tilespmem:s28+$0x10] =	vst v50;
	v49 =	vor.u32 v0, v49  }
0xb0: {  	v63 =	vadd.s32 v25, v48;
	v54 =	vand.u32 $0xFFFFFF80, v60;
	[tilespmem:s28+$0x20] =	vst v51;
	v53 =	vor.u32 v4, v53  }
0xb1: {  	v57 =	vadd.s32 v26, v48;
	v50 =	vand.u32 $0xFFFFFF80, v63;
	[tilespmem:s28+$0x60] =	vst v55;
	v54 =	vor.u32 v5, v54  }
0xb2: {  	v61 =	vadd.s32 v30, v48;
	v51 =	vand.u32 $0xFFFFFF80, v57;
	v50 =	vor.u32 v1, v50;
	[tilespmem:s28+$0x30] =	vst v52  }
0xb3: {  	v58 =	vadd.s32 v27, v48;
	v55 =	vand.u32 $0xFFFFFF80, v61;
	v51 =	vor.u32 v2, v51;
	[tilespmem:s28+$0x70] =	vst v56  }
0xb4: {  	v62 =	vadd.s32 v31, v48;
	v55 =	vor.u32 v6, v55;
	v52 =	vand.u32 $0xFFFFFF80, v58;
	v49 =	vld.idx.msk [tilespmem:v49+s3+$0x0], $0xffff  }
0xb5: {  	v52 =	vor.u32 v3, v52;
	v56 =	vand.u32 $0xFFFFFF80, v62;
	v53 =	vld.idx.msk [tilespmem:v53+s3+$0x0], $0xffff  }
0xb6: {  	v56 =	vor.u32 v7, v56;
	v54 =	vld.idx.msk [tilespmem:v54+s3+$0x0], $0xffff  }
0xb7: {  	v50 =	vld.idx.msk [tilespmem:v50+s3+$0x0], $0xffff  }
0xb8: {  	v51 =	vld.idx.msk [tilespmem:v51+s3+$0x0], $0xffff  }
0xb9: {  	v55 =	vld.idx.msk [tilespmem:v55+s3+$0x0], $0xffff  }
0xba: {  	v52 =	vld.idx.msk [tilespmem:v52+s3+$0x0], $0xffff  }
0xbb: {  	s29 =	sadd.s32 $0x13400, s19;
	v56 =	vld.idx.msk [tilespmem:v56+s3+$0x0], $0xffff;
	[tilespmem:s19+$0x13400] =	vst v49  }
0xbc: {  	v63 =	vadd.s32 v32, v48;
	[tilespmem:s29+$0x40] =	vst v53  }
0xbd: {  	v60 =	vadd.s32 v36, v48;
	v49 =	vand.u32 $0xFFFFFF00, v63;
	[tilespmem:s29+$0x50] =	vst v54  }
0xbe: {  	v61 =	vadd.s32 v37, v48;
	v53 =	vand.u32 $0xFFFFFF00, v60;
	[tilespmem:s29+$0x10] =	vst v50;
	v49 =	vor.u32 v0, v49  }
0xbf: {  	v57 =	vadd.s32 v33, v48;
	v54 =	vand.u32 $0xFFFFFF00, v61;
	[tilespmem:s29+$0x20] =	vst v51;
	v53 =	vor.u32 v4, v53  }
0xc0: {  	v58 =	vadd.s32 v34, v48;
	v50 =	vand.u32 $0xFFFFFF00, v57;
	[tilespmem:s29+$0x60] =	vst v55;
	v54 =	vor.u32 v5, v54  }
0xc1: {  	v62 =	vadd.s32 v38, v48;
	v51 =	vand.u32 $0xFFFFFF00, v58;
	v50 =	vor.u32 v1, v50;
	[tilespmem:s29+$0x30] =	vst v52  }
0xc2: {  	v59 =	vadd.s32 v35, v48;
	v55 =	vand.u32 $0xFFFFFF00, v62;
	v51 =	vor.u32 v2, v51;
	[tilespmem:s29+$0x70] =	vst v56  }
0xc3: {  	v63 =	vadd.s32 v39, v48;
	v55 =	vor.u32 v6, v55;
	v52 =	vand.u32 $0xFFFFFF00, v59;
	v49 =	vld.idx.msk [tilespmem:v49+s3+$0x0], $0xffff  }
0xc4: {  	v52 =	vor.u32 v3, v52;
	v56 =	vand.u32 $0xFFFFFF00, v63;
	v53 =	vld.idx.msk [tilespmem:v53+s3+$0x0], $0xffff  }
0xc5: {  	v56 =	vor.u32 v7, v56;
	v54 =	vld.idx.msk [tilespmem:v54+s3+$0x0], $0xffff  }
0xc6: {  	v50 =	vld.idx.msk [tilespmem:v50+s3+$0x0], $0xffff  }
0xc7: {  	v51 =	vld.idx.msk [tilespmem:v51+s3+$0x0], $0xffff  }
0xc8: {  	v55 =	vld.idx.msk [tilespmem:v55+s3+$0x0], $0xffff  }
0xc9: {  	v52 =	vld.idx.msk [tilespmem:v52+s3+$0x0], $0xffff  }
0xca: {  	s30 =	sadd.s32 $0x13800, s19;
	v60 =	vadd.s32 v43, v48;
	v56 =	vld.idx.msk [tilespmem:v56+s3+$0x0], $0xffff;
	[tilespmem:s19+$0x13800] =	vst v49  }
0xcb: {  	v61 =	vadd.s32 v44, v48;
	v57 =	vadd.s32 v40, v48;
	v58 =	vadd.s32 v41, v48;
	[tilespmem:s30+$0x40] =	vst v53  }
0xcc: {  	v62 =	vadd.s32 v45, v48;
	v59 =	vadd.s32 v42, v48;
	v49 =	vand.u32 $0xFFFFFF80, v57;
	[tilespmem:s30+$0x50] =	vst v54  }
0xcd: {  	v63 =	vadd.s32 v46, v48;
	v53 =	vand.u32 $0xFFFFFF80, v61;
	[tilespmem:s30+$0x10] =	vst v50;
	v49 =	vor.u32 v0, v49  }
0xce: {  	v48 =	vadd.s32 v47, v48;
	v54 =	vand.u32 $0xFFFFFF80, v62;
	[tilespmem:s30+$0x20] =	vst v51;
	v53 =	vor.u32 v4, v53  }
0xcf: {  	v48 =	vand.u32 $0xFFFFFF80, v48;
	[tilespmem:s30+$0x60] =	vst v55;
	v54 =	vor.u32 v5, v54  }
0xd0: {  	v48 =	vor.u32 v7, v48;
	v50 =	vand.u32 $0xFFFFFF80, v58;
	[tilespmem:s30+$0x30] =	vst v52  }
0xd1: {  	v51 =	vand.u32 $0xFFFFFF80, v59;
	v50 =	vor.u32 v1, v50;
	[tilespmem:s30+$0x70] =	vst v56  }
0xd2: {  	v55 =	vand.u32 $0xFFFFFF80, v63;
	v51 =	vor.u32 v2, v51;
	v49 =	vld.idx.msk [tilespmem:v49+s3+$0x0], $0xffff  }
0xd3: {  	v55 =	vor.u32 v6, v55;
	v52 =	vand.u32 $0xFFFFFF80, v60;
	v53 =	vld.idx.msk [tilespmem:v53+s3+$0x0], $0xffff  }
0xd4: {  	v52 =	vor.u32 v3, v52;
	v54 =	vld.idx.msk [tilespmem:v54+s3+$0x0], $0xffff  }
0xd5: {  	v48 =	vld.idx.msk [tilespmem:v48+s3+$0x0], $0xffff  }
0xd6: {  	v50 =	vld.idx.msk [tilespmem:v50+s3+$0x0], $0xffff  }
0xd7: {  	v51 =	vld.idx.msk [tilespmem:v51+s3+$0x0], $0xffff  }
0xd8: {  	v55 =	vld.idx.msk [tilespmem:v55+s3+$0x0], $0xffff  }
0xd9: {  	s31 =	sadd.s32 $0x13C00, s19;
	v52 =	vld.idx.msk [tilespmem:v52+s3+$0x0], $0xffff;
	[tilespmem:s19+$0x13C00] =	vst v49  }
0xda: {  	[tilespmem:s31+$0x40] =	vst v53  }
0xdb: {  	p0 =	sne.s32 s18, $0x1F;
	[tilespmem:s31+$0x50] =	vst v54  }
.Ltmp1:
0xdc: {  	[tilespmem:s31+$0x70] =	vst v48;
	(pc) =	sbr.rel @p0 .LBB2_4-.Ltmp1, $4  }
0xdd: {  	[tilespmem:s31+$0x10] =	vst v50  }
0xde: {  	[tilespmem:s31+$0x20] =	vst v51  }
0xdf: {  	[tilespmem:s31+$0x60] =	vst v55  }
0xe0: {  	s17 =	sadd.s32 $0x80, s17;
	s18 =	sadd.s32 $0x1, s18;
	[tilespmem:s31+$0x30] =	vst v52  }
0xe1: {  	[hbm4b:s8+s3] =	stream.linear.scatter [tilespmem:s13], [sflag:$0x2], $0x6000, $0x38;
	[tilespmem:$0x18800] =	vst v63  }
0xe2: {  	s17 =	simm.s32 $0x1;
	s18 =	simm.s32 $0x40;
	s19 =	simm.s32 $0x60  }
.LBB2_6:
0xe3: {  	_ =	swait.ge [sflag:s14], $0x6000  }
0xe4: {  	s20 =	sshll.u32 s17, $0x6;
	[sflag:s14] =	ssyncset.done $0x0  }
0xe5: {  	s21 =	simm.s32 $0x0;
	s22 =	simm.s32 $0x0;
	[sflag:s14] =	ssyncadd.s32 $0xFFFFA000  }
.LBB2_7:
0xe6: {  	s23 =	sadd.s32 s22, s18  }
0xe7: {  	v48 =	vmov s23;
	_ =	sdelay $0x4  }
0xe8: {  	v48 =	vld.idx.msk [tilespmem:v48+s11+$0x0], $0xffff;
	_ =	sdelay $0x4  }
0xe9: {  	v48 =	vmul.u32 $0x300, v48;
	_ =	sdelay $0x1  }
0xea: {  	v49 =	vor.u32 v0, v48  }
0xeb: {  	v50 =	vor.u32 v1, v48  }
0xec: {  	v51 =	vor.u32 v2, v48  }
0xed: {  	v52 =	vor.u32 v3, v48  }
0xee: {  	v53 =	vor.u32 v4, v48  }
0xef: {  	v54 =	vor.u32 v5, v48;
	v49 =	vld.idx.msk [tilespmem:v49+s3+$0x0], $0xffff  }
0xf0: {  	v55 =	vor.u32 v6, v48;
	v50 =	vld.idx.msk [tilespmem:v50+s3+$0x0], $0xffff  }
0xf1: {  	s31 =	sshrl.u32 s22, $0x3;
	v56 =	vor.u32 v7, v48;
	v51 =	vld.idx.msk [tilespmem:v51+s3+$0x0], $0xffff  }
0xf2: {  	s23 =	smul.u32 $0x6000, s31;
	v52 =	vld.idx.msk [tilespmem:v52+s3+$0x0], $0xffff  }
0xf3: {  	v53 =	vld.idx.msk [tilespmem:v53+s3+$0x0], $0xffff  }
0xf4: {  	s24 =	sand.u32 $0x380, s21;
	s23 =	sshra.s32 s23, $0x2;
	v54 =	vld.idx.msk [tilespmem:v54+s3+$0x0], $0xffff  }
0xf5: {  	s23 =	sor.u32 s24, s23;
	v55 =	vld.idx.msk [tilespmem:v55+s3+$0x0], $0xffff  }
0xf6: {  	v56 =	vld.idx.msk [tilespmem:v56+s3+$0x0], $0xffff;
	[tilespmem:s23+$0xC800] =	vst v49  }
0xf7: {  	[tilespmem:s23+$0xC810] =	vst v50  }
0xf8: {  	[tilespmem:s23+$0xC820] =	vst v51  }
0xf9: {  	v58 =	vor.u32 v8, v48;
	[tilespmem:s23+$0xC830] =	vst v52  }
0xfa: {  	v59 =	vor.u32 v9, v48;
	[tilespmem:s23+$0xC840] =	vst v53  }
0xfb: {  	v60 =	vor.u32 v10, v48;
	[tilespmem:s23+$0xC850] =	vst v54  }
0xfc: {  	v61 =	vor.u32 v12, v48;
	[tilespmem:s23+$0xC860] =	vst v55  }
0xfd: {  	v62 =	vor.u32 v13, v48;
	[tilespmem:s23+$0xC870] =	vst v56  }
0xfe: {  	v63 =	vor.u32 v14, v48;
	v49 =	vld.idx.msk [tilespmem:v58+s3+$0x0], $0xffff  }
0xff: {  	v52 =	vor.u32 v11, v48;
	v50 =	vld.idx.msk [tilespmem:v59+s3+$0x0], $0xffff  }
0x100: {  	v51 =	vld.idx.msk [tilespmem:v60+s3+$0x0], $0xffff;
	v60 =	vor.u32 v15, v48  }
0x101: {  	v53 =	vld.idx.msk [tilespmem:v61+s3+$0x0], $0xffff  }
0x102: {  	v54 =	vld.idx.msk [tilespmem:v62+s3+$0x0], $0xffff  }
0x103: {  	v55 =	vld.idx.msk [tilespmem:v63+s3+$0x0], $0xffff  }
0x104: {  	v52 =	vld.idx.msk [tilespmem:v52+s3+$0x0], $0xffff  }
0x105: {  	v56 =	vld.idx.msk [tilespmem:v60+s3+$0x0], $0xffff;
	[tilespmem:s23+$0xCC00] =	vst v49  }
0x106: {  	v61 =	vadd.s32 v16, v48;
	[tilespmem:s23+$0xCC10] =	vst v50  }
0x107: {  	v62 =	vadd.s32 v17, v48;
	[tilespmem:s23+$0xCC20] =	vst v51;
	v49 =	vand.u32 $0xFFFFFF00, v61  }
0x108: {  	v63 =	vadd.s32 v18, v48;
	v50 =	vand.u32 $0xFFFFFF00, v62;
	[tilespmem:s23+$0xCC40] =	vst v53;
	v49 =	vor.u32 v0, v49  }
0x109: {  	v58 =	vadd.s32 v20, v48;
	v51 =	vand.u32 $0xFFFFFF00, v63;
	[tilespmem:s23+$0xCC50] =	vst v54;
	v50 =	vor.u32 v1, v50  }
0x10a: {  	v59 =	vadd.s32 v21, v48;
	[tilespmem:s23+$0xCC60] =	vst v55;
	v53 =	vand.u32 $0xFFFFFF00, v58;
	v51 =	vor.u32 v2, v51  }
0x10b: {  	v54 =	vand.u32 $0xFFFFFF00, v59;
	v60 =	vadd.s32 v22, v48;
	v53 =	vor.u32 v4, v53;
	[tilespmem:s23+$0xCC30] =	vst v52  }
0x10c: {  	v57 =	vadd.s32 v19, v48;
	v54 =	vor.u32 v5, v54;
	v55 =	vand.u32 $0xFFFFFF00, v60;
	[tilespmem:s23+$0xCC70] =	vst v56  }
0x10d: {  	v61 =	vadd.s32 v23, v48;
	v55 =	vor.u32 v6, v55;
	v52 =	vand.u32 $0xFFFFFF00, v57;
	v49 =	vld.idx.msk [tilespmem:v49+s3+$0x0], $0xffff  }
0x10e: {  	v52 =	vor.u32 v3, v52;
	v56 =	vand.u32 $0xFFFFFF00, v61;
	v50 =	vld.idx.msk [tilespmem:v50+s3+$0x0], $0xffff  }
0x10f: {  	v51 =	vld.idx.msk [tilespmem:v51+s3+$0x0], $0xffff;
	v56 =	vor.u32 v7, v56  }
0x110: {  	v53 =	vld.idx.msk [tilespmem:v53+s3+$0x0], $0xffff  }
0x111: {  	v54 =	vld.idx.msk [tilespmem:v54+s3+$0x0], $0xffff  }
0x112: {  	v55 =	vld.idx.msk [tilespmem:v55+s3+$0x0], $0xffff  }
0x113: {  	v52 =	vld.idx.msk [tilespmem:v52+s3+$0x0], $0xffff  }
0x114: {  	v56 =	vld.idx.msk [tilespmem:v56+s3+$0x0], $0xffff;
	[tilespmem:s23+$0xD000] =	vst v49  }
0x115: {  	v62 =	vadd.s32 v24, v48;
	[tilespmem:s23+$0xD010] =	vst v50  }
0x116: {  	v63 =	vadd.s32 v25, v48;
	[tilespmem:s23+$0xD020] =	vst v51;
	v49 =	vand.u32 $0xFFFFFF80, v62  }
0x117: {  	v57 =	vadd.s32 v26, v48;
	v50 =	vand.u32 $0xFFFFFF80, v63;
	[tilespmem:s23+$0xD040] =	vst v53;
	v49 =	vor.u32 v0, v49  }
0x118: {  	v59 =	vadd.s32 v28, v48;
	v51 =	vand.u32 $0xFFFFFF80, v57;
	[tilespmem:s23+$0xD050] =	vst v54;
	v50 =	vor.u32 v1, v50  }
0x119: {  	v60 =	vadd.s32 v29, v48;
	v53 =	vand.u32 $0xFFFFFF80, v59;
	v51 =	vor.u32 v2, v51;
	[tilespmem:s23+$0xD060] =	vst v55  }
0x11a: {  	v61 =	vadd.s32 v30, v48;
	v54 =	vand.u32 $0xFFFFFF80, v60;
	v53 =	vor.u32 v4, v53;
	[tilespmem:s23+$0xD030] =	vst v52  }
0x11b: {  	v58 =	vadd.s32 v27, v48;
	v54 =	vor.u32 v5, v54;
	v55 =	vand.u32 $0xFFFFFF80, v61;
	[tilespmem:s23+$0xD070] =	vst v56  }
0x11c: {  	v62 =	vadd.s32 v31, v48;
	v55 =	vor.u32 v6, v55;
	v52 =	vand.u32 $0xFFFFFF80, v58;
	v49 =	vld.idx.msk [tilespmem:v49+s3+$0x0], $0xffff  }
0x11d: {  	v52 =	vor.u32 v3, v52;
	v56 =	vand.u32 $0xFFFFFF80, v62;
	v50 =	vld.idx.msk [tilespmem:v50+s3+$0x0], $0xffff  }
0x11e: {  	v51 =	vld.idx.msk [tilespmem:v51+s3+$0x0], $0xffff;
	v56 =	vor.u32 v7, v56  }
0x11f: {  	v53 =	vld.idx.msk [tilespmem:v53+s3+$0x0], $0xffff  }
0x120: {  	v54 =	vld.idx.msk [tilespmem:v54+s3+$0x0], $0xffff  }
0x121: {  	v55 =	vld.idx.msk [tilespmem:v55+s3+$0x0], $0xffff  }
0x122: {  	v52 =	vld.idx.msk [tilespmem:v52+s3+$0x0], $0xffff  }
0x123: {  	v56 =	vld.idx.msk [tilespmem:v56+s3+$0x0], $0xffff;
	[tilespmem:s23+$0xD400] =	vst v49  }
0x124: {  	v63 =	vadd.s32 v32, v48;
	[tilespmem:s23+$0xD410] =	vst v50  }
0x125: {  	v57 =	vadd.s32 v33, v48;
	[tilespmem:s23+$0xD420] =	vst v51;
	v49 =	vand.u32 $0xFFFFFF00, v63  }
0x126: {  	v58 =	vadd.s32 v34, v48;
	v50 =	vand.u32 $0xFFFFFF00, v57;
	[tilespmem:s23+$0xD440] =	vst v53;
	v49 =	vor.u32 v0, v49  }
0x127: {  	v60 =	vadd.s32 v36, v48;
	v51 =	vand.u32 $0xFFFFFF00, v58;
	[tilespmem:s23+$0xD450] =	vst v54;
	v50 =	vor.u32 v1, v50  }
0x128: {  	v61 =	vadd.s32 v37, v48;
	v53 =	vand.u32 $0xFFFFFF00, v60;
	v51 =	vor.u32 v2, v51;
	[tilespmem:s23+$0xD460] =	vst v55  }
0x129: {  	v62 =	vadd.s32 v38, v48;
	v54 =	vand.u32 $0xFFFFFF00, v61;
	v53 =	vor.u32 v4, v53;
	[tilespmem:s23+$0xD430] =	vst v52  }
0x12a: {  	v59 =	vadd.s32 v35, v48;
	v54 =	vor.u32 v5, v54;
	v55 =	vand.u32 $0xFFFFFF00, v62;
	[tilespmem:s23+$0xD470] =	vst v56  }
0x12b: {  	v63 =	vadd.s32 v39, v48;
	v55 =	vor.u32 v6, v55;
	v52 =	vand.u32 $0xFFFFFF00, v59;
	v49 =	vld.idx.msk [tilespmem:v49+s3+$0x0], $0xffff  }
0x12c: {  	v52 =	vor.u32 v3, v52;
	v56 =	vand.u32 $0xFFFFFF00, v63;
	v50 =	vld.idx.msk [tilespmem:v50+s3+$0x0], $0xffff  }
0x12d: {  	v51 =	vld.idx.msk [tilespmem:v51+s3+$0x0], $0xffff;
	v56 =	vor.u32 v7, v56  }
0x12e: {  	v53 =	vld.idx.msk [tilespmem:v53+s3+$0x0], $0xffff  }
0x12f: {  	v54 =	vld.idx.msk [tilespmem:v54+s3+$0x0], $0xffff  }
0x130: {  	v55 =	vld.idx.msk [tilespmem:v55+s3+$0x0], $0xffff  }
0x131: {  	v52 =	vld.idx.msk [tilespmem:v52+s3+$0x0], $0xffff  }
0x132: {  	v56 =	vld.idx.msk [tilespmem:v56+s3+$0x0], $0xffff;
	[tilespmem:s23+$0xD800] =	vst v49  }
0x133: {  	v57 =	vadd.s32 v40, v48;
	v58 =	vadd.s32 v41, v48;
	[tilespmem:s23+$0xD810] =	vst v50  }
0x134: {  	v60 =	vadd.s32 v43, v48;
	v61 =	vadd.s32 v44, v48;
	[tilespmem:s23+$0xD820] =	vst v51;
	v49 =	vand.u32 $0xFFFFFF80, v57  }
0x135: {  	v59 =	vadd.s32 v42, v48;
	v50 =	vand.u32 $0xFFFFFF80, v58;
	[tilespmem:s23+$0xD840] =	vst v53;
	v49 =	vor.u32 v0, v49  }
0x136: {  	v62 =	vadd.s32 v45, v48;
	v51 =	vand.u32 $0xFFFFFF80, v59;
	[tilespmem:s23+$0xD850] =	vst v54;
	v50 =	vor.u32 v1, v50  }
0x137: {  	v63 =	vadd.s32 v46, v48;
	v53 =	vand.u32 $0xFFFFFF80, v61;
	v51 =	vor.u32 v2, v51;
	[tilespmem:s23+$0xD860] =	vst v55  }
0x138: {  	v48 =	vadd.s32 v47, v48;
	v54 =	vand.u32 $0xFFFFFF80, v62;
	v53 =	vor.u32 v4, v53;
	[tilespmem:s23+$0xD830] =	vst v52  }
0x139: {  	v48 =	vand.u32 $0xFFFFFF80, v48;
	v54 =	vor.u32 v5, v54;
	[tilespmem:s23+$0xD870] =	vst v56  }
0x13a: {  	v48 =	vor.u32 v7, v48;
	v55 =	vand.u32 $0xFFFFFF80, v63;
	v49 =	vld.idx.msk [tilespmem:v49+s3+$0x0], $0xffff  }
0x13b: {  	v55 =	vor.u32 v6, v55;
	v52 =	vand.u32 $0xFFFFFF80, v60;
	v50 =	vld.idx.msk [tilespmem:v50+s3+$0x0], $0xffff  }
0x13c: {  	v52 =	vor.u32 v3, v52;
	v51 =	vld.idx.msk [tilespmem:v51+s3+$0x0], $0xffff  }
0x13d: {  	v53 =	vld.idx.msk [tilespmem:v53+s3+$0x0], $0xffff  }
0x13e: {  	v54 =	vld.idx.msk [tilespmem:v54+s3+$0x0], $0xffff  }
0x13f: {  	v48 =	vld.idx.msk [tilespmem:v48+s3+$0x0], $0xffff  }
0x140: {  	v55 =	vld.idx.msk [tilespmem:v55+s3+$0x0], $0xffff  }
0x141: {  	v52 =	vld.idx.msk [tilespmem:v52+s3+$0x0], $0xffff;
	[tilespmem:s23+$0xDC00] =	vst v49  }
0x142: {  	[tilespmem:s23+$0xDC10] =	vst v50  }
0x143: {  	p0 =	sne.s32 s22, $0x1F;
	[tilespmem:s23+$0xDC20] =	vst v51  }
.Ltmp2:
0x144: {  	[tilespmem:s23+$0xDC40] =	vst v53;
	(pc) =	sbr.rel @p0 .LBB2_7-.Ltmp2, $4  }
0x145: {  	[tilespmem:s23+$0xDC50] =	vst v54  }
0x146: {  	[tilespmem:s23+$0xDC70] =	vst v48  }
0x147: {  	[tilespmem:s23+$0xDC60] =	vst v55  }
0x148: {  	s21 =	sadd.s32 $0x80, s21;
	s22 =	sadd.s32 $0x1, s22;
	[tilespmem:s23+$0xDC30] =	vst v52  }
0x149: {  	s21 =	sadd.s32 s4, s20  }
0x14a: {  	s21 =	sshrl.u32 s21, $0x3  }
0x14b: {  	s21 =	smul.u32 $0x300, s21;
	_ =	sdelay $0x1  }
0x14c: {  	s22 =	sadd.s32 s2, s21;
	s21 =	simm.s32 $0x0  }
0x14d: {  	[hbm4b:s22+s21] =	stream.linear.scatter [tilespmem:s12], [sflag:$0x1], $0x6000, $0x38;
	[tilespmem:$0x18800] =	vst v63  }
0x14e: {  	_ =	swait.ge [sflag:s15], $0x6000  }
0x14f: {  	[sflag:s15] =	ssyncset.done $0x0  }
0x150: {  	s20 =	sor.u32 $0x20, s20;
	s22 =	simm.s32 $0x0;
	[sflag:s15] =	ssyncadd.s32 $0xFFFFA000  }
.LBB2_9:
0x151: {  	s23 =	sadd.s32 s22, s19  }
0x152: {  	v48 =	vmov s23;
	_ =	sdelay $0x4  }
0x153: {  	v48 =	vld.idx.msk [tilespmem:v48+s11+$0x0], $0xffff;
	_ =	sdelay $0x4  }
0x154: {  	v48 =	vmul.u32 $0x300, v48;
	_ =	sdelay $0x1  }
0x155: {  	v49 =	vor.u32 v0, v48  }
0x156: {  	v50 =	vor.u32 v1, v48  }
0x157: {  	v51 =	vor.u32 v2, v48  }
0x158: {  	v53 =	vor.u32 v4, v48  }
0x159: {  	v54 =	vor.u32 v5, v48  }
0x15a: {  	v55 =	vor.u32 v6, v48;
	v49 =	vld.idx.msk [tilespmem:v49+s3+$0x0], $0xffff  }
0x15b: {  	v56 =	vor.u32 v7, v48;
	v50 =	vld.idx.msk [tilespmem:v50+s3+$0x0], $0xffff  }
0x15c: {  	s26 =	sshrl.u32 s22, $0x3;
	v52 =	vor.u32 v3, v48;
	v51 =	vld.idx.msk [tilespmem:v51+s3+$0x0], $0xffff  }
0x15d: {  	s23 =	smul.u32 $0x6000, s26;
	v53 =	vld.idx.msk [tilespmem:v53+s3+$0x0], $0xffff  }
0x15e: {  	v54 =	vld.idx.msk [tilespmem:v54+s3+$0x0], $0xffff  }
0x15f: {  	s24 =	sand.u32 $0x380, s21;
	s23 =	sshra.s32 s23, $0x2;
	v55 =	vld.idx.msk [tilespmem:v55+s3+$0x0], $0xffff  }
0x160: {  	s23 =	sor.u32 s24, s23;
	v56 =	vld.idx.msk [tilespmem:v56+s3+$0x0], $0xffff  }
0x161: {  	s24 =	sadd.s32 $0x12800, s23;
	v52 =	vld.idx.msk [tilespmem:v52+s3+$0x0], $0xffff;
	[tilespmem:s23+$0x12800] =	vst v49  }
0x162: {  	[tilespmem:s24+$0x40] =	vst v53  }
0x163: {  	[tilespmem:s24+$0x50] =	vst v54  }
0x164: {  	v58 =	vor.u32 v8, v48;
	[tilespmem:s24+$0x60] =	vst v55  }
0x165: {  	v59 =	vor.u32 v9, v48;
	[tilespmem:s24+$0x70] =	vst v56  }
0x166: {  	v60 =	vor.u32 v10, v48;
	[tilespmem:s24+$0x10] =	vst v50  }
0x167: {  	v61 =	vor.u32 v12, v48;
	[tilespmem:s24+$0x20] =	vst v51  }
0x168: {  	v62 =	vor.u32 v13, v48;
	[tilespmem:s24+$0x30] =	vst v52  }
0x169: {  	v63 =	vor.u32 v14, v48;
	v49 =	vld.idx.msk [tilespmem:v58+s3+$0x0], $0xffff  }
0x16a: {  	v52 =	vor.u32 v11, v48;
	v50 =	vld.idx.msk [tilespmem:v59+s3+$0x0], $0xffff  }
0x16b: {  	v51 =	vld.idx.msk [tilespmem:v60+s3+$0x0], $0xffff;
	v60 =	vor.u32 v15, v48  }
0x16c: {  	v53 =	vld.idx.msk [tilespmem:v61+s3+$0x0], $0xffff  }
0x16d: {  	v54 =	vld.idx.msk [tilespmem:v62+s3+$0x0], $0xffff  }
0x16e: {  	v55 =	vld.idx.msk [tilespmem:v63+s3+$0x0], $0xffff  }
0x16f: {  	v52 =	vld.idx.msk [tilespmem:v52+s3+$0x0], $0xffff  }
0x170: {  	v56 =	vld.idx.msk [tilespmem:v60+s3+$0x0], $0xffff;
	[tilespmem:s24+$0x400] =	vst v49  }
0x171: {  	v61 =	vadd.s32 v16, v48;
	[tilespmem:s24+$0x410] =	vst v50  }
0x172: {  	v62 =	vadd.s32 v17, v48;
	[tilespmem:s24+$0x420] =	vst v51;
	v49 =	vand.u32 $0xFFFFFF00, v61  }
0x173: {  	v63 =	vadd.s32 v18, v48;
	v50 =	vand.u32 $0xFFFFFF00, v62;
	[tilespmem:s24+$0x440] =	vst v53;
	v49 =	vor.u32 v0, v49  }
0x174: {  	v58 =	vadd.s32 v20, v48;
	v51 =	vand.u32 $0xFFFFFF00, v63;
	[tilespmem:s24+$0x450] =	vst v54;
	v50 =	vor.u32 v1, v50  }
0x175: {  	v59 =	vadd.s32 v21, v48;
	[tilespmem:s24+$0x460] =	vst v55;
	v53 =	vand.u32 $0xFFFFFF00, v58;
	v51 =	vor.u32 v2, v51  }
0x176: {  	v54 =	vand.u32 $0xFFFFFF00, v59;
	v60 =	vadd.s32 v22, v48;
	v53 =	vor.u32 v4, v53;
	[tilespmem:s24+$0x430] =	vst v52  }
0x177: {  	v57 =	vadd.s32 v19, v48;
	v54 =	vor.u32 v5, v54;
	v55 =	vand.u32 $0xFFFFFF00, v60;
	[tilespmem:s24+$0x470] =	vst v56  }
0x178: {  	v61 =	vadd.s32 v23, v48;
	v55 =	vor.u32 v6, v55;
	v52 =	vand.u32 $0xFFFFFF00, v57;
	v49 =	vld.idx.msk [tilespmem:v49+s3+$0x0], $0xffff  }
0x179: {  	v52 =	vor.u32 v3, v52;
	v56 =	vand.u32 $0xFFFFFF00, v61;
	v50 =	vld.idx.msk [tilespmem:v50+s3+$0x0], $0xffff  }
0x17a: {  	v51 =	vld.idx.msk [tilespmem:v51+s3+$0x0], $0xffff;
	v56 =	vor.u32 v7, v56  }
0x17b: {  	v53 =	vld.idx.msk [tilespmem:v53+s3+$0x0], $0xffff  }
0x17c: {  	v54 =	vld.idx.msk [tilespmem:v54+s3+$0x0], $0xffff  }
0x17d: {  	v55 =	vld.idx.msk [tilespmem:v55+s3+$0x0], $0xffff  }
0x17e: {  	v52 =	vld.idx.msk [tilespmem:v52+s3+$0x0], $0xffff  }
0x17f: {  	s28 =	sadd.s32 $0x13000, s23;
	v56 =	vld.idx.msk [tilespmem:v56+s3+$0x0], $0xffff;
	[tilespmem:s23+$0x13000] =	vst v49  }
0x180: {  	v62 =	vadd.s32 v24, v48;
	[tilespmem:s28+$0x40] =	vst v53  }
0x181: {  	v59 =	vadd.s32 v28, v48;
	v49 =	vand.u32 $0xFFFFFF80, v62;
	[tilespmem:s28+$0x50] =	vst v54  }
0x182: {  	v60 =	vadd.s32 v29, v48;
	v53 =	vand.u32 $0xFFFFFF80, v59;
	[tilespmem:s28+$0x10] =	vst v50;
	v49 =	vor.u32 v0, v49  }
0x183: {  	v63 =	vadd.s32 v25, v48;
	v54 =	vand.u32 $0xFFFFFF80, v60;
	[tilespmem:s28+$0x20] =	vst v51;
	v53 =	vor.u32 v4, v53  }
0x184: {  	v57 =	vadd.s32 v26, v48;
	v50 =	vand.u32 $0xFFFFFF80, v63;
	[tilespmem:s28+$0x60] =	vst v55;
	v54 =	vor.u32 v5, v54  }
0x185: {  	v61 =	vadd.s32 v30, v48;
	v51 =	vand.u32 $0xFFFFFF80, v57;
	v50 =	vor.u32 v1, v50;
	[tilespmem:s28+$0x30] =	vst v52  }
0x186: {  	v58 =	vadd.s32 v27, v48;
	v55 =	vand.u32 $0xFFFFFF80, v61;
	v51 =	vor.u32 v2, v51;
	[tilespmem:s28+$0x70] =	vst v56  }
0x187: {  	v62 =	vadd.s32 v31, v48;
	v55 =	vor.u32 v6, v55;
	v52 =	vand.u32 $0xFFFFFF80, v58;
	v49 =	vld.idx.msk [tilespmem:v49+s3+$0x0], $0xffff  }
0x188: {  	v52 =	vor.u32 v3, v52;
	v56 =	vand.u32 $0xFFFFFF80, v62;
	v53 =	vld.idx.msk [tilespmem:v53+s3+$0x0], $0xffff  }
0x189: {  	v56 =	vor.u32 v7, v56;
	v54 =	vld.idx.msk [tilespmem:v54+s3+$0x0], $0xffff  }
0x18a: {  	v50 =	vld.idx.msk [tilespmem:v50+s3+$0x0], $0xffff  }
0x18b: {  	v51 =	vld.idx.msk [tilespmem:v51+s3+$0x0], $0xffff  }
0x18c: {  	v55 =	vld.idx.msk [tilespmem:v55+s3+$0x0], $0xffff  }
0x18d: {  	v52 =	vld.idx.msk [tilespmem:v52+s3+$0x0], $0xffff  }
0x18e: {  	s29 =	sadd.s32 $0x13400, s23;
	v56 =	vld.idx.msk [tilespmem:v56+s3+$0x0], $0xffff;
	[tilespmem:s23+$0x13400] =	vst v49  }
0x18f: {  	v63 =	vadd.s32 v32, v48;
	[tilespmem:s29+$0x40] =	vst v53  }
0x190: {  	v60 =	vadd.s32 v36, v48;
	v49 =	vand.u32 $0xFFFFFF00, v63;
	[tilespmem:s29+$0x50] =	vst v54  }
0x191: {  	v61 =	vadd.s32 v37, v48;
	v53 =	vand.u32 $0xFFFFFF00, v60;
	[tilespmem:s29+$0x10] =	vst v50;
	v49 =	vor.u32 v0, v49  }
0x192: {  	v57 =	vadd.s32 v33, v48;
	v54 =	vand.u32 $0xFFFFFF00, v61;
	[tilespmem:s29+$0x20] =	vst v51;
	v53 =	vor.u32 v4, v53  }
0x193: {  	v58 =	vadd.s32 v34, v48;
	v50 =	vand.u32 $0xFFFFFF00, v57;
	[tilespmem:s29+$0x60] =	vst v55;
	v54 =	vor.u32 v5, v54  }
0x194: {  	v62 =	vadd.s32 v38, v48;
	v51 =	vand.u32 $0xFFFFFF00, v58;
	v50 =	vor.u32 v1, v50;
	[tilespmem:s29+$0x30] =	vst v52  }
0x195: {  	v59 =	vadd.s32 v35, v48;
	v55 =	vand.u32 $0xFFFFFF00, v62;
	v51 =	vor.u32 v2, v51;
	[tilespmem:s29+$0x70] =	vst v56  }
0x196: {  	v63 =	vadd.s32 v39, v48;
	v55 =	vor.u32 v6, v55;
	v52 =	vand.u32 $0xFFFFFF00, v59;
	v49 =	vld.idx.msk [tilespmem:v49+s3+$0x0], $0xffff  }
0x197: {  	v52 =	vor.u32 v3, v52;
	v56 =	vand.u32 $0xFFFFFF00, v63;
	v53 =	vld.idx.msk [tilespmem:v53+s3+$0x0], $0xffff  }
0x198: {  	v56 =	vor.u32 v7, v56;
	v54 =	vld.idx.msk [tilespmem:v54+s3+$0x0], $0xffff  }
0x199: {  	v50 =	vld.idx.msk [tilespmem:v50+s3+$0x0], $0xffff  }
0x19a: {  	v51 =	vld.idx.msk [tilespmem:v51+s3+$0x0], $0xffff  }
0x19b: {  	v55 =	vld.idx.msk [tilespmem:v55+s3+$0x0], $0xffff  }
0x19c: {  	v52 =	vld.idx.msk [tilespmem:v52+s3+$0x0], $0xffff  }
0x19d: {  	s30 =	sadd.s32 $0x13800, s23;
	v60 =	vadd.s32 v43, v48;
	v56 =	vld.idx.msk [tilespmem:v56+s3+$0x0], $0xffff;
	[tilespmem:s23+$0x13800] =	vst v49  }
0x19e: {  	v61 =	vadd.s32 v44, v48;
	v57 =	vadd.s32 v40, v48;
	v58 =	vadd.s32 v41, v48;
	[tilespmem:s30+$0x40] =	vst v53  }
0x19f: {  	v62 =	vadd.s32 v45, v48;
	v59 =	vadd.s32 v42, v48;
	v49 =	vand.u32 $0xFFFFFF80, v57;
	[tilespmem:s30+$0x50] =	vst v54  }
0x1a0: {  	v63 =	vadd.s32 v46, v48;
	v53 =	vand.u32 $0xFFFFFF80, v61;
	[tilespmem:s30+$0x10] =	vst v50;
	v49 =	vor.u32 v0, v49  }
0x1a1: {  	v48 =	vadd.s32 v47, v48;
	v54 =	vand.u32 $0xFFFFFF80, v62;
	[tilespmem:s30+$0x20] =	vst v51;
	v53 =	vor.u32 v4, v53  }
0x1a2: {  	v48 =	vand.u32 $0xFFFFFF80, v48;
	[tilespmem:s30+$0x60] =	vst v55;
	v54 =	vor.u32 v5, v54  }
0x1a3: {  	v48 =	vor.u32 v7, v48;
	v50 =	vand.u32 $0xFFFFFF80, v58;
	[tilespmem:s30+$0x30] =	vst v52  }
0x1a4: {  	v51 =	vand.u32 $0xFFFFFF80, v59;
	v50 =	vor.u32 v1, v50;
	[tilespmem:s30+$0x70] =	vst v56  }
0x1a5: {  	v55 =	vand.u32 $0xFFFFFF80, v63;
	v51 =	vor.u32 v2, v51;
	v49 =	vld.idx.msk [tilespmem:v49+s3+$0x0], $0xffff  }
0x1a6: {  	v55 =	vor.u32 v6, v55;
	v52 =	vand.u32 $0xFFFFFF80, v60;
	v53 =	vld.idx.msk [tilespmem:v53+s3+$0x0], $0xffff  }
0x1a7: {  	v52 =	vor.u32 v3, v52;
	v54 =	vld.idx.msk [tilespmem:v54+s3+$0x0], $0xffff  }
0x1a8: {  	v48 =	vld.idx.msk [tilespmem:v48+s3+$0x0], $0xffff  }
0x1a9: {  	v50 =	vld.idx.msk [tilespmem:v50+s3+$0x0], $0xffff  }
0x1aa: {  	v51 =	vld.idx.msk [tilespmem:v51+s3+$0x0], $0xffff  }
0x1ab: {  	v55 =	vld.idx.msk [tilespmem:v55+s3+$0x0], $0xffff  }
0x1ac: {  	s31 =	sadd.s32 $0x13C00, s23;
	v52 =	vld.idx.msk [tilespmem:v52+s3+$0x0], $0xffff;
	[tilespmem:s23+$0x13C00] =	vst v49  }
0x1ad: {  	[tilespmem:s31+$0x40] =	vst v53  }
0x1ae: {  	p0 =	sne.s32 s22, $0x1F;
	[tilespmem:s31+$0x50] =	vst v54  }
.Ltmp3:
0x1af: {  	[tilespmem:s31+$0x70] =	vst v48;
	(pc) =	sbr.rel @p0 .LBB2_9-.Ltmp3, $4  }
0x1b0: {  	[tilespmem:s31+$0x10] =	vst v50  }
0x1b1: {  	[tilespmem:s31+$0x20] =	vst v51  }
0x1b2: {  	[tilespmem:s31+$0x60] =	vst v55  }
0x1b3: {  	s21 =	sadd.s32 $0x80, s21;
	s22 =	sadd.s32 $0x1, s22;
	[tilespmem:s31+$0x30] =	vst v52  }
0x1b4: {  	s17 =	sadd.s32 $0x1, s17  }
0x1b5: {  	s20 =	sadd.s32 s4, s20;
	p0 =	sne.s32 s17, $0x20  }
.Ltmp4:
0x1b6: {  	s20 =	sshrl.u32 s20, $0x3;
	(pc) =	sbr.rel @p0 .LBB2_6-.Ltmp4, $3  }
0x1b7: {  	s20 =	smul.u32 $0x300, s20;
	_ =	sdelay $0x1  }
0x1b8: {  	s18 =	sadd.s32 $0x40, s18;
	s19 =	sadd.s32 $0x40, s19;
	s20 =	sadd.s32 s2, s20  }
0x1b9: {  	[hbm4b:s20+s3] =	stream.linear.scatter [tilespmem:s13], [sflag:$0x2], $0x6000, $0x38;
	[tilespmem:$0x18800] =	vst v63  }
0x1ba: {  	s16 =	sadd.s32 $0x1, s16  }
0x1bb: {  	_ =	swait.ge [sflag:s14], $0x6000;
	p0 =	sne.s32 s16, s9  }
.Ltmp5:
0x1bc: {  	[sflag:s14] =	ssyncset.done $0x0;
	(pc) =	sbr.rel @p0 .LBB2_1-.Ltmp5, $4  }
0x1bd: {  	[sflag:s14] =	ssyncadd.s32 $0xFFFFA000  }
0x1be: {  	_ =	swait.ge [sflag:s15], $0x6000  }
0x1bf: {  	[sflag:s15] =	ssyncset.done $0x0  }
0x1c0: {  	[sflag:s15] =	ssyncadd.s32 $0xFFFFA000  }
0x1c1: {  	_ =	sfence.sel $0x180000  }
0x1c2: {  	[bflag:$0x0] =	sbarrier.arrive $0xFFFF  }
0x1c3: {  	p0 =	sne.s32 s0, $0x0;
	_ =	strace $0x90000047  }
0x1c4: {  	s0 =	sadd.s32 @!p0 $0x100000, s1;
	[bflag:$0x2] =	sbarrier.arrive $0xFFFF  }
0x1c5: {  	[sflag:s0] =	ssyncadd.tile.s32 @!p0 $0x1;
	_ =	shalt  }
.Lfunc_end2:
_tile_overlayer_lowered:
.L_overlay_start_2:
0x1c6: {  	(tag) =	ssettag $0x2  }
0x1c7: {  	s0 =	rddreg [dreg:$0x0];
	s2 =	stileid.u32  }
0x1c8: {  	s1 =	rddreg [dreg:$0x1];
	p0 =	sne.s32 s2, $0x0  }
0x1c9: {  	s3 =	rddreg [dreg:$0x2];
	[bflag:$0x3] =	sbarrier.arrive $0xFFFF;
	s2 =	simm.s32 @!p0 $0x1C03  }
0x1ca: {  	[timem:s3], [sflag:s2] =	dma.local @!p0 [hbm:s0], s1  }
0x1cb: {  	s0 =	simm.s32 @!p0 $0x3  }
0x1cc: {  	_ =	swait.ge @!p0 [sflag:s0], s1  }
0x1cd: {  	s1 =	ssub.s32 @!p0 $0x0, s1;
	[sflag:s0] =	ssyncset.done @!p0 $0x0  }
0x1ce: {  	[sflag:s0] =	ssyncadd.s32 @!p0 s1  }
0x1cf: {  	[bflag:$0x3] =	sbarrier.arrive $0xFFFF  }
0x1d0: {  	_ =	shalt  }

</sc_bundles>
